<compile_context>
chip_gen: v7x
topology: tpu7x:2x2x1
jax: 0.10.2.dev20260603
libtpu: 0.0.44.dev20260713+nightly
codegen_flags: <defaults>
</compile_context>

<pallas_src>
import functools

import jax
import jax.numpy as jnp
from jax import lax
from jax.experimental import pallas as pl
from jax.experimental.pallas import tpu as pltpu
from jax.experimental.pallas import tpu_sc as plsc

B, D, K = 16384, 1024, 128
NC, NS, L = 2, 16, 16
NW = NC * NS
ROWS_W = B // NW
R = 16
NCH = ROWS_W // R
NBUF = 3


def _row_compute(cb, db, idx_ref, r):
    rsplat = jnp.full((L,), r, jnp.int32)
    cs, ds = [], []
    for j in range(K // L):
        ij = idx_ref[pl.ds(j * L, L)]
        cs.append(plsc.load_gather(cb, [rsplat, ij]))
        ds.append(plsc.load_gather(db, [rsplat, ij]))
    tgt0 = lax.iota(jnp.int32, L)
    for j in range(K // L):
        lo = jnp.maximum(cs[j] - ds[j], 0.0)
        hi = jnp.maximum(cs[j] + ds[j], 0.0)
        tj = tgt0 + (j * L)
        plsc.store_scatter(cb, [rsplat, tj], (lo + hi) * 0.5)
        plsc.store_scatter(db, [rsplat, tj], (hi - lo) * 0.5)


def _sc_body(c_hbm, d_hbm, idx_hbm, out_hbm, idx_v, cbuf, dbuf, in_sem, out_sem):
    wid = lax.axis_index("s") * NC + lax.axis_index("c")
    base = wid * ROWS_W
    pltpu.sync_copy(idx_hbm, idx_v)

    def in_copies(g, b):
        row0 = base + g * R
        return (
            pltpu.make_async_copy(c_hbm.at[pl.ds(row0, R)], cbuf.at[b], in_sem),
            pltpu.make_async_copy(d_hbm.at[pl.ds(row0, R)], dbuf.at[b], in_sem),
        )

    def out_copies(g, b):
        row0 = base + g * R
        return (
            pltpu.make_async_copy(cbuf.at[b], out_hbm.at[0].at[pl.ds(row0, R)], out_sem),
            pltpu.make_async_copy(dbuf.at[b], out_hbm.at[1].at[pl.ds(row0, R)], out_sem),
        )

    for bb in range(NBUF):
        for copy in in_copies(bb, bb):
            copy.start()

    def chunk(g, b, b_next):
        @pl.when(g < NCH)
        def _():
            @pl.when((g + 1 >= NBUF) & (g + 1 < NCH))
            def _():
                for copy in out_copies(g + 1 - NBUF, b_next):
                    copy.wait()
                for copy in in_copies(g + 1, b_next):
                    copy.start()

            for copy in in_copies(g, b):
                copy.wait()

            def row_body(r, carry):
                _row_compute(cbuf.at[b], dbuf.at[b], idx_v, r)
                return carry

            lax.fori_loop(0, R, row_body, 0)
            for copy in out_copies(g, b):
                copy.start()

    def outer(g0, carry):
        for bb in range(NBUF):
            chunk(g0 + bb, bb, (bb + 1) % NBUF)
        return carry

    n_outer = (NCH + NBUF - 1) // NBUF
    lax.fori_loop(0, n_outer, lambda i, cr: outer(i * NBUF, cr), 0)
    for g in range(NCH - NBUF, NCH):
        for copy in out_copies(g, g % NBUF):
            copy.wait()


@jax.jit
def kernel(c, delta, arg_idx, target_idx):
    del target_idx
    sc_fn = functools.partial(
        pl.kernel,
        out_type=jax.ShapeDtypeStruct((2, B, D), jnp.float32),
        mesh=plsc.VectorSubcoreMesh(core_axis_name="c", subcore_axis_name="s"),
        scratch_types=[
            pltpu.VMEM((K,), jnp.int32),
            pltpu.VMEM((NBUF, R, D), jnp.float32),
            pltpu.VMEM((NBUF, R, D), jnp.float32),
            pltpu.SemaphoreType.DMA,
            pltpu.SemaphoreType.DMA,
        ],
        compiler_params=pltpu.CompilerParams(use_tc_tiling_on_sc=True, needs_layout_passes=False),
    )(_sc_body)
    return sc_fn(c, delta, arg_idx)

# --- scband reference (transcript-rebuilt; emitter-appended) ---
"""Pipeline reference for scband-assign-37263136260524 (READ-ONLY COPY).

The authoritative reference and input builder live on the scoring server;
editing this copy changes nothing except your own understanding.
"""

import jax, jax.numpy as jnp
import numpy as np

B, D, K = 16384, 1024, 128

def setup_inputs(seed: int = 0) -> dict:
    key = jax.random.key(seed)
    k1, k2, k3 = jax.random.split(key, 3)
    c = jax.random.normal(k1, (B, D), dtype=jnp.float32)
    delta = jax.random.uniform(k2, (B, D), dtype=jnp.float32)
    arg_idx = jax.random.randint(k3, (K,), 0, D, dtype=jnp.int32)
    target_idx = jnp.arange(K, dtype=jnp.int32)
    return {"c": c, "delta": delta, "arg_idx": arg_idx, "target_idx": target_idx}

def _box_relu(c_sel, d_sel):
    # interval-domain ReLU transfer function on (center, radius)
    lo = c_sel - d_sel
    hi = c_sel + d_sel
    lo_r = jnp.maximum(lo, 0.0)
    hi_r = jnp.maximum(hi, 0.0)
    return (lo_r + hi_r) * 0.5, (hi_r - lo_r) * 0.5

def reference(c, delta, arg_idx, target_idx):
    # x.select_from_index(1, arg_idx): gather columns along dim 1
    c_sel = jnp.take(c, arg_idx, axis=1)
    d_sel = jnp.take(delta, arg_idx, axis=1)
    res_c, res_d = _box_relu(c_sel, d_sel)
    # x.c[:, target_idx] = res.c ; x.delta[:, target_idx] = res.delta (scatter-overwrite)
    c_new = c.at[:, target_idx].set(res_c)
    delta_new = delta.at[:, target_idx].set(res_d)
    return jnp.stack([c_new, delta_new])

if __name__ == "__main__":
    import jax
    _d = setup_inputs()
    print(jax.jit(kernel)(*tuple(_d.values())))

</pallas_src>

<mosaic_0001>
#map = affine_map<(d0, d1) -> (0, 0)>
#map1 = affine_map<(d0, d1) -> (0)>
#map2 = affine_map<(d0, d1) -> (0, 0, 0)>
module attributes {stable_mosaic.version = 14 : i64} {
  func.func @_sc_body(%arg0: i32, %arg1: i32, %arg2: memref<16384x1024xf32, #tpu.memory_space<hbm>>, %arg3: memref<16384x1024xf32, #tpu.memory_space<hbm>>, %arg4: memref<128xi32, #tpu.memory_space<hbm>>, %arg5: memref<2x16384x1024xf32, #tpu.memory_space<hbm>>, %arg6: memref<128xi32, #tpu.memory_space<vmem>>, %arg7: memref<3x16x1024xf32, #tpu.memory_space<vmem>>, %arg8: memref<3x16x1024xf32, #tpu.memory_space<vmem>>, %arg9: memref<!tpu.dma_semaphore, #tpu.memory_space<semaphore_mem>>, %arg10: memref<!tpu.dma_semaphore, #tpu.memory_space<semaphore_mem>>) attributes {dimension_semantics = [#tpu.dimension_semantics<core_parallel>, #tpu.dimension_semantics<subcore_parallel>], iteration_bounds = array<i64: 2, 16>, scalar_prefetch = 0 : i64, scratch_operands = 5 : i64, tpu.core_type = #tpu.core_type<sc_vector_subcore>, window_params = [{transform_indices = #map}, {transform_indices = #map}, {transform_indices = #map1}, {transform_indices = #map2}]} {
    %mul3A = arith.constant 2 : i32
    %mul3A_0 = arith.muli %arg1, %mul3A : i32
    %add3A = arith.addi %mul3A_0, %arg0 : i32
    %mul3A_1 = arith.constant 512 : i32
    %mul3A_2 = arith.muli %add3A, %mul3A_1 : i32
    "tpu.region"() ({
      %run_scoped3A = tpu.sem_alloc : memref<!tpu.dma_semaphore, #tpu.memory_space<semaphore_mem>>
      tpu.enqueue_dma source(%arg4 : memref<128xi32, #tpu.memory_space<hbm>>) target(%arg6 : memref<128xi32, #tpu.memory_space<vmem>>) target_semaphore(%run_scoped3A : memref<!tpu.dma_semaphore, #tpu.memory_space<semaphore_mem>>)
      tpu.wait_dma2 semaphore(%run_scoped3A : memref<!tpu.dma_semaphore, #tpu.memory_space<semaphore_mem>>) src(%arg4 : memref<128xi32, #tpu.memory_space<hbm>>) dst(%arg6 : memref<128xi32, #tpu.memory_space<vmem>>)
      tpu.yield
    }) : () -> ()
    %add3A_3 = arith.constant 0 : i32
    %add3A_4 = arith.addi %mul3A_2, %add3A_3 : i32
    %dma_start3A = arith.constant 0 : i32
    %dma_start3A_5 = arith.constant 0 : i32
    %dma_start3A_6 = arith.constant 0 : i32
    %dma_start3A_7 = tpu.memref_slice %arg7[%dma_start3A, %dma_start3A_5, %dma_start3A_6] : memref<3x16x1024xf32, #tpu.memory_space<vmem>> -> memref<1x16x1024xf32, #tpu.memory_space<vmem>>
    %dma_start3A_8 = tpu.memref_squeeze %dma_start3A_7 : memref<1x16x1024xf32, #tpu.memory_space<vmem>> -> memref<16x1024xf32, #tpu.memory_space<vmem>>
    %dma_start3A_9 = arith.constant 0 : i32
    %dma_start3A_10 = tpu.memref_slice %arg2[%add3A_4, %dma_start3A_9] : memref<16384x1024xf32, #tpu.memory_space<hbm>> -> memref<16x1024xf32, #tpu.memory_space<hbm>>
    %dma_start3A_11 = arith.constant 0 : i32
    %dma_start3A_12 = arith.constant 0 : i32
    %dma_start3A_13 = tpu.memref_slice %arg7[%dma_start3A, %dma_start3A_11, %dma_start3A_12] : memref<3x16x1024xf32, #tpu.memory_space<vmem>> -> memref<1x16x1024xf32, #tpu.memory_space<vmem>>
    %dma_start3A_14 = tpu.memref_squeeze %dma_start3A_13 : memref<1x16x1024xf32, #tpu.memory_space<vmem>> -> memref<16x1024xf32, #tpu.memory_space<vmem>>
    %dma_start3A_15 = arith.constant 0 : i32
    %dma_start3A_16 = tpu.memref_slice %arg2[%add3A_4, %dma_start3A_15] : memref<16384x1024xf32, #tpu.memory_space<hbm>> -> memref<16x1024xf32, #tpu.memory_space<hbm>>
    tpu.enqueue_dma source(%dma_start3A_16 : memref<16x1024xf32, #tpu.memory_space<hbm>>) target(%dma_start3A_14 : memref<16x1024xf32, #tpu.memory_space<vmem>>) target_semaphore(%arg9 : memref<!tpu.dma_semaphore, #tpu.memory_space<semaphore_mem>>)
    %dma_start3A_17 = arith.constant 0 : i32
    %dma_start3A_18 = arith.constant 0 : i32
    %dma_start3A_19 = arith.constant 0 : i32
    %dma_start3A_20 = tpu.memref_slice %arg8[%dma_start3A_17, %dma_start3A_18, %dma_start3A_19] : memref<3x16x1024xf32, #tpu.memory_space<vmem>> -> memref<1x16x1024xf32, #tpu.memory_space<vmem>>
    %dma_start3A_21 = tpu.memref_squeeze %dma_start3A_20 : memref<1x16x1024xf32, #tpu.memory_space<vmem>> -> memref<16x1024xf32, #tpu.memory_space<vmem>>
    %dma_start3A_22 = arith.constant 0 : i32
    %dma_start3A_23 = tpu.memref_slice %arg3[%add3A_4, %dma_start3A_22] : memref<16384x1024xf32, #tpu.memory_space<hbm>> -> memref<16x1024xf32, #tpu.memory_space<hbm>>
    %dma_start3A_24 = arith.constant 0 : i32
    %dma_start3A_25 = arith.constant 0 : i32
    %dma_start3A_26 = tpu.memref_slice %arg8[%dma_start3A_17, %dma_start3A_24, %dma_start3A_25] : memref<3x16x1024xf32, #tpu.memory_space<vmem>> -> memref<1x16x1024xf32, #tpu.memory_space<vmem>>
    %dma_start3A_27 = tpu.memref_squeeze %dma_start3A_26 : memref<1x16x1024xf32, #tpu.memory_space<vmem>> -> memref<16x1024xf32, #tpu.memory_space<vmem>>
    %dma_start3A_28 = arith.constant 0 : i32
    %dma_start3A_29 = tpu.memref_slice %arg3[%add3A_4, %dma_start3A_28] : memref<16384x1024xf32, #tpu.memory_space<hbm>> -> memref<16x1024xf32, #tpu.memory_space<hbm>>
    tpu.enqueue_dma source(%dma_start3A_29 : memref<16x1024xf32, #tpu.memory_space<hbm>>) target(%dma_start3A_27 : memref<16x1024xf32, #tpu.memory_space<vmem>>) target_semaphore(%arg9 : memref<!tpu.dma_semaphore, #tpu.memory_space<semaphore_mem>>)
    %add3A_30 = arith.constant 16 : i32
    %add3A_31 = arith.addi %mul3A_2, %add3A_30 : i32
    %dma_start3A_32 = arith.constant 1 : i32
    %dma_start3A_33 = arith.constant 0 : i32
    %dma_start3A_34 = arith.constant 0 : i32
    %dma_start3A_35 = tpu.memref_slice %arg7[%dma_start3A_32, %dma_start3A_33, %dma_start3A_34] : memref<3x16x1024xf32, #tpu.memory_space<vmem>> -> memref<1x16x1024xf32, #tpu.memory_space<vmem>>
    %dma_start3A_36 = tpu.memref_squeeze %dma_start3A_35 : memref<1x16x1024xf32, #tpu.memory_space<vmem>> -> memref<16x1024xf32, #tpu.memory_space<vmem>>
    %dma_start3A_37 = arith.constant 0 : i32
    %dma_start3A_38 = tpu.memref_slice %arg2[%add3A_31, %dma_start3A_37] : memref<16384x1024xf32, #tpu.memory_space<hbm>> -> memref<16x1024xf32, #tpu.memory_space<hbm>>
    %dma_start3A_39 = arith.constant 0 : i32
    %dma_start3A_40 = arith.constant 0 : i32
    %dma_start3A_41 = tpu.memref_slice %arg7[%dma_start3A_32, %dma_start3A_39, %dma_start3A_40] : memref<3x16x1024xf32, #tpu.memory_space<vmem>> -> memref<1x16x1024xf32, #tpu.memory_space<vmem>>
    %dma_start3A_42 = tpu.memref_squeeze %dma_start3A_41 : memref<1x16x1024xf32, #tpu.memory_space<vmem>> -> memref<16x1024xf32, #tpu.memory_space<vmem>>
    %dma_start3A_43 = arith.constant 0 : i32
    %dma_start3A_44 = tpu.memref_slice %arg2[%add3A_31, %dma_start3A_43] : memref<16384x1024xf32, #tpu.memory_space<hbm>> -> memref<16x1024xf32, #tpu.memory_space<hbm>>
    tpu.enqueue_dma source(%dma_start3A_44 : memref<16x1024xf32, #tpu.memory_space<hbm>>) target(%dma_start3A_42 : memref<16x1024xf32, #tpu.memory_space<vmem>>) target_semaphore(%arg9 : memref<!tpu.dma_semaphore, #tpu.memory_space<semaphore_mem>>)
    %dma_start3A_45 = arith.constant 1 : i32
    %dma_start3A_46 = arith.constant 0 : i32
    %dma_start3A_47 = arith.constant 0 : i32
    %dma_start3A_48 = tpu.memref_slice %arg8[%dma_start3A_45, %dma_start3A_46, %dma_start3A_47] : memref<3x16x1024xf32, #tpu.memory_space<vmem>> -> memref<1x16x1024xf32, #tpu.memory_space<vmem>>
    %dma_start3A_49 = tpu.memref_squeeze %dma_start3A_48 : memref<1x16x1024xf32, #tpu.memory_space<vmem>> -> memref<16x1024xf32, #tpu.memory_space<vmem>>
    %dma_start3A_50 = arith.constant 0 : i32
    %dma_start3A_51 = tpu.memref_slice %arg3[%add3A_31, %dma_start3A_50] : memref<16384x1024xf32, #tpu.memory_space<hbm>> -> memref<16x1024xf32, #tpu.memory_space<hbm>>
    %dma_start3A_52 = arith.constant 0 : i32
    %dma_start3A_53 = arith.constant 0 : i32
    %dma_start3A_54 = tpu.memref_slice %arg8[%dma_start3A_45, %dma_start3A_52, %dma_start3A_53] : memref<3x16x1024xf32, #tpu.memory_space<vmem>> -> memref<1x16x1024xf32, #tpu.memory_space<vmem>>
    %dma_start3A_55 = tpu.memref_squeeze %dma_start3A_54 : memref<1x16x1024xf32, #tpu.memory_space<vmem>> -> memref<16x1024xf32, #tpu.memory_space<vmem>>
    %dma_start3A_56 = arith.constant 0 : i32
    %dma_start3A_57 = tpu.memref_slice %arg3[%add3A_31, %dma_start3A_56] : memref<16384x1024xf32, #tpu.memory_space<hbm>> -> memref<16x1024xf32, #tpu.memory_space<hbm>>
    tpu.enqueue_dma source(%dma_start3A_57 : memref<16x1024xf32, #tpu.memory_space<hbm>>) target(%dma_start3A_55 : memref<16x1024xf32, #tpu.memory_space<vmem>>) target_semaphore(%arg9 : memref<!tpu.dma_semaphore, #tpu.memory_space<semaphore_mem>>)
    %add3A_58 = arith.constant 32 : i32
    %add3A_59 = arith.addi %mul3A_2, %add3A_58 : i32
    %dma_start3A_60 = arith.constant 2 : i32
    %dma_start3A_61 = arith.constant 0 : i32
    %dma_start3A_62 = arith.constant 0 : i32
    %dma_start3A_63 = tpu.memref_slice %arg7[%dma_start3A_60, %dma_start3A_61, %dma_start3A_62] : memref<3x16x1024xf32, #tpu.memory_space<vmem>> -> memref<1x16x1024xf32, #tpu.memory_space<vmem>>
    %dma_start3A_64 = tpu.memref_squeeze %dma_start3A_63 : memref<1x16x1024xf32, #tpu.memory_space<vmem>> -> memref<16x1024xf32, #tpu.memory_space<vmem>>
    %dma_start3A_65 = arith.constant 0 : i32
    %dma_start3A_66 = tpu.memref_slice %arg2[%add3A_59, %dma_start3A_65] : memref<16384x1024xf32, #tpu.memory_space<hbm>> -> memref<16x1024xf32, #tpu.memory_space<hbm>>
    %dma_start3A_67 = arith.constant 0 : i32
    %dma_start3A_68 = arith.constant 0 : i32
    %dma_start3A_69 = tpu.memref_slice %arg7[%dma_start3A_60, %dma_start3A_67, %dma_start3A_68] : memref<3x16x1024xf32, #tpu.memory_space<vmem>> -> memref<1x16x1024xf32, #tpu.memory_space<vmem>>
    %dma_start3A_70 = tpu.memref_squeeze %dma_start3A_69 : memref<1x16x1024xf32, #tpu.memory_space<vmem>> -> memref<16x1024xf32, #tpu.memory_space<vmem>>
    %dma_start3A_71 = arith.constant 0 : i32
    %dma_start3A_72 = tpu.memref_slice %arg2[%add3A_59, %dma_start3A_71] : memref<16384x1024xf32, #tpu.memory_space<hbm>> -> memref<16x1024xf32, #tpu.memory_space<hbm>>
    tpu.enqueue_dma source(%dma_start3A_72 : memref<16x1024xf32, #tpu.memory_space<hbm>>) target(%dma_start3A_70 : memref<16x1024xf32, #tpu.memory_space<vmem>>) target_semaphore(%arg9 : memref<!tpu.dma_semaphore, #tpu.memory_space<semaphore_mem>>)
    %dma_start3A_73 = arith.constant 2 : i32
    %dma_start3A_74 = arith.constant 0 : i32
    %dma_start3A_75 = arith.constant 0 : i32
    %dma_start3A_76 = tpu.memref_slice %arg8[%dma_start3A_73, %dma_start3A_74, %dma_start3A_75] : memref<3x16x1024xf32, #tpu.memory_space<vmem>> -> memref<1x16x1024xf32, #tpu.memory_space<vmem>>
    %dma_start3A_77 = tpu.memref_squeeze %dma_start3A_76 : memref<1x16x1024xf32, #tpu.memory_space<vmem>> -> memref<16x1024xf32, #tpu.memory_space<vmem>>
    %dma_start3A_78 = arith.constant 0 : i32
    %dma_start3A_79 = tpu.memref_slice %arg3[%add3A_59, %dma_start3A_78] : memref<16384x1024xf32, #tpu.memory_space<hbm>> -> memref<16x1024xf32, #tpu.memory_space<hbm>>
    %dma_start3A_80 = arith.constant 0 : i32
    %dma_start3A_81 = arith.constant 0 : i32
    %dma_start3A_82 = tpu.memref_slice %arg8[%dma_start3A_73, %dma_start3A_80, %dma_start3A_81] : memref<3x16x1024xf32, #tpu.memory_space<vmem>> -> memref<1x16x1024xf32, #tpu.memory_space<vmem>>
    %dma_start3A_83 = tpu.memref_squeeze %dma_start3A_82 : memref<1x16x1024xf32, #tpu.memory_space<vmem>> -> memref<16x1024xf32, #tpu.memory_space<vmem>>
    %dma_start3A_84 = arith.constant 0 : i32
    %dma_start3A_85 = tpu.memref_slice %arg3[%add3A_59, %dma_start3A_84] : memref<16384x1024xf32, #tpu.memory_space<hbm>> -> memref<16x1024xf32, #tpu.memory_space<hbm>>
    tpu.enqueue_dma source(%dma_start3A_85 : memref<16x1024xf32, #tpu.memory_space<hbm>>) target(%dma_start3A_83 : memref<16x1024xf32, #tpu.memory_space<vmem>>) target_semaphore(%arg9 : memref<!tpu.dma_semaphore, #tpu.memory_space<semaphore_mem>>)
    %scan3A = arith.constant 0 : i32
    %scan3A_86 = arith.constant 0 : i32
    %scan3A_87 = arith.constant 11 : i32
    %scan3A_88 = arith.addi %scan3A_86, %scan3A_87 : i32
    %scan3A_89 = arith.constant 1 : i32
    scf.for %scan3A_228 = %scan3A_86 to %scan3A_88 step %scan3A_89  : i32 {
      %mul3A_229 = arith.constant 3 : i32
      %mul3A_230 = arith.muli %scan3A_228, %mul3A_229 : i32
      %add3A_231 = arith.constant 0 : i32
      %add3A_232 = arith.addi %mul3A_230, %add3A_231 : i32
      %lt3A = arith.constant 32 : i32
      %lt3A_233 = arith.cmpi slt, %add3A_232, %lt3A : i32
      %convert_element_type3A = arith.extui %lt3A_233 : i1 to i32
      %cond3A = arith.constant 0 : i32
      %cond3A_234 = arith.cmpi ne, %convert_element_type3A, %cond3A : i32
      scf.if %cond3A_234 {
        %add3A_249 = arith.constant 1 : i32
        %add3A_250 = arith.addi %add3A_232, %add3A_249 : i32
        %ge3A = arith.constant 3 : i32
        %ge3A_251 = arith.cmpi sge, %add3A_250, %ge3A : i32
        %add3A_252 = arith.constant 1 : i32
        %add3A_253 = arith.addi %add3A_232, %add3A_252 : i32
        %lt3A_254 = arith.constant 32 : i32
        %lt3A_255 = arith.cmpi slt, %add3A_253, %lt3A_254 : i32
        %and3A = arith.andi %ge3A_251, %lt3A_255 : i1
        %convert_element_type3A_256 = arith.extui %and3A : i1 to i32
        %cond3A_257 = arith.constant 0 : i32
        %cond3A_258 = arith.cmpi ne, %convert_element_type3A_256, %cond3A_257 : i32
        scf.if %cond3A_258 {
          %add3A_341 = arith.constant 1 : i32
          %add3A_342 = arith.addi %add3A_232, %add3A_341 : i32
          %sub3A = arith.constant 3 : i32
          %sub3A_343 = arith.subi %add3A_342, %sub3A : i32
          %mul3A_344 = arith.constant 16 : i32
          %mul3A_345 = arith.muli %sub3A_343, %mul3A_344 : i32
          %add3A_346 = arith.addi %mul3A_2, %mul3A_345 : i32
          %dma_wait3A_347 = arith.constant 1 : i32
          %dma_wait3A_348 = arith.constant 0 : i32
          %dma_wait3A_349 = arith.constant 0 : i32
          %dma_wait3A_350 = arith.constant 0 : i32
          %dma_wait3A_351 = tpu.memref_slice %arg7[%dma_wait3A_347, %dma_wait3A_349, %dma_wait3A_350] : memref<3x16x1024xf32, #tpu.memory_space<vmem>> -> memref<1x16x1024xf32, #tpu.memory_space<vmem>>
          %dma_wait3A_352 = tpu.memref_squeeze %dma_wait3A_351 : memref<1x16x1024xf32, #tpu.memory_space<vmem>> -> memref<16x1024xf32, #tpu.memory_space<vmem>>
          %dma_wait3A_353 = arith.constant 0 : i32
          %dma_wait3A_354 = arith.constant 0 : i32
          %dma_wait3A_355 = tpu.memref_slice %arg5[%dma_wait3A_348, %dma_wait3A_353, %dma_wait3A_354] : memref<2x16384x1024xf32, #tpu.memory_space<hbm>> -> memref<1x16384x1024xf32, #tpu.memory_space<hbm>>
          %dma_wait3A_356 = tpu.memref_squeeze %dma_wait3A_355 : memref<1x16384x1024xf32, #tpu.memory_space<hbm>> -> memref<16384x1024xf32, #tpu.memory_space<hbm>>
          %dma_wait3A_357 = arith.constant 0 : i32
          %dma_wait3A_358 = tpu.memref_slice %dma_wait3A_356[%add3A_346, %dma_wait3A_357] : memref<16384x1024xf32, #tpu.memory_space<hbm>> -> memref<16x1024xf32, #tpu.memory_space<hbm>>
          %dma_wait3A_359 = arith.constant 0 : i32
          %dma_wait3A_360 = arith.constant 0 : i32
          %dma_wait3A_361 = tpu.memref_slice %arg5[%dma_wait3A_348, %dma_wait3A_359, %dma_wait3A_360] : memref<2x16384x1024xf32, #tpu.memory_space<hbm>> -> memref<1x16384x1024xf32, #tpu.memory_space<hbm>>
          %dma_wait3A_362 = tpu.memref_squeeze %dma_wait3A_361 : memref<1x16384x1024xf32, #tpu.memory_space<hbm>> -> memref<16384x1024xf32, #tpu.memory_space<hbm>>
          %dma_wait3A_363 = arith.constant 0 : i32
          %dma_wait3A_364 = tpu.memref_slice %dma_wait3A_362[%add3A_346, %dma_wait3A_363] : memref<16384x1024xf32, #tpu.memory_space<hbm>> -> memref<16x1024xf32, #tpu.memory_space<hbm>>
          %dma_wait3A_365 = arith.constant 0 : i32
          %dma_wait3A_366 = arith.constant 0 : i32
          %dma_wait3A_367 = tpu.memref_slice %arg7[%dma_wait3A_347, %dma_wait3A_365, %dma_wait3A_366] : memref<3x16x1024xf32, #tpu.memory_space<vmem>> -> memref<1x16x1024xf32, #tpu.memory_space<vmem>>
          %dma_wait3A_368 = tpu.memref_squeeze %dma_wait3A_367 : memref<1x16x1024xf32, #tpu.memory_space<vmem>> -> memref<16x1024xf32, #tpu.memory_space<vmem>>
          tpu.wait_dma2 semaphore(%arg10 : memref<!tpu.dma_semaphore, #tpu.memory_space<semaphore_mem>>) src(%dma_wait3A_368 : memref<16x1024xf32, #tpu.memory_space<vmem>>) dst(%dma_wait3A_364 : memref<16x1024xf32, #tpu.memory_space<hbm>>)
          %dma_wait3A_369 = arith.constant 1 : i32
          %dma_wait3A_370 = arith.constant 1 : i32
          %dma_wait3A_371 = arith.constant 0 : i32
          %dma_wait3A_372 = arith.constant 0 : i32
          %dma_wait3A_373 = tpu.memref_slice %arg8[%dma_wait3A_369, %dma_wait3A_371, %dma_wait3A_372] : memref<3x16x1024xf32, #tpu.memory_space<vmem>> -> memref<1x16x1024xf32, #tpu.memory_space<vmem>>
          %dma_wait3A_374 = tpu.memref_squeeze %dma_wait3A_373 : memref<1x16x1024xf32, #tpu.memory_space<vmem>> -> memref<16x1024xf32, #tpu.memory_space<vmem>>
          %dma_wait3A_375 = arith.constant 0 : i32
          %dma_wait3A_376 = arith.constant 0 : i32
          %dma_wait3A_377 = tpu.memref_slice %arg5[%dma_wait3A_370, %dma_wait3A_375, %dma_wait3A_376] : memref<2x16384x1024xf32, #tpu.memory_space<hbm>> -> memref<1x16384x1024xf32, #tpu.memory_space<hbm>>
          %dma_wait3A_378 = tpu.memref_squeeze %dma_wait3A_377 : memref<1x16384x1024xf32, #tpu.memory_space<hbm>> -> memref<16384x1024xf32, #tpu.memory_space<hbm>>
          %dma_wait3A_379 = arith.constant 0 : i32
          %dma_wait3A_380 = tpu.memref_slice %dma_wait3A_378[%add3A_346, %dma_wait3A_379] : memref<16384x1024xf32, #tpu.memory_space<hbm>> -> memref<16x1024xf32, #tpu.memory_space<hbm>>
          %dma_wait3A_381 = arith.constant 0 : i32
          %dma_wait3A_382 = arith.constant 0 : i32
          %dma_wait3A_383 = tpu.memref_slice %arg5[%dma_wait3A_370, %dma_wait3A_381, %dma_wait3A_382] : memref<2x16384x1024xf32, #tpu.memory_space<hbm>> -> memref<1x16384x1024xf32, #tpu.memory_space<hbm>>
          %dma_wait3A_384 = tpu.memref_squeeze %dma_wait3A_383 : memref<1x16384x1024xf32, #tpu.memory_space<hbm>> -> memref<16384x1024xf32, #tpu.memory_space<hbm>>
          %dma_wait3A_385 = arith.constant 0 : i32
          %dma_wait3A_386 = tpu.memref_slice %dma_wait3A_384[%add3A_346, %dma_wait3A_385] : memref<16384x1024xf32, #tpu.memory_space<hbm>> -> memref<16x1024xf32, #tpu.memory_space<hbm>>
          %dma_wait3A_387 = arith.constant 0 : i32
          %dma_wait3A_388 = arith.constant 0 : i32
          %dma_wait3A_389 = tpu.memref_slice %arg8[%dma_wait3A_369, %dma_wait3A_387, %dma_wait3A_388] : memref<3x16x1024xf32, #tpu.memory_space<vmem>> -> memref<1x16x1024xf32, #tpu.memory_space<vmem>>
          %dma_wait3A_390 = tpu.memref_squeeze %dma_wait3A_389 : memref<1x16x1024xf32, #tpu.memory_space<vmem>> -> memref<16x1024xf32, #tpu.memory_space<vmem>>
          tpu.wait_dma2 semaphore(%arg10 : memref<!tpu.dma_semaphore, #tpu.memory_space<semaphore_mem>>) src(%dma_wait3A_390 : memref<16x1024xf32, #tpu.memory_space<vmem>>) dst(%dma_wait3A_386 : memref<16x1024xf32, #tpu.memory_space<hbm>>)
          %add3A_391 = arith.constant 1 : i32
          %add3A_392 = arith.addi %add3A_232, %add3A_391 : i32
          %mul3A_393 = arith.constant 16 : i32
          %mul3A_394 = arith.muli %add3A_392, %mul3A_393 : i32
          %add3A_395 = arith.addi %mul3A_2, %mul3A_394 : i32
          %dma_start3A_396 = arith.constant 1 : i32
          %dma_start3A_397 = arith.constant 0 : i32
          %dma_start3A_398 = arith.constant 0 : i32
          %dma_start3A_399 = tpu.memref_slice %arg7[%dma_start3A_396, %dma_start3A_397, %dma_start3A_398] : memref<3x16x1024xf32, #tpu.memory_space<vmem>> -> memref<1x16x1024xf32, #tpu.memory_space<vmem>>
          %dma_start3A_400 = tpu.memref_squeeze %dma_start3A_399 : memref<1x16x1024xf32, #tpu.memory_space<vmem>> -> memref<16x1024xf32, #tpu.memory_space<vmem>>
          %dma_start3A_401 = arith.constant 0 : i32
          %dma_start3A_402 = tpu.memref_slice %arg2[%add3A_395, %dma_start3A_401] : memref<16384x1024xf32, #tpu.memory_space<hbm>> -> memref<16x1024xf32, #tpu.memory_space<hbm>>
          %dma_start3A_403 = arith.constant 0 : i32
          %dma_start3A_404 = arith.constant 0 : i32
          %dma_start3A_405 = tpu.memref_slice %arg7[%dma_start3A_396, %dma_start3A_403, %dma_start3A_404] : memref<3x16x1024xf32, #tpu.memory_space<vmem>> -> memref<1x16x1024xf32, #tpu.memory_space<vmem>>
          %dma_start3A_406 = tpu.memref_squeeze %dma_start3A_405 : memref<1x16x1024xf32, #tpu.memory_space<vmem>> -> memref<16x1024xf32, #tpu.memory_space<vmem>>
          %dma_start3A_407 = arith.constant 0 : i32
          %dma_start3A_408 = tpu.memref_slice %arg2[%add3A_395, %dma_start3A_407] : memref<16384x1024xf32, #tpu.memory_space<hbm>> -> memref<16x1024xf32, #tpu.memory_space<hbm>>
          tpu.enqueue_dma source(%dma_start3A_408 : memref<16x1024xf32, #tpu.memory_space<hbm>>) target(%dma_start3A_406 : memref<16x1024xf32, #tpu.memory_space<vmem>>) target_semaphore(%arg9 : memref<!tpu.dma_semaphore, #tpu.memory_space<semaphore_mem>>)
          %dma_start3A_409 = arith.constant 1 : i32
          %dma_start3A_410 = arith.constant 0 : i32
          %dma_start3A_411 = arith.constant 0 : i32
          %dma_start3A_412 = tpu.memref_slice %arg8[%dma_start3A_409, %dma_start3A_410, %dma_start3A_411] : memref<3x16x1024xf32, #tpu.memory_space<vmem>> -> memref<1x16x1024xf32, #tpu.memory_space<vmem>>
          %dma_start3A_413 = tpu.memref_squeeze %dma_start3A_412 : memref<1x16x1024xf32, #tpu.memory_space<vmem>> -> memref<16x1024xf32, #tpu.memory_space<vmem>>
          %dma_start3A_414 = arith.constant 0 : i32
          %dma_start3A_415 = tpu.memref_slice %arg3[%add3A_395, %dma_start3A_414] : memref<16384x1024xf32, #tpu.memory_space<hbm>> -> memref<16x1024xf32, #tpu.memory_space<hbm>>
          %dma_start3A_416 = arith.constant 0 : i32
          %dma_start3A_417 = arith.constant 0 : i32
          %dma_start3A_418 = tpu.memref_slice %arg8[%dma_start3A_409, %dma_start3A_416, %dma_start3A_417] : memref<3x16x1024xf32, #tpu.memory_space<vmem>> -> memref<1x16x1024xf32, #tpu.memory_space<vmem>>
          %dma_start3A_419 = tpu.memref_squeeze %dma_start3A_418 : memref<1x16x1024xf32, #tpu.memory_space<vmem>> -> memref<16x1024xf32, #tpu.memory_space<vmem>>
          %dma_start3A_420 = arith.constant 0 : i32
          %dma_start3A_421 = tpu.memref_slice %arg3[%add3A_395, %dma_start3A_420] : memref<16384x1024xf32, #tpu.memory_space<hbm>> -> memref<16x1024xf32, #tpu.memory_space<hbm>>
          tpu.enqueue_dma source(%dma_start3A_421 : memref<16x1024xf32, #tpu.memory_space<hbm>>) target(%dma_start3A_419 : memref<16x1024xf32, #tpu.memory_space<vmem>>) target_semaphore(%arg9 : memref<!tpu.dma_semaphore, #tpu.memory_space<semaphore_mem>>)
        } else {
        }
        %mul3A_259 = arith.constant 16 : i32
        %mul3A_260 = arith.muli %add3A_232, %mul3A_259 : i32
        %add3A_261 = arith.addi %mul3A_2, %mul3A_260 : i32
        %dma_wait3A_262 = arith.constant 0 : i32
        %dma_wait3A_263 = arith.constant 0 : i32
        %dma_wait3A_264 = arith.constant 0 : i32
        %dma_wait3A_265 = tpu.memref_slice %arg7[%dma_wait3A_262, %dma_wait3A_263, %dma_wait3A_264] : memref<3x16x1024xf32, #tpu.memory_space<vmem>> -> memref<1x16x1024xf32, #tpu.memory_space<vmem>>
        %dma_wait3A_266 = tpu.memref_squeeze %dma_wait3A_265 : memref<1x16x1024xf32, #tpu.memory_space<vmem>> -> memref<16x1024xf32, #tpu.memory_space<vmem>>
        %dma_wait3A_267 = arith.constant 0 : i32
        %dma_wait3A_268 = tpu.memref_slice %arg2[%add3A_261, %dma_wait3A_267] : memref<16384x1024xf32, #tpu.memory_space<hbm>> -> memref<16x1024xf32, #tpu.memory_space<hbm>>
        %dma_wait3A_269 = arith.constant 0 : i32
        %dma_wait3A_270 = arith.constant 0 : i32
        %dma_wait3A_271 = tpu.memref_slice %arg7[%dma_wait3A_262, %dma_wait3A_269, %dma_wait3A_270] : memref<3x16x1024xf32, #tpu.memory_space<vmem>> -> memref<1x16x1024xf32, #tpu.memory_space<vmem>>
        %dma_wait3A_272 = tpu.memref_squeeze %dma_wait3A_271 : memref<1x16x1024xf32, #tpu.memory_space<vmem>> -> memref<16x1024xf32, #tpu.memory_space<vmem>>
        %dma_wait3A_273 = arith.constant 0 : i32
        %dma_wait3A_274 = tpu.memref_slice %arg2[%add3A_261, %dma_wait3A_273] : memref<16384x1024xf32, #tpu.memory_space<hbm>> -> memref<16x1024xf32, #tpu.memory_space<hbm>>
        tpu.wait_dma2 semaphore(%arg9 : memref<!tpu.dma_semaphore, #tpu.memory_space<semaphore_mem>>) src(%dma_wait3A_274 : memref<16x1024xf32, #tpu.memory_space<hbm>>) dst(%dma_wait3A_272 : memref<16x1024xf32, #tpu.memory_space<vmem>>)
        %dma_wait3A_275 = arith.constant 0 : i32
        %dma_wait3A_276 = arith.constant 0 : i32
        %dma_wait3A_277 = arith.constant 0 : i32
        %dma_wait3A_278 = tpu.memref_slice %arg8[%dma_wait3A_275, %dma_wait3A_276, %dma_wait3A_277] : memref<3x16x1024xf32, #tpu.memory_space<vmem>> -> memref<1x16x1024xf32, #tpu.memory_space<vmem>>
        %dma_wait3A_279 = tpu.memref_squeeze %dma_wait3A_278 : memref<1x16x1024xf32, #tpu.memory_space<vmem>> -> memref<16x1024xf32, #tpu.memory_space<vmem>>
        %dma_wait3A_280 = arith.constant 0 : i32
        %dma_wait3A_281 = tpu.memref_slice %arg3[%add3A_261, %dma_wait3A_280] : memref<16384x1024xf32, #tpu.memory_space<hbm>> -> memref<16x1024xf32, #tpu.memory_space<hbm>>
        %dma_wait3A_282 = arith.constant 0 : i32
        %dma_wait3A_283 = arith.constant 0 : i32
        %dma_wait3A_284 = tpu.memref_slice %arg8[%dma_wait3A_275, %dma_wait3A_282, %dma_wait3A_283] : memref<3x16x1024xf32, #tpu.memory_space<vmem>> -> memref<1x16x1024xf32, #tpu.memory_space<vmem>>
        %dma_wait3A_285 = tpu.memref_squeeze %dma_wait3A_284 : memref<1x16x1024xf32, #tpu.memory_space<vmem>> -> memref<16x1024xf32, #tpu.memory_space<vmem>>
        %dma_wait3A_286 = arith.constant 0 : i32
        %dma_wait3A_287 = tpu.memref_slice %arg3[%add3A_261, %dma_wait3A_286] : memref<16384x1024xf32, #tpu.memory_space<hbm>> -> memref<16x1024xf32, #tpu.memory_space<hbm>>
        tpu.wait_dma2 semaphore(%arg9 : memref<!tpu.dma_semaphore, #tpu.memory_space<semaphore_mem>>) src(%dma_wait3A_287 : memref<16x1024xf32, #tpu.memory_space<hbm>>) dst(%dma_wait3A_285 : memref<16x1024xf32, #tpu.memory_space<vmem>>)
        %scan3A_288 = arith.constant 0 : i32
        %scan3A_289 = arith.constant 0 : i32
        %scan3A_290 = arith.constant 16 : i32
        %scan3A_291 = arith.addi %scan3A_289, %scan3A_290 : i32
        %scan3A_292 = arith.constant 1 : i32
        scf.for %scan3A_341 = %scan3A_289 to %scan3A_291 step %scan3A_292  : i32 {
          %broadcast_in_dim3A = vector.broadcast %scan3A_341 : i32 to vector<16xi32>
          %get3A = arith.constant 0 : index
          %get3A_342 = tpu.vector_load %arg6[%get3A] {strides = array<i32>} : memref<128xi32, #tpu.memory_space<vmem>>, vector<16xi32>,
          %gather3A = arith.constant 0 : i32
          %gather3A_343 = arith.constant 0 : i32
          %gather3A_344 = arith.constant 0 : i32
          %gather3A_345 = tpu.memref_slice %arg7[%gather3A, %gather3A_343, %gather3A_344] : memref<3x16x1024xf32, #tpu.memory_space<vmem>> -> memref<1x16x1024xf32, #tpu.memory_space<vmem>>
          %gather3A_346 = tpu.memref_squeeze %gather3A_345 : memref<1x16x1024xf32, #tpu.memory_space<vmem>> -> memref<16x1024xf32, #tpu.memory_space<vmem>>
          %gather3A_347 = tpu.vector_load_idx %gather3A_346[%broadcast_in_dim3A, %get3A_342] : memref<16x1024xf32, #tpu.memory_space<vmem>>[vector<16xi32>, vector<16xi32>], vector<16xf32>,
          %gather3A_348 = arith.constant 0 : i32
          %gather3A_349 = arith.constant 0 : i32
          %gather3A_350 = arith.constant 0 : i32
          %gather3A_351 = tpu.memref_slice %arg8[%gather3A_348, %gather3A_349, %gather3A_350] : memref<3x16x1024xf32, #tpu.memory_space<vmem>> -> memref<1x16x1024xf32, #tpu.memory_space<vmem>>
          %gather3A_352 = tpu.memref_squeeze %gather3A_351 : memref<1x16x1024xf32, #tpu.memory_space<vmem>> -> memref<16x1024xf32, #tpu.memory_space<vmem>>
          %gather3A_353 = tpu.vector_load_idx %gather3A_352[%broadcast_in_dim3A, %get3A_342] : memref<16x1024xf32, #tpu.memory_space<vmem>>[vector<16xi32>, vector<16xi32>], vector<16xf32>,
          %get3A_354 = arith.constant 16 : index
          %get3A_355 = tpu.vector_load %arg6[%get3A_354] {strides = array<i32>} : memref<128xi32, #tpu.memory_space<vmem>>, vector<16xi32>,
          %gather3A_356 = arith.constant 0 : i32
          %gather3A_357 = arith.constant 0 : i32
          %gather3A_358 = arith.constant 0 : i32
          %gather3A_359 = tpu.memref_slice %arg7[%gather3A_356, %gather3A_357, %gather3A_358] : memref<3x16x1024xf32, #tpu.memory_space<vmem>> -> memref<1x16x1024xf32, #tpu.memory_space<vmem>>
          %gather3A_360 = tpu.memref_squeeze %gather3A_359 : memref<1x16x1024xf32, #tpu.memory_space<vmem>> -> memref<16x1024xf32, #tpu.memory_space<vmem>>
          %gather3A_361 = tpu.vector_load_idx %gather3A_360[%broadcast_in_dim3A, %get3A_355] : memref<16x1024xf32, #tpu.memory_space<vmem>>[vector<16xi32>, vector<16xi32>], vector<16xf32>,
          %gather3A_362 = arith.constant 0 : i32
          %gather3A_363 = arith.constant 0 : i32
          %gather3A_364 = arith.constant 0 : i32
          %gather3A_365 = tpu.memref_slice %arg8[%gather3A_362, %gather3A_363, %gather3A_364] : memref<3x16x1024xf32, #tpu.memory_space<vmem>> -> memref<1x16x1024xf32, #tpu.memory_space<vmem>>
          %gather3A_366 = tpu.memref_squeeze %gather3A_365 : memref<1x16x1024xf32, #tpu.memory_space<vmem>> -> memref<16x1024xf32, #tpu.memory_space<vmem>>
          %gather3A_367 = tpu.vector_load_idx %gather3A_366[%broadcast_in_dim3A, %get3A_355] : memref<16x1024xf32, #tpu.memory_space<vmem>>[vector<16xi32>, vector<16xi32>], vector<16xf32>,
          %get3A_368 = arith.constant 32 : index
          %get3A_369 = tpu.vector_load %arg6[%get3A_368] {strides = array<i32>} : memref<128xi32, #tpu.memory_space<vmem>>, vector<16xi32>,
          %gather3A_370 = arith.constant 0 : i32
          %gather3A_371 = arith.constant 0 : i32
          %gather3A_372 = arith.constant 0 : i32
          %gather3A_373 = tpu.memref_slice %arg7[%gather3A_370, %gather3A_371, %gather3A_372] : memref<3x16x1024xf32, #tpu.memory_space<vmem>> -> memref<1x16x1024xf32, #tpu.memory_space<vmem>>
          %gather3A_374 = tpu.memref_squeeze %gather3A_373 : memref<1x16x1024xf32, #tpu.memory_space<vmem>> -> memref<16x1024xf32, #tpu.memory_space<vmem>>
          %gather3A_375 = tpu.vector_load_idx %gather3A_374[%broadcast_in_dim3A, %get3A_369] : memref<16x1024xf32, #tpu.memory_space<vmem>>[vector<16xi32>, vector<16xi32>], vector<16xf32>,
          %gather3A_376 = arith.constant 0 : i32
          %gather3A_377 = arith.constant 0 : i32
          %gather3A_378 = arith.constant 0 : i32
          %gather3A_379 = tpu.memref_slice %arg8[%gather3A_376, %gather3A_377, %gather3A_378] : memref<3x16x1024xf32, #tpu.memory_space<vmem>> -> memref<1x16x1024xf32, #tpu.memory_space<vmem>>
          %gather3A_380 = tpu.memref_squeeze %gather3A_379 : memref<1x16x1024xf32, #tpu.memory_space<vmem>> -> memref<16x1024xf32, #tpu.memory_space<vmem>>
          %gather3A_381 = tpu.vector_load_idx %gather3A_380[%broadcast_in_dim3A, %get3A_369] : memref<16x1024xf32, #tpu.memory_space<vmem>>[vector<16xi32>, vector<16xi32>], vector<16xf32>,
          %get3A_382 = arith.constant 48 : index
          %get3A_383 = tpu.vector_load %arg6[%get3A_382] {strides = array<i32>} : memref<128xi32, #tpu.memory_space<vmem>>, vector<16xi32>,
          %gather3A_384 = arith.constant 0 : i32
          %gather3A_385 = arith.constant 0 : i32
          %gather3A_386 = arith.constant 0 : i32
          %gather3A_387 = tpu.memref_slice %arg7[%gather3A_384, %gather3A_385, %gather3A_386] : memref<3x16x1024xf32, #tpu.memory_space<vmem>> -> memref<1x16x1024xf32, #tpu.memory_space<vmem>>
          %gather3A_388 = tpu.memref_squeeze %gather3A_387 : memref<1x16x1024xf32, #tpu.memory_space<vmem>> -> memref<16x1024xf32, #tpu.memory_space<vmem>>
          %gather3A_389 = tpu.vector_load_idx %gather3A_388[%broadcast_in_dim3A, %get3A_383] : memref<16x1024xf32, #tpu.memory_space<vmem>>[vector<16xi32>, vector<16xi32>], vector<16xf32>,
          %gather3A_390 = arith.constant 0 : i32
          %gather3A_391 = arith.constant 0 : i32
          %gather3A_392 = arith.constant 0 : i32
          %gather3A_393 = tpu.memref_slice %arg8[%gather3A_390, %gather3A_391, %gather3A_392] : memref<3x16x1024xf32, #tpu.memory_space<vmem>> -> memref<1x16x1024xf32, #tpu.memory_space<vmem>>
          %gather3A_394 = tpu.memref_squeeze %gather3A_393 : memref<1x16x1024xf32, #tpu.memory_space<vmem>> -> memref<16x1024xf32, #tpu.memory_space<vmem>>
          %gather3A_395 = tpu.vector_load_idx %gather3A_394[%broadcast_in_dim3A, %get3A_383] : memref<16x1024xf32, #tpu.memory_space<vmem>>[vector<16xi32>, vector<16xi32>], vector<16xf32>,
          %get3A_396 = arith.constant 64 : index
          %get3A_397 = tpu.vector_load %arg6[%get3A_396] {strides = array<i32>} : memref<128xi32, #tpu.memory_space<vmem>>, vector<16xi32>,
          %gather3A_398 = arith.constant 0 : i32
          %gather3A_399 = arith.constant 0 : i32
          %gather3A_400 = arith.constant 0 : i32
          %gather3A_401 = tpu.memref_slice %arg7[%gather3A_398, %gather3A_399, %gather3A_400] : memref<3x16x1024xf32, #tpu.memory_space<vmem>> -> memref<1x16x1024xf32, #tpu.memory_space<vmem>>
          %gather3A_402 = tpu.memref_squeeze %gather3A_401 : memref<1x16x1024xf32, #tpu.memory_space<vmem>> -> memref<16x1024xf32, #tpu.memory_space<vmem>>
          %gather3A_403 = tpu.vector_load_idx %gather3A_402[%broadcast_in_dim3A, %get3A_397] : memref<16x1024xf32, #tpu.memory_space<vmem>>[vector<16xi32>, vector<16xi32>], vector<16xf32>,
          %gather3A_404 = arith.constant 0 : i32
          %gather3A_405 = arith.constant 0 : i32
          %gather3A_406 = arith.constant 0 : i32
          %gather3A_407 = tpu.memref_slice %arg8[%gather3A_404, %gather3A_405, %gather3A_406] : memref<3x16x1024xf32, #tpu.memory_space<vmem>> -> memref<1x16x1024xf32, #tpu.memory_space<vmem>>
          %gather3A_408 = tpu.memref_squeeze %gather3A_407 : memref<1x16x1024xf32, #tpu.memory_space<vmem>> -> memref<16x1024xf32, #tpu.memory_space<vmem>>
          %gather3A_409 = tpu.vector_load_idx %gather3A_408[%broadcast_in_dim3A, %get3A_397] : memref<16x1024xf32, #tpu.memory_space<vmem>>[vector<16xi32>, vector<16xi32>], vector<16xf32>,
          %get3A_410 = arith.constant 80 : index
          %get3A_411 = tpu.vector_load %arg6[%get3A_410] {strides = array<i32>} : memref<128xi32, #tpu.memory_space<vmem>>, vector<16xi32>,
          %gather3A_412 = arith.constant 0 : i32
          %gather3A_413 = arith.constant 0 : i32
          %gather3A_414 = arith.constant 0 : i32
          %gather3A_415 = tpu.memref_slice %arg7[%gather3A_412, %gather3A_413, %gather3A_414] : memref<3x16x1024xf32, #tpu.memory_space<vmem>> -> memref<1x16x1024xf32, #tpu.memory_space<vmem>>
          %gather3A_416 = tpu.memref_squeeze %gather3A_415 : memref<1x16x1024xf32, #tpu.memory_space<vmem>> -> memref<16x1024xf32, #tpu.memory_space<vmem>>
          %gather3A_417 = tpu.vector_load_idx %gather3A_416[%broadcast_in_dim3A, %get3A_411] : memref<16x1024xf32, #tpu.memory_space<vmem>>[vector<16xi32>, vector<16xi32>], vector<16xf32>,
          %gather3A_418 = arith.constant 0 : i32
          %gather3A_419 = arith.constant 0 : i32
          %gather3A_420 = arith.constant 0 : i32
          %gather3A_421 = tpu.memref_slice %arg8[%gather3A_418, %gather3A_419, %gather3A_420] : memref<3x16x1024xf32, #tpu.memory_space<vmem>> -> memref<1x16x1024xf32, #tpu.memory_space<vmem>>
          %gather3A_422 = tpu.memref_squeeze %gather3A_421 : memref<1x16x1024xf32, #tpu.memory_space<vmem>> -> memref<16x1024xf32, #tpu.memory_space<vmem>>
          %gather3A_423 = tpu.vector_load_idx %gather3A_422[%broadcast_in_dim3A, %get3A_411] : memref<16x1024xf32, #tpu.memory_space<vmem>>[vector<16xi32>, vector<16xi32>], vector<16xf32>,
          %get3A_424 = arith.constant 96 : index
          %get3A_425 = tpu.vector_load %arg6[%get3A_424] {strides = array<i32>} : memref<128xi32, #tpu.memory_space<vmem>>, vector<16xi32>,
          %gather3A_426 = arith.constant 0 : i32
          %gather3A_427 = arith.constant 0 : i32
          %gather3A_428 = arith.constant 0 : i32
          %gather3A_429 = tpu.memref_slice %arg7[%gather3A_426, %gather3A_427, %gather3A_428] : memref<3x16x1024xf32, #tpu.memory_space<vmem>> -> memref<1x16x1024xf32, #tpu.memory_space<vmem>>
          %gather3A_430 = tpu.memref_squeeze %gather3A_429 : memref<1x16x1024xf32, #tpu.memory_space<vmem>> -> memref<16x1024xf32, #tpu.memory_space<vmem>>
          %gather3A_431 = tpu.vector_load_idx %gather3A_430[%broadcast_in_dim3A, %get3A_425] : memref<16x1024xf32, #tpu.memory_space<vmem>>[vector<16xi32>, vector<16xi32>], vector<16xf32>,
          %gather3A_432 = arith.constant 0 : i32
          %gather3A_433 = arith.constant 0 : i32
          %gather3A_434 = arith.constant 0 : i32
          %gather3A_435 = tpu.memref_slice %arg8[%gather3A_432, %gather3A_433, %gather3A_434] : memref<3x16x1024xf32, #tpu.memory_space<vmem>> -> memref<1x16x1024xf32, #tpu.memory_space<vmem>>
          %gather3A_436 = tpu.memref_squeeze %gather3A_435 : memref<1x16x1024xf32, #tpu.memory_space<vmem>> -> memref<16x1024xf32, #tpu.memory_space<vmem>>
          %gather3A_437 = tpu.vector_load_idx %gather3A_436[%broadcast_in_dim3A, %get3A_425] : memref<16x1024xf32, #tpu.memory_space<vmem>>[vector<16xi32>, vector<16xi32>], vector<16xf32>,
          %get3A_438 = arith.constant 112 : index
          %get3A_439 = tpu.vector_load %arg6[%get3A_438] {strides = array<i32>} : memref<128xi32, #tpu.memory_space<vmem>>, vector<16xi32>,
          %gather3A_440 = arith.constant 0 : i32
          %gather3A_441 = arith.constant 0 : i32
          %gather3A_442 = arith.constant 0 : i32
          %gather3A_443 = tpu.memref_slice %arg7[%gather3A_440, %gather3A_441, %gather3A_442] : memref<3x16x1024xf32, #tpu.memory_space<vmem>> -> memref<1x16x1024xf32, #tpu.memory_space<vmem>>
          %gather3A_444 = tpu.memref_squeeze %gather3A_443 : memref<1x16x1024xf32, #tpu.memory_space<vmem>> -> memref<16x1024xf32, #tpu.memory_space<vmem>>
          %gather3A_445 = tpu.vector_load_idx %gather3A_444[%broadcast_in_dim3A, %get3A_439] : memref<16x1024xf32, #tpu.memory_space<vmem>>[vector<16xi32>, vector<16xi32>], vector<16xf32>,
          %gather3A_446 = arith.constant 0 : i32
          %gather3A_447 = arith.constant 0 : i32
          %gather3A_448 = arith.constant 0 : i32
          %gather3A_449 = tpu.memref_slice %arg8[%gather3A_446, %gather3A_447, %gather3A_448] : memref<3x16x1024xf32, #tpu.memory_space<vmem>> -> memref<1x16x1024xf32, #tpu.memory_space<vmem>>
          %gather3A_450 = tpu.memref_squeeze %gather3A_449 : memref<1x16x1024xf32, #tpu.memory_space<vmem>> -> memref<16x1024xf32, #tpu.memory_space<vmem>>
          %gather3A_451 = tpu.vector_load_idx %gather3A_450[%broadcast_in_dim3A, %get3A_439] : memref<16x1024xf32, #tpu.memory_space<vmem>>[vector<16xi32>, vector<16xi32>], vector<16xf32>,
          %iota3A = tpu.iota {dimensions = array<i32: 0>} : vector<16xi32>
          %sub3A = arith.subf %gather3A_347, %gather3A_353 : vector<16xf32>
          %max3A = arith.constant 0.000000e+00 : f32
          %max3A_452 = vector.broadcast %max3A : f32 to vector<16xf32>
          %max3A_453 = arith.maximumf %sub3A, %max3A_452 : vector<16xf32>
          %add3A_454 = arith.addf %gather3A_347, %gather3A_353 : vector<16xf32>
          %max3A_455 = arith.constant 0.000000e+00 : f32
          %max3A_456 = vector.broadcast %max3A_455 : f32 to vector<16xf32>
          %max3A_457 = arith.maximumf %add3A_454, %max3A_456 : vector<16xf32>
          %add3A_458 = arith.constant 0 : i32
          %add3A_459 = vector.broadcast %add3A_458 : i32 to vector<16xi32>
          %add3A_460 = arith.addi %iota3A, %add3A_459 : vector<16xi32>
          %add3A_461 = arith.addf %max3A_453, %max3A_457 : vector<16xf32>
          %mul3A_462 = arith.constant 5.000000e-01 : f32
          %mul3A_463 = vector.broadcast %mul3A_462 : f32 to vector<16xf32>
          %mul3A_464 = arith.mulf %add3A_461, %mul3A_463 : vector<16xf32>
          %scatter3A = arith.constant 0 : i32
          %scatter3A_465 = arith.constant 0 : i32
          %scatter3A_466 = arith.constant 0 : i32
          %scatter3A_467 = tpu.memref_slice %arg7[%scatter3A, %scatter3A_465, %scatter3A_466] : memref<3x16x1024xf32, #tpu.memory_space<vmem>> -> memref<1x16x1024xf32, #tpu.memory_space<vmem>>
          %scatter3A_468 = tpu.memref_squeeze %scatter3A_467 : memref<1x16x1024xf32, #tpu.memory_space<vmem>> -> memref<16x1024xf32, #tpu.memory_space<vmem>>
          tpu.vector_store_idx %scatter3A_468[%broadcast_in_dim3A, %add3A_460], %mul3A_464 : memref<16x1024xf32, #tpu.memory_space<vmem>>[vector<16xi32>, vector<16xi32>], vector<16xf32>,
          %sub3A_469 = arith.subf %max3A_457, %max3A_453 : vector<16xf32>
          %mul3A_470 = arith.constant 5.000000e-01 : f32
          %mul3A_471 = vector.broadcast %mul3A_470 : f32 to vector<16xf32>
          %mul3A_472 = arith.mulf %sub3A_469, %mul3A_471 : vector<16xf32>
          %scatter3A_473 = arith.constant 0 : i32
          %scatter3A_474 = arith.constant 0 : i32
          %scatter3A_475 = arith.constant 0 : i32
          %scatter3A_476 = tpu.memref_slice %arg8[%scatter3A_473, %scatter3A_474, %scatter3A_475] : memref<3x16x1024xf32, #tpu.memory_space<vmem>> -> memref<1x16x1024xf32, #tpu.memory_space<vmem>>
          %scatter3A_477 = tpu.memref_squeeze %scatter3A_476 : memref<1x16x1024xf32, #tpu.memory_space<vmem>> -> memref<16x1024xf32, #tpu.memory_space<vmem>>
          tpu.vector_store_idx %scatter3A_477[%broadcast_in_dim3A, %add3A_460], %mul3A_472 : memref<16x1024xf32, #tpu.memory_space<vmem>>[vector<16xi32>, vector<16xi32>], vector<16xf32>,
          %sub3A_478 = arith.subf %gather3A_361, %gather3A_367 : vector<16xf32>
          %max3A_479 = arith.constant 0.000000e+00 : f32
          %max3A_480 = vector.broadcast %max3A_479 : f32 to vector<16xf32>
          %max3A_481 = arith.maximumf %sub3A_478, %max3A_480 : vector<16xf32>
          %add3A_482 = arith.addf %gather3A_361, %gather3A_367 : vector<16xf32>
          %max3A_483 = arith.constant 0.000000e+00 : f32
          %max3A_484 = vector.broadcast %max3A_483 : f32 to vector<16xf32>
          %max3A_485 = arith.maximumf %add3A_482, %max3A_484 : vector<16xf32>
          %add3A_486 = arith.constant 16 : i32
          %add3A_487 = vector.broadcast %add3A_486 : i32 to vector<16xi32>
          %add3A_488 = arith.addi %iota3A, %add3A_487 : vector<16xi32>
          %add3A_489 = arith.addf %max3A_481, %max3A_485 : vector<16xf32>
          %mul3A_490 = arith.constant 5.000000e-01 : f32
          %mul3A_491 = vector.broadcast %mul3A_490 : f32 to vector<16xf32>
          %mul3A_492 = arith.mulf %add3A_489, %mul3A_491 : vector<16xf32>
          %scatter3A_493 = arith.constant 0 : i32
          %scatter3A_494 = arith.constant 0 : i32
          %scatter3A_495 = arith.constant 0 : i32
          %scatter3A_496 = tpu.memref_slice %arg7[%scatter3A_493, %scatter3A_494, %scatter3A_495] : memref<3x16x1024xf32, #tpu.memory_space<vmem>> -> memref<1x16x1024xf32, #tpu.memory_space<vmem>>
          %scatter3A_497 = tpu.memref_squeeze %scatter3A_496 : memref<1x16x1024xf32, #tpu.memory_space<vmem>> -> memref<16x1024xf32, #tpu.memory_space<vmem>>
          tpu.vector_store_idx %scatter3A_497[%broadcast_in_dim3A, %add3A_488], %mul3A_492 : memref<16x1024xf32, #tpu.memory_space<vmem>>[vector<16xi32>, vector<16xi32>], vector<16xf32>,
          %sub3A_498 = arith.subf %max3A_485, %max3A_481 : vector<16xf32>
          %mul3A_499 = arith.constant 5.000000e-01 : f32
          %mul3A_500 = vector.broadcast %mul3A_499 : f32 to vector<16xf32>
          %mul3A_501 = arith.mulf %sub3A_498, %mul3A_500 : vector<16xf32>
          %scatter3A_502 = arith.constant 0 : i32
          %scatter3A_503 = arith.constant 0 : i32
          %scatter3A_504 = arith.constant 0 : i32
          %scatter3A_505 = tpu.memref_slice %arg8[%scatter3A_502, %scatter3A_503, %scatter3A_504] : memref<3x16x1024xf32, #tpu.memory_space<vmem>> -> memref<1x16x1024xf32, #tpu.memory_space<vmem>>
          %scatter3A_506 = tpu.memref_squeeze %scatter3A_505 : memref<1x16x1024xf32, #tpu.memory_space<vmem>> -> memref<16x1024xf32, #tpu.memory_space<vmem>>
          tpu.vector_store_idx %scatter3A_506[%broadcast_in_dim3A, %add3A_488], %mul3A_501 : memref<16x1024xf32, #tpu.memory_space<vmem>>[vector<16xi32>, vector<16xi32>], vector<16xf32>,
          %sub3A_507 = arith.subf %gather3A_375, %gather3A_381 : vector<16xf32>
          %max3A_508 = arith.constant 0.000000e+00 : f32
          %max3A_509 = vector.broadcast %max3A_508 : f32 to vector<16xf32>
          %max3A_510 = arith.maximumf %sub3A_507, %max3A_509 : vector<16xf32>
          %add3A_511 = arith.addf %gather3A_375, %gather3A_381 : vector<16xf32>
          %max3A_512 = arith.constant 0.000000e+00 : f32
          %max3A_513 = vector.broadcast %max3A_512 : f32 to vector<16xf32>
          %max3A_514 = arith.maximumf %add3A_511, %max3A_513 : vector<16xf32>
          %add3A_515 = arith.constant 32 : i32
          %add3A_516 = vector.broadcast %add3A_515 : i32 to vector<16xi32>
          %add3A_517 = arith.addi %iota3A, %add3A_516 : vector<16xi32>
          %add3A_518 = arith.addf %max3A_510, %max3A_514 : vector<16xf32>
          %mul3A_519 = arith.constant 5.000000e-01 : f32
          %mul3A_520 = vector.broadcast %mul3A_519 : f32 to vector<16xf32>
          %mul3A_521 = arith.mulf %add3A_518, %mul3A_520 : vector<16xf32>
          %scatter3A_522 = arith.constant 0 : i32
          %scatter3A_523 = arith.constant 0 : i32
          %scatter3A_524 = arith.constant 0 : i32
          %scatter3A_525 = tpu.memref_slice %arg7[%scatter3A_522, %scatter3A_523, %scatter3A_524] : memref<3x16x1024xf32, #tpu.memory_space<vmem>> -> memref<1x16x1024xf32, #tpu.memory_space<vmem>>
          %scatter3A_526 = tpu.memref_squeeze %scatter3A_525 : memref<1x16x1024xf32, #tpu.memory_space<vmem>> -> memref<16x1024xf32, #tpu.memory_space<vmem>>
          tpu.vector_store_idx %scatter3A_526[%broadcast_in_dim3A, %add3A_517], %mul3A_521 : memref<16x1024xf32, #tpu.memory_space<vmem>>[vector<16xi32>, vector<16xi32>], vector<16xf32>,
          %sub3A_527 = arith.subf %max3A_514, %max3A_510 : vector<16xf32>
          %mul3A_528 = arith.constant 5.000000e-01 : f32
          %mul3A_529 = vector.broadcast %mul3A_528 : f32 to vector<16xf32>
          %mul3A_530 = arith.mulf %sub3A_527, %mul3A_529 : vector<16xf32>
          %scatter3A_531 = arith.constant 0 : i32
          %scatter3A_532 = arith.constant 0 : i32
          %scatter3A_533 = arith.constant 0 : i32
          %scatter3A_534 = tpu.memref_slice %arg8[%scatter3A_531, %scatter3A_532, %scatter3A_533] : memref<3x16x1024xf32, #tpu.memory_space<vmem>> -> memref<1x16x1024xf32, #tpu.memory_space<vmem>>
          %scatter3A_535 = tpu.memref_squeeze %scatter3A_534 : memref<1x16x1024xf32, #tpu.memory_space<vmem>> -> memref<16x1024xf32, #tpu.memory_space<vmem>>
          tpu.vector_store_idx %scatter3A_535[%broadcast_in_dim3A, %add3A_517], %mul3A_530 : memref<16x1024xf32, #tpu.memory_space<vmem>>[vector<16xi32>, vector<16xi32>], vector<16xf32>,
          %sub3A_536 = arith.subf %gather3A_389, %gather3A_395 : vector<16xf32>
          %max3A_537 = arith.constant 0.000000e+00 : f32
          %max3A_538 = vector.broadcast %max3A_537 : f32 to vector<16xf32>
          %max3A_539 = arith.maximumf %sub3A_536, %max3A_538 : vector<16xf32>
          %add3A_540 = arith.addf %gather3A_389, %gather3A_395 : vector<16xf32>
          %max3A_541 = arith.constant 0.000000e+00 : f32
          %max3A_542 = vector.broadcast %max3A_541 : f32 to vector<16xf32>
          %max3A_543 = arith.maximumf %add3A_540, %max3A_542 : vector<16xf32>
          %add3A_544 = arith.constant 48 : i32
          %add3A_545 = vector.broadcast %add3A_544 : i32 to vector<16xi32>
          %add3A_546 = arith.addi %iota3A, %add3A_545 : vector<16xi32>
          %add3A_547 = arith.addf %max3A_539, %max3A_543 : vector<16xf32>
          %mul3A_548 = arith.constant 5.000000e-01 : f32
          %mul3A_549 = vector.broadcast %mul3A_548 : f32 to vector<16xf32>
          %mul3A_550 = arith.mulf %add3A_547, %mul3A_549 : vector<16xf32>
          %scatter3A_551 = arith.constant 0 : i32
          %scatter3A_552 = arith.constant 0 : i32
          %scatter3A_553 = arith.constant 0 : i32
          %scatter3A_554 = tpu.memref_slice %arg7[%scatter3A_551, %scatter3A_552, %scatter3A_553] : memref<3x16x1024xf32, #tpu.memory_space<vmem>> -> memref<1x16x1024xf32, #tpu.memory_space<vmem>>
          %scatter3A_555 = tpu.memref_squeeze %scatter3A_554 : memref<1x16x1024xf32, #tpu.memory_space<vmem>> -> memref<16x1024xf32, #tpu.memory_space<vmem>>
          tpu.vector_store_idx %scatter3A_555[%broadcast_in_dim3A, %add3A_546], %mul3A_550 : memref<16x1024xf32, #tpu.memory_space<vmem>>[vector<16xi32>, vector<16xi32>], vector<16xf32>,
          %sub3A_556 = arith.subf %max3A_543, %max3A_539 : vector<16xf32>
          %mul3A_557 = arith.constant 5.000000e-01 : f32
          %mul3A_558 = vector.broadcast %mul3A_557 : f32 to vector<16xf32>
          %mul3A_559 = arith.mulf %sub3A_556, %mul3A_558 : vector<16xf32>
          %scatter3A_560 = arith.constant 0 : i32
          %scatter3A_561 = arith.constant 0 : i32
          %scatter3A_562 = arith.constant 0 : i32
          %scatter3A_563 = tpu.memref_slice %arg8[%scatter3A_560, %scatter3A_561, %scatter3A_562] : memref<3x16x1024xf32, #tpu.memory_space<vmem>> -> memref<1x16x1024xf32, #tpu.memory_space<vmem>>
          %scatter3A_564 = tpu.memref_squeeze %scatter3A_563 : memref<1x16x1024xf32, #tpu.memory_space<vmem>> -> memref<16x1024xf32, #tpu.memory_space<vmem>>
          tpu.vector_store_idx %scatter3A_564[%broadcast_in_dim3A, %add3A_546], %mul3A_559 : memref<16x1024xf32, #tpu.memory_space<vmem>>[vector<16xi32>, vector<16xi32>], vector<16xf32>,
          %sub3A_565 = arith.subf %gather3A_403, %gather3A_409 : vector<16xf32>
          %max3A_566 = arith.constant 0.000000e+00 : f32
          %max3A_567 = vector.broadcast %max3A_566 : f32 to vector<16xf32>
          %max3A_568 = arith.maximumf %sub3A_565, %max3A_567 : vector<16xf32>
          %add3A_569 = arith.addf %gather3A_403, %gather3A_409 : vector<16xf32>
          %max3A_570 = arith.constant 0.000000e+00 : f32
          %max3A_571 = vector.broadcast %max3A_570 : f32 to vector<16xf32>
          %max3A_572 = arith.maximumf %add3A_569, %max3A_571 : vector<16xf32>
          %add3A_573 = arith.constant 64 : i32
          %add3A_574 = vector.broadcast %add3A_573 : i32 to vector<16xi32>
          %add3A_575 = arith.addi %iota3A, %add3A_574 : vector<16xi32>
          %add3A_576 = arith.addf %max3A_568, %max3A_572 : vector<16xf32>
          %mul3A_577 = arith.constant 5.000000e-01 : f32
          %mul3A_578 = vector.broadcast %mul3A_577 : f32 to vector<16xf32>
          %mul3A_579 = arith.mulf %add3A_576, %mul3A_578 : vector<16xf32>
          %scatter3A_580 = arith.constant 0 : i32
          %scatter3A_581 = arith.constant 0 : i32
          %scatter3A_582 = arith.constant 0 : i32
          %scatter3A_583 = tpu.memref_slice %arg7[%scatter3A_580, %scatter3A_581, %scatter3A_582] : memref<3x16x1024xf32, #tpu.memory_space<vmem>> -> memref<1x16x1024xf32, #tpu.memory_space<vmem>>
          %scatter3A_584 = tpu.memref_squeeze %scatter3A_583 : memref<1x16x1024xf32, #tpu.memory_space<vmem>> -> memref<16x1024xf32, #tpu.memory_space<vmem>>
          tpu.vector_store_idx %scatter3A_584[%broadcast_in_dim3A, %add3A_575], %mul3A_579 : memref<16x1024xf32, #tpu.memory_space<vmem>>[vector<16xi32>, vector<16xi32>], vector<16xf32>,
          %sub3A_585 = arith.subf %max3A_572, %max3A_568 : vector<16xf32>
          %mul3A_586 = arith.constant 5.000000e-01 : f32
          %mul3A_587 = vector.broadcast %mul3A_586 : f32 to vector<16xf32>
          %mul3A_588 = arith.mulf %sub3A_585, %mul3A_587 : vector<16xf32>
          %scatter3A_589 = arith.constant 0 : i32
          %scatter3A_590 = arith.constant 0 : i32
          %scatter3A_591 = arith.constant 0 : i32
          %scatter3A_592 = tpu.memref_slice %arg8[%scatter3A_589, %scatter3A_590, %scatter3A_591] : memref<3x16x1024xf32, #tpu.memory_space<vmem>> -> memref<1x16x1024xf32, #tpu.memory_space<vmem>>
          %scatter3A_593 = tpu.memref_squeeze %scatter3A_592 : memref<1x16x1024xf32, #tpu.memory_space<vmem>> -> memref<16x1024xf32, #tpu.memory_space<vmem>>
          tpu.vector_store_idx %scatter3A_593[%broadcast_in_dim3A, %add3A_575], %mul3A_588 : memref<16x1024xf32, #tpu.memory_space<vmem>>[vector<16xi32>, vector<16xi32>], vector<16xf32>,
          %sub3A_594 = arith.subf %gather3A_417, %gather3A_423 : vector<16xf32>
          %max3A_595 = arith.constant 0.000000e+00 : f32
          %max3A_596 = vector.broadcast %max3A_595 : f32 to vector<16xf32>
          %max3A_597 = arith.maximumf %sub3A_594, %max3A_596 : vector<16xf32>
          %add3A_598 = arith.addf %gather3A_417, %gather3A_423 : vector<16xf32>
          %max3A_599 = arith.constant 0.000000e+00 : f32
          %max3A_600 = vector.broadcast %max3A_599 : f32 to vector<16xf32>
          %max3A_601 = arith.maximumf %add3A_598, %max3A_600 : vector<16xf32>
          %add3A_602 = arith.constant 80 : i32
          %add3A_603 = vector.broadcast %add3A_602 : i32 to vector<16xi32>
          %add3A_604 = arith.addi %iota3A, %add3A_603 : vector<16xi32>
          %add3A_605 = arith.addf %max3A_597, %max3A_601 : vector<16xf32>
          %mul3A_606 = arith.constant 5.000000e-01 : f32
          %mul3A_607 = vector.broadcast %mul3A_606 : f32 to vector<16xf32>
          %mul3A_608 = arith.mulf %add3A_605, %mul3A_607 : vector<16xf32>
          %scatter3A_609 = arith.constant 0 : i32
          %scatter3A_610 = arith.constant 0 : i32
          %scatter3A_611 = arith.constant 0 : i32
          %scatter3A_612 = tpu.memref_slice %arg7[%scatter3A_609, %scatter3A_610, %scatter3A_611] : memref<3x16x1024xf32, #tpu.memory_space<vmem>> -> memref<1x16x1024xf32, #tpu.memory_space<vmem>>
          %scatter3A_613 = tpu.memref_squeeze %scatter3A_612 : memref<1x16x1024xf32, #tpu.memory_space<vmem>> -> memref<16x1024xf32, #tpu.memory_space<vmem>>
          tpu.vector_store_idx %scatter3A_613[%broadcast_in_dim3A, %add3A_604], %mul3A_608 : memref<16x1024xf32, #tpu.memory_space<vmem>>[vector<16xi32>, vector<16xi32>], vector<16xf32>,
          %sub3A_614 = arith.subf %max3A_601, %max3A_597 : vector<16xf32>
          %mul3A_615 = arith.constant 5.000000e-01 : f32
          %mul3A_616 = vector.broadcast %mul3A_615 : f32 to vector<16xf32>
          %mul3A_617 = arith.mulf %sub3A_614, %mul3A_616 : vector<16xf32>
          %scatter3A_618 = arith.constant 0 : i32
          %scatter3A_619 = arith.constant 0 : i32
          %scatter3A_620 = arith.constant 0 : i32
          %scatter3A_621 = tpu.memref_slice %arg8[%scatter3A_618, %scatter3A_619, %scatter3A_620] : memref<3x16x1024xf32, #tpu.memory_space<vmem>> -> memref<1x16x1024xf32, #tpu.memory_space<vmem>>
          %scatter3A_622 = tpu.memref_squeeze %scatter3A_621 : memref<1x16x1024xf32, #tpu.memory_space<vmem>> -> memref<16x1024xf32, #tpu.memory_space<vmem>>
          tpu.vector_store_idx %scatter3A_622[%broadcast_in_dim3A, %add3A_604], %mul3A_617 : memref<16x1024xf32, #tpu.memory_space<vmem>>[vector<16xi32>, vector<16xi32>], vector<16xf32>,
          %sub3A_623 = arith.subf %gather3A_431, %gather3A_437 : vector<16xf32>
          %max3A_624 = arith.constant 0.000000e+00 : f32
          %max3A_625 = vector.broadcast %max3A_624 : f32 to vector<16xf32>
          %max3A_626 = arith.maximumf %sub3A_623, %max3A_625 : vector<16xf32>
          %add3A_627 = arith.addf %gather3A_431, %gather3A_437 : vector<16xf32>
          %max3A_628 = arith.constant 0.000000e+00 : f32
          %max3A_629 = vector.broadcast %max3A_628 : f32 to vector<16xf32>
          %max3A_630 = arith.maximumf %add3A_627, %max3A_629 : vector<16xf32>
          %add3A_631 = arith.constant 96 : i32
          %add3A_632 = vector.broadcast %add3A_631 : i32 to vector<16xi32>
          %add3A_633 = arith.addi %iota3A, %add3A_632 : vector<16xi32>
          %add3A_634 = arith.addf %max3A_626, %max3A_630 : vector<16xf32>
          %mul3A_635 = arith.constant 5.000000e-01 : f32
          %mul3A_636 = vector.broadcast %mul3A_635 : f32 to vector<16xf32>
          %mul3A_637 = arith.mulf %add3A_634, %mul3A_636 : vector<16xf32>
          %scatter3A_638 = arith.constant 0 : i32
          %scatter3A_639 = arith.constant 0 : i32
          %scatter3A_640 = arith.constant 0 : i32
          %scatter3A_641 = tpu.memref_slice %arg7[%scatter3A_638, %scatter3A_639, %scatter3A_640] : memref<3x16x1024xf32, #tpu.memory_space<vmem>> -> memref<1x16x1024xf32, #tpu.memory_space<vmem>>
          %scatter3A_642 = tpu.memref_squeeze %scatter3A_641 : memref<1x16x1024xf32, #tpu.memory_space<vmem>> -> memref<16x1024xf32, #tpu.memory_space<vmem>>
          tpu.vector_store_idx %scatter3A_642[%broadcast_in_dim3A, %add3A_633], %mul3A_637 : memref<16x1024xf32, #tpu.memory_space<vmem>>[vector<16xi32>, vector<16xi32>], vector<16xf32>,
          %sub3A_643 = arith.subf %max3A_630, %max3A_626 : vector<16xf32>
          %mul3A_644 = arith.constant 5.000000e-01 : f32
          %mul3A_645 = vector.broadcast %mul3A_644 : f32 to vector<16xf32>
          %mul3A_646 = arith.mulf %sub3A_643, %mul3A_645 : vector<16xf32>
          %scatter3A_647 = arith.constant 0 : i32
          %scatter3A_648 = arith.constant 0 : i32
          %scatter3A_649 = arith.constant 0 : i32
          %scatter3A_650 = tpu.memref_slice %arg8[%scatter3A_647, %scatter3A_648, %scatter3A_649] : memref<3x16x1024xf32, #tpu.memory_space<vmem>> -> memref<1x16x1024xf32, #tpu.memory_space<vmem>>
          %scatter3A_651 = tpu.memref_squeeze %scatter3A_650 : memref<1x16x1024xf32, #tpu.memory_space<vmem>> -> memref<16x1024xf32, #tpu.memory_space<vmem>>
          tpu.vector_store_idx %scatter3A_651[%broadcast_in_dim3A, %add3A_633], %mul3A_646 : memref<16x1024xf32, #tpu.memory_space<vmem>>[vector<16xi32>, vector<16xi32>], vector<16xf32>,
          %sub3A_652 = arith.subf %gather3A_445, %gather3A_451 : vector<16xf32>
          %max3A_653 = arith.constant 0.000000e+00 : f32
          %max3A_654 = vector.broadcast %max3A_653 : f32 to vector<16xf32>
          %max3A_655 = arith.maximumf %sub3A_652, %max3A_654 : vector<16xf32>
          %add3A_656 = arith.addf %gather3A_445, %gather3A_451 : vector<16xf32>
          %max3A_657 = arith.constant 0.000000e+00 : f32
          %max3A_658 = vector.broadcast %max3A_657 : f32 to vector<16xf32>
          %max3A_659 = arith.maximumf %add3A_656, %max3A_658 : vector<16xf32>
          %add3A_660 = arith.constant 112 : i32
          %add3A_661 = vector.broadcast %add3A_660 : i32 to vector<16xi32>
          %add3A_662 = arith.addi %iota3A, %add3A_661 : vector<16xi32>
          %add3A_663 = arith.addf %max3A_655, %max3A_659 : vector<16xf32>
          %mul3A_664 = arith.constant 5.000000e-01 : f32
          %mul3A_665 = vector.broadcast %mul3A_664 : f32 to vector<16xf32>
          %mul3A_666 = arith.mulf %add3A_663, %mul3A_665 : vector<16xf32>
          %scatter3A_667 = arith.constant 0 : i32
          %scatter3A_668 = arith.constant 0 : i32
          %scatter3A_669 = arith.constant 0 : i32
          %scatter3A_670 = tpu.memref_slice %arg7[%scatter3A_667, %scatter3A_668, %scatter3A_669] : memref<3x16x1024xf32, #tpu.memory_space<vmem>> -> memref<1x16x1024xf32, #tpu.memory_space<vmem>>
          %scatter3A_671 = tpu.memref_squeeze %scatter3A_670 : memref<1x16x1024xf32, #tpu.memory_space<vmem>> -> memref<16x1024xf32, #tpu.memory_space<vmem>>
          tpu.vector_store_idx %scatter3A_671[%broadcast_in_dim3A, %add3A_662], %mul3A_666 : memref<16x1024xf32, #tpu.memory_space<vmem>>[vector<16xi32>, vector<16xi32>], vector<16xf32>,
          %sub3A_672 = arith.subf %max3A_659, %max3A_655 : vector<16xf32>
          %mul3A_673 = arith.constant 5.000000e-01 : f32
          %mul3A_674 = vector.broadcast %mul3A_673 : f32 to vector<16xf32>
          %mul3A_675 = arith.mulf %sub3A_672, %mul3A_674 : vector<16xf32>
          %scatter3A_676 = arith.constant 0 : i32
          %scatter3A_677 = arith.constant 0 : i32
          %scatter3A_678 = arith.constant 0 : i32
          %scatter3A_679 = tpu.memref_slice %arg8[%scatter3A_676, %scatter3A_677, %scatter3A_678] : memref<3x16x1024xf32, #tpu.memory_space<vmem>> -> memref<1x16x1024xf32, #tpu.memory_space<vmem>>
          %scatter3A_680 = tpu.memref_squeeze %scatter3A_679 : memref<1x16x1024xf32, #tpu.memory_space<vmem>> -> memref<16x1024xf32, #tpu.memory_space<vmem>>
          tpu.vector_store_idx %scatter3A_680[%broadcast_in_dim3A, %add3A_662], %mul3A_675 : memref<16x1024xf32, #tpu.memory_space<vmem>>[vector<16xi32>, vector<16xi32>], vector<16xf32>,
        }
        %scan3A_293 = arith.constant 16 : i32
        %mul3A_294 = arith.constant 16 : i32
        %mul3A_295 = arith.muli %add3A_232, %mul3A_294 : i32
        %add3A_296 = arith.addi %mul3A_2, %mul3A_295 : i32
        %dma_start3A_297 = arith.constant 0 : i32
        %dma_start3A_298 = arith.constant 0 : i32
        %dma_start3A_299 = arith.constant 0 : i32
        %dma_start3A_300 = arith.constant 0 : i32
        %dma_start3A_301 = tpu.memref_slice %arg7[%dma_start3A_297, %dma_start3A_299, %dma_start3A_300] : memref<3x16x1024xf32, #tpu.memory_space<vmem>> -> memref<1x16x1024xf32, #tpu.memory_space<vmem>>
        %dma_start3A_302 = tpu.memref_squeeze %dma_start3A_301 : memref<1x16x1024xf32, #tpu.memory_space<vmem>> -> memref<16x1024xf32, #tpu.memory_space<vmem>>
        %dma_start3A_303 = arith.constant 0 : i32
        %dma_start3A_304 = arith.constant 0 : i32
        %dma_start3A_305 = tpu.memref_slice %arg5[%dma_start3A_298, %dma_start3A_303, %dma_start3A_304] : memref<2x16384x1024xf32, #tpu.memory_space<hbm>> -> memref<1x16384x1024xf32, #tpu.memory_space<hbm>>
        %dma_start3A_306 = tpu.memref_squeeze %dma_start3A_305 : memref<1x16384x1024xf32, #tpu.memory_space<hbm>> -> memref<16384x1024xf32, #tpu.memory_space<hbm>>
        %dma_start3A_307 = arith.constant 0 : i32
        %dma_start3A_308 = tpu.memref_slice %dma_start3A_306[%add3A_296, %dma_start3A_307] : memref<16384x1024xf32, #tpu.memory_space<hbm>> -> memref<16x1024xf32, #tpu.memory_space<hbm>>
        %dma_start3A_309 = arith.constant 0 : i32
        %dma_start3A_310 = arith.constant 0 : i32
        %dma_start3A_311 = tpu.memref_slice %arg5[%dma_start3A_298, %dma_start3A_309, %dma_start3A_310] : memref<2x16384x1024xf32, #tpu.memory_space<hbm>> -> memref<1x16384x1024xf32, #tpu.memory_space<hbm>>
        %dma_start3A_312 = tpu.memref_squeeze %dma_start3A_311 : memref<1x16384x1024xf32, #tpu.memory_space<hbm>> -> memref<16384x1024xf32, #tpu.memory_space<hbm>>
        %dma_start3A_313 = arith.constant 0 : i32
        %dma_start3A_314 = tpu.memref_slice %dma_start3A_312[%add3A_296, %dma_start3A_313] : memref<16384x1024xf32, #tpu.memory_space<hbm>> -> memref<16x1024xf32, #tpu.memory_space<hbm>>
        %dma_start3A_315 = arith.constant 0 : i32
        %dma_start3A_316 = arith.constant 0 : i32
        %dma_start3A_317 = tpu.memref_slice %arg7[%dma_start3A_297, %dma_start3A_315, %dma_start3A_316] : memref<3x16x1024xf32, #tpu.memory_space<vmem>> -> memref<1x16x1024xf32, #tpu.memory_space<vmem>>
        %dma_start3A_318 = tpu.memref_squeeze %dma_start3A_317 : memref<1x16x1024xf32, #tpu.memory_space<vmem>> -> memref<16x1024xf32, #tpu.memory_space<vmem>>
        tpu.enqueue_dma source(%dma_start3A_318 : memref<16x1024xf32, #tpu.memory_space<vmem>>) target(%dma_start3A_314 : memref<16x1024xf32, #tpu.memory_space<hbm>>) target_semaphore(%arg10 : memref<!tpu.dma_semaphore, #tpu.memory_space<semaphore_mem>>)
        %dma_start3A_319 = arith.constant 0 : i32
        %dma_start3A_320 = arith.constant 1 : i32
        %dma_start3A_321 = arith.constant 0 : i32
        %dma_start3A_322 = arith.constant 0 : i32
        %dma_start3A_323 = tpu.memref_slice %arg8[%dma_start3A_319, %dma_start3A_321, %dma_start3A_322] : memref<3x16x1024xf32, #tpu.memory_space<vmem>> -> memref<1x16x1024xf32, #tpu.memory_space<vmem>>
        %dma_start3A_324 = tpu.memref_squeeze %dma_start3A_323 : memref<1x16x1024xf32, #tpu.memory_space<vmem>> -> memref<16x1024xf32, #tpu.memory_space<vmem>>
        %dma_start3A_325 = arith.constant 0 : i32
        %dma_start3A_326 = arith.constant 0 : i32
        %dma_start3A_327 = tpu.memref_slice %arg5[%dma_start3A_320, %dma_start3A_325, %dma_start3A_326] : memref<2x16384x1024xf32, #tpu.memory_space<hbm>> -> memref<1x16384x1024xf32, #tpu.memory_space<hbm>>
        %dma_start3A_328 = tpu.memref_squeeze %dma_start3A_327 : memref<1x16384x1024xf32, #tpu.memory_space<hbm>> -> memref<16384x1024xf32, #tpu.memory_space<hbm>>
        %dma_start3A_329 = arith.constant 0 : i32
        %dma_start3A_330 = tpu.memref_slice %dma_start3A_328[%add3A_296, %dma_start3A_329] : memref<16384x1024xf32, #tpu.memory_space<hbm>> -> memref<16x1024xf32, #tpu.memory_space<hbm>>
        %dma_start3A_331 = arith.constant 0 : i32
        %dma_start3A_332 = arith.constant 0 : i32
        %dma_start3A_333 = tpu.memref_slice %arg5[%dma_start3A_320, %dma_start3A_331, %dma_start3A_332] : memref<2x16384x1024xf32, #tpu.memory_space<hbm>> -> memref<1x16384x1024xf32, #tpu.memory_space<hbm>>
        %dma_start3A_334 = tpu.memref_squeeze %dma_start3A_333 : memref<1x16384x1024xf32, #tpu.memory_space<hbm>> -> memref<16384x1024xf32, #tpu.memory_space<hbm>>
        %dma_start3A_335 = arith.constant 0 : i32
        %dma_start3A_336 = tpu.memref_slice %dma_start3A_334[%add3A_296, %dma_start3A_335] : memref<16384x1024xf32, #tpu.memory_space<hbm>> -> memref<16x1024xf32, #tpu.memory_space<hbm>>
        %dma_start3A_337 = arith.constant 0 : i32
        %dma_start3A_338 = arith.constant 0 : i32
        %dma_start3A_339 = tpu.memref_slice %arg8[%dma_start3A_319, %dma_start3A_337, %dma_start3A_338] : memref<3x16x1024xf32, #tpu.memory_space<vmem>> -> memref<1x16x1024xf32, #tpu.memory_space<vmem>>
        %dma_start3A_340 = tpu.memref_squeeze %dma_start3A_339 : memref<1x16x1024xf32, #tpu.memory_space<vmem>> -> memref<16x1024xf32, #tpu.memory_space<vmem>>
        tpu.enqueue_dma source(%dma_start3A_340 : memref<16x1024xf32, #tpu.memory_space<vmem>>) target(%dma_start3A_336 : memref<16x1024xf32, #tpu.memory_space<hbm>>) target_semaphore(%arg10 : memref<!tpu.dma_semaphore, #tpu.memory_space<semaphore_mem>>)
      } else {
      }
      %add3A_235 = arith.constant 1 : i32
      %add3A_236 = arith.addi %mul3A_230, %add3A_235 : i32
      %lt3A_237 = arith.constant 32 : i32
      %lt3A_238 = arith.cmpi slt, %add3A_236, %lt3A_237 : i32
      %convert_element_type3A_239 = arith.extui %lt3A_238 : i1 to i32
      %cond3A_240 = arith.constant 0 : i32
      %cond3A_241 = arith.cmpi ne, %convert_element_type3A_239, %cond3A_240 : i32
      scf.if %cond3A_241 {
        %add3A_249 = arith.constant 1 : i32
        %add3A_250 = arith.addi %add3A_236, %add3A_249 : i32
        %ge3A = arith.constant 3 : i32
        %ge3A_251 = arith.cmpi sge, %add3A_250, %ge3A : i32
        %add3A_252 = arith.constant 1 : i32
        %add3A_253 = arith.addi %add3A_236, %add3A_252 : i32
        %lt3A_254 = arith.constant 32 : i32
        %lt3A_255 = arith.cmpi slt, %add3A_253, %lt3A_254 : i32
        %and3A = arith.andi %ge3A_251, %lt3A_255 : i1
        %convert_element_type3A_256 = arith.extui %and3A : i1 to i32
        %cond3A_257 = arith.constant 0 : i32
        %cond3A_258 = arith.cmpi ne, %convert_element_type3A_256, %cond3A_257 : i32
        scf.if %cond3A_258 {
          %add3A_341 = arith.constant 1 : i32
          %add3A_342 = arith.addi %add3A_236, %add3A_341 : i32
          %sub3A = arith.constant 3 : i32
          %sub3A_343 = arith.subi %add3A_342, %sub3A : i32
          %mul3A_344 = arith.constant 16 : i32
          %mul3A_345 = arith.muli %sub3A_343, %mul3A_344 : i32
          %add3A_346 = arith.addi %mul3A_2, %mul3A_345 : i32
          %dma_wait3A_347 = arith.constant 2 : i32
          %dma_wait3A_348 = arith.constant 0 : i32
          %dma_wait3A_349 = arith.constant 0 : i32
          %dma_wait3A_350 = arith.constant 0 : i32
          %dma_wait3A_351 = tpu.memref_slice %arg7[%dma_wait3A_347, %dma_wait3A_349, %dma_wait3A_350] : memref<3x16x1024xf32, #tpu.memory_space<vmem>> -> memref<1x16x1024xf32, #tpu.memory_space<vmem>>
          %dma_wait3A_352 = tpu.memref_squeeze %dma_wait3A_351 : memref<1x16x1024xf32, #tpu.memory_space<vmem>> -> memref<16x1024xf32, #tpu.memory_space<vmem>>
          %dma_wait3A_353 = arith.constant 0 : i32
          %dma_wait3A_354 = arith.constant 0 : i32
          %dma_wait3A_355 = tpu.memref_slice %arg5[%dma_wait3A_348, %dma_wait3A_353, %dma_wait3A_354] : memref<2x16384x1024xf32, #tpu.memory_space<hbm>> -> memref<1x16384x1024xf32, #tpu.memory_space<hbm>>
          %dma_wait3A_356 = tpu.memref_squeeze %dma_wait3A_355 : memref<1x16384x1024xf32, #tpu.memory_space<hbm>> -> memref<16384x1024xf32, #tpu.memory_space<hbm>>
          %dma_wait3A_357 = arith.constant 0 : i32
          %dma_wait3A_358 = tpu.memref_slice %dma_wait3A_356[%add3A_346, %dma_wait3A_357] : memref<16384x1024xf32, #tpu.memory_space<hbm>> -> memref<16x1024xf32, #tpu.memory_space<hbm>>
          %dma_wait3A_359 = arith.constant 0 : i32
          %dma_wait3A_360 = arith.constant 0 : i32
          %dma_wait3A_361 = tpu.memref_slice %arg5[%dma_wait3A_348, %dma_wait3A_359, %dma_wait3A_360] : memref<2x16384x1024xf32, #tpu.memory_space<hbm>> -> memref<1x16384x1024xf32, #tpu.memory_space<hbm>>
          %dma_wait3A_362 = tpu.memref_squeeze %dma_wait3A_361 : memref<1x16384x1024xf32, #tpu.memory_space<hbm>> -> memref<16384x1024xf32, #tpu.memory_space<hbm>>
          %dma_wait3A_363 = arith.constant 0 : i32
          %dma_wait3A_364 = tpu.memref_slice %dma_wait3A_362[%add3A_346, %dma_wait3A_363] : memref<16384x1024xf32, #tpu.memory_space<hbm>> -> memref<16x1024xf32, #tpu.memory_space<hbm>>
          %dma_wait3A_365 = arith.constant 0 : i32
          %dma_wait3A_366 = arith.constant 0 : i32
          %dma_wait3A_367 = tpu.memref_slice %arg7[%dma_wait3A_347, %dma_wait3A_365, %dma_wait3A_366] : memref<3x16x1024xf32, #tpu.memory_space<vmem>> -> memref<1x16x1024xf32, #tpu.memory_space<vmem>>
          %dma_wait3A_368 = tpu.memref_squeeze %dma_wait3A_367 : memref<1x16x1024xf32, #tpu.memory_space<vmem>> -> memref<16x1024xf32, #tpu.memory_space<vmem>>
          tpu.wait_dma2 semaphore(%arg10 : memref<!tpu.dma_semaphore, #tpu.memory_space<semaphore_mem>>) src(%dma_wait3A_368 : memref<16x1024xf32, #tpu.memory_space<vmem>>) dst(%dma_wait3A_364 : memref<16x1024xf32, #tpu.memory_space<hbm>>)
          %dma_wait3A_369 = arith.constant 2 : i32
          %dma_wait3A_370 = arith.constant 1 : i32
          %dma_wait3A_371 = arith.constant 0 : i32
          %dma_wait3A_372 = arith.constant 0 : i32
          %dma_wait3A_373 = tpu.memref_slice %arg8[%dma_wait3A_369, %dma_wait3A_371, %dma_wait3A_372] : memref<3x16x1024xf32, #tpu.memory_space<vmem>> -> memref<1x16x1024xf32, #tpu.memory_space<vmem>>
          %dma_wait3A_374 = tpu.memref_squeeze %dma_wait3A_373 : memref<1x16x1024xf32, #tpu.memory_space<vmem>> -> memref<16x1024xf32, #tpu.memory_space<vmem>>
          %dma_wait3A_375 = arith.constant 0 : i32
          %dma_wait3A_376 = arith.constant 0 : i32
          %dma_wait3A_377 = tpu.memref_slice %arg5[%dma_wait3A_370, %dma_wait3A_375, %dma_wait3A_376] : memref<2x16384x1024xf32, #tpu.memory_space<hbm>> -> memref<1x16384x1024xf32, #tpu.memory_space<hbm>>
          %dma_wait3A_378 = tpu.memref_squeeze %dma_wait3A_377 : memref<1x16384x1024xf32, #tpu.memory_space<hbm>> -> memref<16384x1024xf32, #tpu.memory_space<hbm>>
          %dma_wait3A_379 = arith.constant 0 : i32
          %dma_wait3A_380 = tpu.memref_slice %dma_wait3A_378[%add3A_346, %dma_wait3A_379] : memref<16384x1024xf32, #tpu.memory_space<hbm>> -> memref<16x1024xf32, #tpu.memory_space<hbm>>
          %dma_wait3A_381 = arith.constant 0 : i32
          %dma_wait3A_382 = arith.constant 0 : i32
          %dma_wait3A_383 = tpu.memref_slice %arg5[%dma_wait3A_370, %dma_wait3A_381, %dma_wait3A_382] : memref<2x16384x1024xf32, #tpu.memory_space<hbm>> -> memref<1x16384x1024xf32, #tpu.memory_space<hbm>>
          %dma_wait3A_384 = tpu.memref_squeeze %dma_wait3A_383 : memref<1x16384x1024xf32, #tpu.memory_space<hbm>> -> memref<16384x1024xf32, #tpu.memory_space<hbm>>
          %dma_wait3A_385 = arith.constant 0 : i32
          %dma_wait3A_386 = tpu.memref_slice %dma_wait3A_384[%add3A_346, %dma_wait3A_385] : memref<16384x1024xf32, #tpu.memory_space<hbm>> -> memref<16x1024xf32, #tpu.memory_space<hbm>>
          %dma_wait3A_387 = arith.constant 0 : i32
          %dma_wait3A_388 = arith.constant 0 : i32
          %dma_wait3A_389 = tpu.memref_slice %arg8[%dma_wait3A_369, %dma_wait3A_387, %dma_wait3A_388] : memref<3x16x1024xf32, #tpu.memory_space<vmem>> -> memref<1x16x1024xf32, #tpu.memory_space<vmem>>
          %dma_wait3A_390 = tpu.memref_squeeze %dma_wait3A_389 : memref<1x16x1024xf32, #tpu.memory_space<vmem>> -> memref<16x1024xf32, #tpu.memory_space<vmem>>
          tpu.wait_dma2 semaphore(%arg10 : memref<!tpu.dma_semaphore, #tpu.memory_space<semaphore_mem>>) src(%dma_wait3A_390 : memref<16x1024xf32, #tpu.memory_space<vmem>>) dst(%dma_wait3A_386 : memref<16x1024xf32, #tpu.memory_space<hbm>>)
          %add3A_391 = arith.constant 1 : i32
          %add3A_392 = arith.addi %add3A_236, %add3A_391 : i32
          %mul3A_393 = arith.constant 16 : i32
          %mul3A_394 = arith.muli %add3A_392, %mul3A_393 : i32
          %add3A_395 = arith.addi %mul3A_2, %mul3A_394 : i32
          %dma_start3A_396 = arith.constant 2 : i32
          %dma_start3A_397 = arith.constant 0 : i32
          %dma_start3A_398 = arith.constant 0 : i32
          %dma_start3A_399 = tpu.memref_slice %arg7[%dma_start3A_396, %dma_start3A_397, %dma_start3A_398] : memref<3x16x1024xf32, #tpu.memory_space<vmem>> -> memref<1x16x1024xf32, #tpu.memory_space<vmem>>
          %dma_start3A_400 = tpu.memref_squeeze %dma_start3A_399 : memref<1x16x1024xf32, #tpu.memory_space<vmem>> -> memref<16x1024xf32, #tpu.memory_space<vmem>>
          %dma_start3A_401 = arith.constant 0 : i32
          %dma_start3A_402 = tpu.memref_slice %arg2[%add3A_395, %dma_start3A_401] : memref<16384x1024xf32, #tpu.memory_space<hbm>> -> memref<16x1024xf32, #tpu.memory_space<hbm>>
          %dma_start3A_403 = arith.constant 0 : i32
          %dma_start3A_404 = arith.constant 0 : i32
          %dma_start3A_405 = tpu.memref_slice %arg7[%dma_start3A_396, %dma_start3A_403, %dma_start3A_404] : memref<3x16x1024xf32, #tpu.memory_space<vmem>> -> memref<1x16x1024xf32, #tpu.memory_space<vmem>>
          %dma_start3A_406 = tpu.memref_squeeze %dma_start3A_405 : memref<1x16x1024xf32, #tpu.memory_space<vmem>> -> memref<16x1024xf32, #tpu.memory_space<vmem>>
          %dma_start3A_407 = arith.constant 0 : i32
          %dma_start3A_408 = tpu.memref_slice %arg2[%add3A_395, %dma_start3A_407] : memref<16384x1024xf32, #tpu.memory_space<hbm>> -> memref<16x1024xf32, #tpu.memory_space<hbm>>
          tpu.enqueue_dma source(%dma_start3A_408 : memref<16x1024xf32, #tpu.memory_space<hbm>>) target(%dma_start3A_406 : memref<16x1024xf32, #tpu.memory_space<vmem>>) target_semaphore(%arg9 : memref<!tpu.dma_semaphore, #tpu.memory_space<semaphore_mem>>)
          %dma_start3A_409 = arith.constant 2 : i32
          %dma_start3A_410 = arith.constant 0 : i32
          %dma_start3A_411 = arith.constant 0 : i32
          %dma_start3A_412 = tpu.memref_slice %arg8[%dma_start3A_409, %dma_start3A_410, %dma_start3A_411] : memref<3x16x1024xf32, #tpu.memory_space<vmem>> -> memref<1x16x1024xf32, #tpu.memory_space<vmem>>
          %dma_start3A_413 = tpu.memref_squeeze %dma_start3A_412 : memref<1x16x1024xf32, #tpu.memory_space<vmem>> -> memref<16x1024xf32, #tpu.memory_space<vmem>>
          %dma_start3A_414 = arith.constant 0 : i32
          %dma_start3A_415 = tpu.memref_slice %arg3[%add3A_395, %dma_start3A_414] : memref<16384x1024xf32, #tpu.memory_space<hbm>> -> memref<16x1024xf32, #tpu.memory_space<hbm>>
          %dma_start3A_416 = arith.constant 0 : i32
          %dma_start3A_417 = arith.constant 0 : i32
          %dma_start3A_418 = tpu.memref_slice %arg8[%dma_start3A_409, %dma_start3A_416, %dma_start3A_417] : memref<3x16x1024xf32, #tpu.memory_space<vmem>> -> memref<1x16x1024xf32, #tpu.memory_space<vmem>>
          %dma_start3A_419 = tpu.memref_squeeze %dma_start3A_418 : memref<1x16x1024xf32, #tpu.memory_space<vmem>> -> memref<16x1024xf32, #tpu.memory_space<vmem>>
          %dma_start3A_420 = arith.constant 0 : i32
          %dma_start3A_421 = tpu.memref_slice %arg3[%add3A_395, %dma_start3A_420] : memref<16384x1024xf32, #tpu.memory_space<hbm>> -> memref<16x1024xf32, #tpu.memory_space<hbm>>
          tpu.enqueue_dma source(%dma_start3A_421 : memref<16x1024xf32, #tpu.memory_space<hbm>>) target(%dma_start3A_419 : memref<16x1024xf32, #tpu.memory_space<vmem>>) target_semaphore(%arg9 : memref<!tpu.dma_semaphore, #tpu.memory_space<semaphore_mem>>)
        } else {
        }
        %mul3A_259 = arith.constant 16 : i32
        %mul3A_260 = arith.muli %add3A_236, %mul3A_259 : i32
        %add3A_261 = arith.addi %mul3A_2, %mul3A_260 : i32
        %dma_wait3A_262 = arith.constant 1 : i32
        %dma_wait3A_263 = arith.constant 0 : i32
        %dma_wait3A_264 = arith.constant 0 : i32
        %dma_wait3A_265 = tpu.memref_slice %arg7[%dma_wait3A_262, %dma_wait3A_263, %dma_wait3A_264] : memref<3x16x1024xf32, #tpu.memory_space<vmem>> -> memref<1x16x1024xf32, #tpu.memory_space<vmem>>
        %dma_wait3A_266 = tpu.memref_squeeze %dma_wait3A_265 : memref<1x16x1024xf32, #tpu.memory_space<vmem>> -> memref<16x1024xf32, #tpu.memory_space<vmem>>
        %dma_wait3A_267 = arith.constant 0 : i32
        %dma_wait3A_268 = tpu.memref_slice %arg2[%add3A_261, %dma_wait3A_267] : memref<16384x1024xf32, #tpu.memory_space<hbm>> -> memref<16x1024xf32, #tpu.memory_space<hbm>>
        %dma_wait3A_269 = arith.constant 0 : i32
        %dma_wait3A_270 = arith.constant 0 : i32
        %dma_wait3A_271 = tpu.memref_slice %arg7[%dma_wait3A_262, %dma_wait3A_269, %dma_wait3A_270] : memref<3x16x1024xf32, #tpu.memory_space<vmem>> -> memref<1x16x1024xf32, #tpu.memory_space<vmem>>
        %dma_wait3A_272 = tpu.memref_squeeze %dma_wait3A_271 : memref<1x16x1024xf32, #tpu.memory_space<vmem>> -> memref<16x1024xf32, #tpu.memory_space<vmem>>
        %dma_wait3A_273 = arith.constant 0 : i32
        %dma_wait3A_274 = tpu.memref_slice %arg2[%add3A_261, %dma_wait3A_273] : memref<16384x1024xf32, #tpu.memory_space<hbm>> -> memref<16x1024xf32, #tpu.memory_space<hbm>>
        tpu.wait_dma2 semaphore(%arg9 : memref<!tpu.dma_semaphore, #tpu.memory_space<semaphore_mem>>) src(%dma_wait3A_274 : memref<16x1024xf32, #tpu.memory_space<hbm>>) dst(%dma_wait3A_272 : memref<16x1024xf32, #tpu.memory_space<vmem>>)
        %dma_wait3A_275 = arith.constant 1 : i32
        %dma_wait3A_276 = arith.constant 0 : i32
        %dma_wait3A_277 = arith.constant 0 : i32
        %dma_wait3A_278 = tpu.memref_slice %arg8[%dma_wait3A_275, %dma_wait3A_276, %dma_wait3A_277] : memref<3x16x1024xf32, #tpu.memory_space<vmem>> -> memref<1x16x1024xf32, #tpu.memory_space<vmem>>
        %dma_wait3A_279 = tpu.memref_squeeze %dma_wait3A_278 : memref<1x16x1024xf32, #tpu.memory_space<vmem>> -> memref<16x1024xf32, #tpu.memory_space<vmem>>
        %dma_wait3A_280 = arith.constant 0 : i32
        %dma_wait3A_281 = tpu.memref_slice %arg3[%add3A_261, %dma_wait3A_280] : memref<16384x1024xf32, #tpu.memory_space<hbm>> -> memref<16x1024xf32, #tpu.memory_space<hbm>>
        %dma_wait3A_282 = arith.constant 0 : i32
        %dma_wait3A_283 = arith.constant 0 : i32
        %dma_wait3A_284 = tpu.memref_slice %arg8[%dma_wait3A_275, %dma_wait3A_282, %dma_wait3A_283] : memref<3x16x1024xf32, #tpu.memory_space<vmem>> -> memref<1x16x1024xf32, #tpu.memory_space<vmem>>
        %dma_wait3A_285 = tpu.memref_squeeze %dma_wait3A_284 : memref<1x16x1024xf32, #tpu.memory_space<vmem>> -> memref<16x1024xf32, #tpu.memory_space<vmem>>
        %dma_wait3A_286 = arith.constant 0 : i32
        %dma_wait3A_287 = tpu.memref_slice %arg3[%add3A_261, %dma_wait3A_286] : memref<16384x1024xf32, #tpu.memory_space<hbm>> -> memref<16x1024xf32, #tpu.memory_space<hbm>>
        tpu.wait_dma2 semaphore(%arg9 : memref<!tpu.dma_semaphore, #tpu.memory_space<semaphore_mem>>) src(%dma_wait3A_287 : memref<16x1024xf32, #tpu.memory_space<hbm>>) dst(%dma_wait3A_285 : memref<16x1024xf32, #tpu.memory_space<vmem>>)
        %scan3A_288 = arith.constant 0 : i32
        %scan3A_289 = arith.constant 0 : i32
        %scan3A_290 = arith.constant 16 : i32
        %scan3A_291 = arith.addi %scan3A_289, %scan3A_290 : i32
        %scan3A_292 = arith.constant 1 : i32
        scf.for %scan3A_341 = %scan3A_289 to %scan3A_291 step %scan3A_292  : i32 {
          %broadcast_in_dim3A = vector.broadcast %scan3A_341 : i32 to vector<16xi32>
          %get3A = arith.constant 0 : index
          %get3A_342 = tpu.vector_load %arg6[%get3A] {strides = array<i32>} : memref<128xi32, #tpu.memory_space<vmem>>, vector<16xi32>,
          %gather3A = arith.constant 1 : i32
          %gather3A_343 = arith.constant 0 : i32
          %gather3A_344 = arith.constant 0 : i32
          %gather3A_345 = tpu.memref_slice %arg7[%gather3A, %gather3A_343, %gather3A_344] : memref<3x16x1024xf32, #tpu.memory_space<vmem>> -> memref<1x16x1024xf32, #tpu.memory_space<vmem>>
          %gather3A_346 = tpu.memref_squeeze %gather3A_345 : memref<1x16x1024xf32, #tpu.memory_space<vmem>> -> memref<16x1024xf32, #tpu.memory_space<vmem>>
          %gather3A_347 = tpu.vector_load_idx %gather3A_346[%broadcast_in_dim3A, %get3A_342] : memref<16x1024xf32, #tpu.memory_space<vmem>>[vector<16xi32>, vector<16xi32>], vector<16xf32>,
          %gather3A_348 = arith.constant 1 : i32
          %gather3A_349 = arith.constant 0 : i32
          %gather3A_350 = arith.constant 0 : i32
          %gather3A_351 = tpu.memref_slice %arg8[%gather3A_348, %gather3A_349, %gather3A_350] : memref<3x16x1024xf32, #tpu.memory_space<vmem>> -> memref<1x16x1024xf32, #tpu.memory_space<vmem>>
          %gather3A_352 = tpu.memref_squeeze %gather3A_351 : memref<1x16x1024xf32, #tpu.memory_space<vmem>> -> memref<16x1024xf32, #tpu.memory_space<vmem>>
          %gather3A_353 = tpu.vector_load_idx %gather3A_352[%broadcast_in_dim3A, %get3A_342] : memref<16x1024xf32, #tpu.memory_space<vmem>>[vector<16xi32>, vector<16xi32>], vector<16xf32>,
          %get3A_354 = arith.constant 16 : index
          %get3A_355 = tpu.vector_load %arg6[%get3A_354] {strides = array<i32>} : memref<128xi32, #tpu.memory_space<vmem>>, vector<16xi32>,
          %gather3A_356 = arith.constant 1 : i32
          %gather3A_357 = arith.constant 0 : i32
          %gather3A_358 = arith.constant 0 : i32
          %gather3A_359 = tpu.memref_slice %arg7[%gather3A_356, %gather3A_357, %gather3A_358] : memref<3x16x1024xf32, #tpu.memory_space<vmem>> -> memref<1x16x1024xf32, #tpu.memory_space<vmem>>
          %gather3A_360 = tpu.memref_squeeze %gather3A_359 : memref<1x16x1024xf32, #tpu.memory_space<vmem>> -> memref<16x1024xf32, #tpu.memory_space<vmem>>
          %gather3A_361 = tpu.vector_load_idx %gather3A_360[%broadcast_in_dim3A, %get3A_355] : memref<16x1024xf32, #tpu.memory_space<vmem>>[vector<16xi32>, vector<16xi32>], vector<16xf32>,
          %gather3A_362 = arith.constant 1 : i32
          %gather3A_363 = arith.constant 0 : i32
          %gather3A_364 = arith.constant 0 : i32
          %gather3A_365 = tpu.memref_slice %arg8[%gather3A_362, %gather3A_363, %gather3A_364] : memref<3x16x1024xf32, #tpu.memory_space<vmem>> -> memref<1x16x1024xf32, #tpu.memory_space<vmem>>
          %gather3A_366 = tpu.memref_squeeze %gather3A_365 : memref<1x16x1024xf32, #tpu.memory_space<vmem>> -> memref<16x1024xf32, #tpu.memory_space<vmem>>
          %gather3A_367 = tpu.vector_load_idx %gather3A_366[%broadcast_in_dim3A, %get3A_355] : memref<16x1024xf32, #tpu.memory_space<vmem>>[vector<16xi32>, vector<16xi32>], vector<16xf32>,
          %get3A_368 = arith.constant 32 : index
          %get3A_369 = tpu.vector_load %arg6[%get3A_368] {strides = array<i32>} : memref<128xi32, #tpu.memory_space<vmem>>, vector<16xi32>,
          %gather3A_370 = arith.constant 1 : i32
          %gather3A_371 = arith.constant 0 : i32
          %gather3A_372 = arith.constant 0 : i32
          %gather3A_373 = tpu.memref_slice %arg7[%gather3A_370, %gather3A_371, %gather3A_372] : memref<3x16x1024xf32, #tpu.memory_space<vmem>> -> memref<1x16x1024xf32, #tpu.memory_space<vmem>>
          %gather3A_374 = tpu.memref_squeeze %gather3A_373 : memref<1x16x1024xf32, #tpu.memory_space<vmem>> -> memref<16x1024xf32, #tpu.memory_space<vmem>>
          %gather3A_375 = tpu.vector_load_idx %gather3A_374[%broadcast_in_dim3A, %get3A_369] : memref<16x1024xf32, #tpu.memory_space<vmem>>[vector<16xi32>, vector<16xi32>], vector<16xf32>,
          %gather3A_376 = arith.constant 1 : i32
          %gather3A_377 = arith.constant 0 : i32
          %gather3A_378 = arith.constant 0 : i32
          %gather3A_379 = tpu.memref_slice %arg8[%gather3A_376, %gather3A_377, %gather3A_378] : memref<3x16x1024xf32, #tpu.memory_space<vmem>> -> memref<1x16x1024xf32, #tpu.memory_space<vmem>>
          %gather3A_380 = tpu.memref_squeeze %gather3A_379 : memref<1x16x1024xf32, #tpu.memory_space<vmem>> -> memref<16x1024xf32, #tpu.memory_space<vmem>>
          %gather3A_381 = tpu.vector_load_idx %gather3A_380[%broadcast_in_dim3A, %get3A_369] : memref<16x1024xf32, #tpu.memory_space<vmem>>[vector<16xi32>, vector<16xi32>], vector<16xf32>,
          %get3A_382 = arith.constant 48 : index
          %get3A_383 = tpu.vector_load %arg6[%get3A_382] {strides = array<i32>} : memref<128xi32, #tpu.memory_space<vmem>>, vector<16xi32>,
          %gather3A_384 = arith.constant 1 : i32
          %gather3A_385 = arith.constant 0 : i32
          %gather3A_386 = arith.constant 0 : i32
          %gather3A_387 = tpu.memref_slice %arg7[%gather3A_384, %gather3A_385, %gather3A_386] : memref<3x16x1024xf32, #tpu.memory_space<vmem>> -> memref<1x16x1024xf32, #tpu.memory_space<vmem>>
          %gather3A_388 = tpu.memref_squeeze %gather3A_387 : memref<1x16x1024xf32, #tpu.memory_space<vmem>> -> memref<16x1024xf32, #tpu.memory_space<vmem>>
          %gather3A_389 = tpu.vector_load_idx %gather3A_388[%broadcast_in_dim3A, %get3A_383] : memref<16x1024xf32, #tpu.memory_space<vmem>>[vector<16xi32>, vector<16xi32>], vector<16xf32>,
          %gather3A_390 = arith.constant 1 : i32
          %gather3A_391 = arith.constant 0 : i32
          %gather3A_392 = arith.constant 0 : i32
          %gather3A_393 = tpu.memref_slice %arg8[%gather3A_390, %gather3A_391, %gather3A_392] : memref<3x16x1024xf32, #tpu.memory_space<vmem>> -> memref<1x16x1024xf32, #tpu.memory_space<vmem>>
          %gather3A_394 = tpu.memref_squeeze %gather3A_393 : memref<1x16x1024xf32, #tpu.memory_space<vmem>> -> memref<16x1024xf32, #tpu.memory_space<vmem>>
          %gather3A_395 = tpu.vector_load_idx %gather3A_394[%broadcast_in_dim3A, %get3A_383] : memref<16x1024xf32, #tpu.memory_space<vmem>>[vector<16xi32>, vector<16xi32>], vector<16xf32>,
          %get3A_396 = arith.constant 64 : index
          %get3A_397 = tpu.vector_load %arg6[%get3A_396] {strides = array<i32>} : memref<128xi32, #tpu.memory_space<vmem>>, vector<16xi32>,
          %gather3A_398 = arith.constant 1 : i32
          %gather3A_399 = arith.constant 0 : i32
          %gather3A_400 = arith.constant 0 : i32
          %gather3A_401 = tpu.memref_slice %arg7[%gather3A_398, %gather3A_399, %gather3A_400] : memref<3x16x1024xf32, #tpu.memory_space<vmem>> -> memref<1x16x1024xf32, #tpu.memory_space<vmem>>
          %gather3A_402 = tpu.memref_squeeze %gather3A_401 : memref<1x16x1024xf32, #tpu.memory_space<vmem>> -> memref<16x1024xf32, #tpu.memory_space<vmem>>
          %gather3A_403 = tpu.vector_load_idx %gather3A_402[%broadcast_in_dim3A, %get3A_397] : memref<16x1024xf32, #tpu.memory_space<vmem>>[vector<16xi32>, vector<16xi32>], vector<16xf32>,
          %gather3A_404 = arith.constant 1 : i32
          %gather3A_405 = arith.constant 0 : i32
          %gather3A_406 = arith.constant 0 : i32
          %gather3A_407 = tpu.memref_slice %arg8[%gather3A_404, %gather3A_405, %gather3A_406] : memref<3x16x1024xf32, #tpu.memory_space<vmem>> -> memref<1x16x1024xf32, #tpu.memory_space<vmem>>
          %gather3A_408 = tpu.memref_squeeze %gather3A_407 : memref<1x16x1024xf32, #tpu.memory_space<vmem>> -> memref<16x1024xf32, #tpu.memory_space<vmem>>
          %gather3A_409 = tpu.vector_load_idx %gather3A_408[%broadcast_in_dim3A, %get3A_397] : memref<16x1024xf32, #tpu.memory_space<vmem>>[vector<16xi32>, vector<16xi32>], vector<16xf32>,
          %get3A_410 = arith.constant 80 : index
          %get3A_411 = tpu.vector_load %arg6[%get3A_410] {strides = array<i32>} : memref<128xi32, #tpu.memory_space<vmem>>, vector<16xi32>,
          %gather3A_412 = arith.constant 1 : i32
          %gather3A_413 = arith.constant 0 : i32
          %gather3A_414 = arith.constant 0 : i32
          %gather3A_415 = tpu.memref_slice %arg7[%gather3A_412, %gather3A_413, %gather3A_414] : memref<3x16x1024xf32, #tpu.memory_space<vmem>> -> memref<1x16x1024xf32, #tpu.memory_space<vmem>>
          %gather3A_416 = tpu.memref_squeeze %gather3A_415 : memref<1x16x1024xf32, #tpu.memory_space<vmem>> -> memref<16x1024xf32, #tpu.memory_space<vmem>>
          %gather3A_417 = tpu.vector_load_idx %gather3A_416[%broadcast_in_dim3A, %get3A_411] : memref<16x1024xf32, #tpu.memory_space<vmem>>[vector<16xi32>, vector<16xi32>], vector<16xf32>,
          %gather3A_418 = arith.constant 1 : i32
          %gather3A_419 = arith.constant 0 : i32
          %gather3A_420 = arith.constant 0 : i32
          %gather3A_421 = tpu.memref_slice %arg8[%gather3A_418, %gather3A_419, %gather3A_420] : memref<3x16x1024xf32, #tpu.memory_space<vmem>> -> memref<1x16x1024xf32, #tpu.memory_space<vmem>>
          %gather3A_422 = tpu.memref_squeeze %gather3A_421 : memref<1x16x1024xf32, #tpu.memory_space<vmem>> -> memref<16x1024xf32, #tpu.memory_space<vmem>>
          %gather3A_423 = tpu.vector_load_idx %gather3A_422[%broadcast_in_dim3A, %get3A_411] : memref<16x1024xf32, #tpu.memory_space<vmem>>[vector<16xi32>, vector<16xi32>], vector<16xf32>,
          %get3A_424 = arith.constant 96 : index
          %get3A_425 = tpu.vector_load %arg6[%get3A_424] {strides = array<i32>} : memref<128xi32, #tpu.memory_space<vmem>>, vector<16xi32>,
          %gather3A_426 = arith.constant 1 : i32
          %gather3A_427 = arith.constant 0 : i32
          %gather3A_428 = arith.constant 0 : i32
          %gather3A_429 = tpu.memref_slice %arg7[%gather3A_426, %gather3A_427, %gather3A_428] : memref<3x16x1024xf32, #tpu.memory_space<vmem>> -> memref<1x16x1024xf32, #tpu.memory_space<vmem>>
          %gather3A_430 = tpu.memref_squeeze %gather3A_429 : memref<1x16x1024xf32, #tpu.memory_space<vmem>> -> memref<16x1024xf32, #tpu.memory_space<vmem>>
          %gather3A_431 = tpu.vector_load_idx %gather3A_430[%broadcast_in_dim3A, %get3A_425] : memref<16x1024xf32, #tpu.memory_space<vmem>>[vector<16xi32>, vector<16xi32>], vector<16xf32>,
          %gather3A_432 = arith.constant 1 : i32
          %gather3A_433 = arith.constant 0 : i32
          %gather3A_434 = arith.constant 0 : i32
          %gather3A_435 = tpu.memref_slice %arg8[%gather3A_432, %gather3A_433, %gather3A_434] : memref<3x16x1024xf32, #tpu.memory_space<vmem>> -> memref<1x16x1024xf32, #tpu.memory_space<vmem>>
          %gather3A_436 = tpu.memref_squeeze %gather3A_435 : memref<1x16x1024xf32, #tpu.memory_space<vmem>> -> memref<16x1024xf32, #tpu.memory_space<vmem>>
          %gather3A_437 = tpu.vector_load_idx %gather3A_436[%broadcast_in_dim3A, %get3A_425] : memref<16x1024xf32, #tpu.memory_space<vmem>>[vector<16xi32>, vector<16xi32>], vector<16xf32>,
          %get3A_438 = arith.constant 112 : index
          %get3A_439 = tpu.vector_load %arg6[%get3A_438] {strides = array<i32>} : memref<128xi32, #tpu.memory_space<vmem>>, vector<16xi32>,
          %gather3A_440 = arith.constant 1 : i32
          %gather3A_441 = arith.constant 0 : i32
          %gather3A_442 = arith.constant 0 : i32
          %gather3A_443 = tpu.memref_slice %arg7[%gather3A_440, %gather3A_441, %gather3A_442] : memref<3x16x1024xf32, #tpu.memory_space<vmem>> -> memref<1x16x1024xf32, #tpu.memory_space<vmem>>
          %gather3A_444 = tpu.memref_squeeze %gather3A_443 : memref<1x16x1024xf32, #tpu.memory_space<vmem>> -> memref<16x1024xf32, #tpu.memory_space<vmem>>
          %gather3A_445 = tpu.vector_load_idx %gather3A_444[%broadcast_in_dim3A, %get3A_439] : memref<16x1024xf32, #tpu.memory_space<vmem>>[vector<16xi32>, vector<16xi32>], vector<16xf32>,
          %gather3A_446 = arith.constant 1 : i32
          %gather3A_447 = arith.constant 0 : i32
          %gather3A_448 = arith.constant 0 : i32
          %gather3A_449 = tpu.memref_slice %arg8[%gather3A_446, %gather3A_447, %gather3A_448] : memref<3x16x1024xf32, #tpu.memory_space<vmem>> -> memref<1x16x1024xf32, #tpu.memory_space<vmem>>
          %gather3A_450 = tpu.memref_squeeze %gather3A_449 : memref<1x16x1024xf32, #tpu.memory_space<vmem>> -> memref<16x1024xf32, #tpu.memory_space<vmem>>
          %gather3A_451 = tpu.vector_load_idx %gather3A_450[%broadcast_in_dim3A, %get3A_439] : memref<16x1024xf32, #tpu.memory_space<vmem>>[vector<16xi32>, vector<16xi32>], vector<16xf32>,
          %iota3A = tpu.iota {dimensions = array<i32: 0>} : vector<16xi32>
          %sub3A = arith.subf %gather3A_347, %gather3A_353 : vector<16xf32>
          %max3A = arith.constant 0.000000e+00 : f32
          %max3A_452 = vector.broadcast %max3A : f32 to vector<16xf32>
          %max3A_453 = arith.maximumf %sub3A, %max3A_452 : vector<16xf32>
          %add3A_454 = arith.addf %gather3A_347, %gather3A_353 : vector<16xf32>
          %max3A_455 = arith.constant 0.000000e+00 : f32
          %max3A_456 = vector.broadcast %max3A_455 : f32 to vector<16xf32>
          %max3A_457 = arith.maximumf %add3A_454, %max3A_456 : vector<16xf32>
          %add3A_458 = arith.constant 0 : i32
          %add3A_459 = vector.broadcast %add3A_458 : i32 to vector<16xi32>
          %add3A_460 = arith.addi %iota3A, %add3A_459 : vector<16xi32>
          %add3A_461 = arith.addf %max3A_453, %max3A_457 : vector<16xf32>
          %mul3A_462 = arith.constant 5.000000e-01 : f32
          %mul3A_463 = vector.broadcast %mul3A_462 : f32 to vector<16xf32>
          %mul3A_464 = arith.mulf %add3A_461, %mul3A_463 : vector<16xf32>
          %scatter3A = arith.constant 1 : i32
          %scatter3A_465 = arith.constant 0 : i32
          %scatter3A_466 = arith.constant 0 : i32
          %scatter3A_467 = tpu.memref_slice %arg7[%scatter3A, %scatter3A_465, %scatter3A_466] : memref<3x16x1024xf32, #tpu.memory_space<vmem>> -> memref<1x16x1024xf32, #tpu.memory_space<vmem>>
          %scatter3A_468 = tpu.memref_squeeze %scatter3A_467 : memref<1x16x1024xf32, #tpu.memory_space<vmem>> -> memref<16x1024xf32, #tpu.memory_space<vmem>>
          tpu.vector_store_idx %scatter3A_468[%broadcast_in_dim3A, %add3A_460], %mul3A_464 : memref<16x1024xf32, #tpu.memory_space<vmem>>[vector<16xi32>, vector<16xi32>], vector<16xf32>,
          %sub3A_469 = arith.subf %max3A_457, %max3A_453 : vector<16xf32>
          %mul3A_470 = arith.constant 5.000000e-01 : f32
          %mul3A_471 = vector.broadcast %mul3A_470 : f32 to vector<16xf32>
          %mul3A_472 = arith.mulf %sub3A_469, %mul3A_471 : vector<16xf32>
          %scatter3A_473 = arith.constant 1 : i32
          %scatter3A_474 = arith.constant 0 : i32
          %scatter3A_475 = arith.constant 0 : i32
          %scatter3A_476 = tpu.memref_slice %arg8[%scatter3A_473, %scatter3A_474, %scatter3A_475] : memref<3x16x1024xf32, #tpu.memory_space<vmem>> -> memref<1x16x1024xf32, #tpu.memory_space<vmem>>
          %scatter3A_477 = tpu.memref_squeeze %scatter3A_476 : memref<1x16x1024xf32, #tpu.memory_space<vmem>> -> memref<16x1024xf32, #tpu.memory_space<vmem>>
          tpu.vector_store_idx %scatter3A_477[%broadcast_in_dim3A, %add3A_460], %mul3A_472 : memref<16x1024xf32, #tpu.memory_space<vmem>>[vector<16xi32>, vector<16xi32>], vector<16xf32>,
          %sub3A_478 = arith.subf %gather3A_361, %gather3A_367 : vector<16xf32>
          %max3A_479 = arith.constant 0.000000e+00 : f32
          %max3A_480 = vector.broadcast %max3A_479 : f32 to vector<16xf32>
          %max3A_481 = arith.maximumf %sub3A_478, %max3A_480 : vector<16xf32>
          %add3A_482 = arith.addf %gather3A_361, %gather3A_367 : vector<16xf32>
          %max3A_483 = arith.constant 0.000000e+00 : f32
          %max3A_484 = vector.broadcast %max3A_483 : f32 to vector<16xf32>
          %max3A_485 = arith.maximumf %add3A_482, %max3A_484 : vector<16xf32>
          %add3A_486 = arith.constant 16 : i32
          %add3A_487 = vector.broadcast %add3A_486 : i32 to vector<16xi32>
          %add3A_488 = arith.addi %iota3A, %add3A_487 : vector<16xi32>
          %add3A_489 = arith.addf %max3A_481, %max3A_485 : vector<16xf32>
          %mul3A_490 = arith.constant 5.000000e-01 : f32
          %mul3A_491 = vector.broadcast %mul3A_490 : f32 to vector<16xf32>
          %mul3A_492 = arith.mulf %add3A_489, %mul3A_491 : vector<16xf32>
          %scatter3A_493 = arith.constant 1 : i32
          %scatter3A_494 = arith.constant 0 : i32
          %scatter3A_495 = arith.constant 0 : i32
          %scatter3A_496 = tpu.memref_slice %arg7[%scatter3A_493, %scatter3A_494, %scatter3A_495] : memref<3x16x1024xf32, #tpu.memory_space<vmem>> -> memref<1x16x1024xf32, #tpu.memory_space<vmem>>
          %scatter3A_497 = tpu.memref_squeeze %scatter3A_496 : memref<1x16x1024xf32, #tpu.memory_space<vmem>> -> memref<16x1024xf32, #tpu.memory_space<vmem>>
          tpu.vector_store_idx %scatter3A_497[%broadcast_in_dim3A, %add3A_488], %mul3A_492 : memref<16x1024xf32, #tpu.memory_space<vmem>>[vector<16xi32>, vector<16xi32>], vector<16xf32>,
          %sub3A_498 = arith.subf %max3A_485, %max3A_481 : vector<16xf32>
          %mul3A_499 = arith.constant 5.000000e-01 : f32
          %mul3A_500 = vector.broadcast %mul3A_499 : f32 to vector<16xf32>
          %mul3A_501 = arith.mulf %sub3A_498, %mul3A_500 : vector<16xf32>
          %scatter3A_502 = arith.constant 1 : i32
          %scatter3A_503 = arith.constant 0 : i32
          %scatter3A_504 = arith.constant 0 : i32
          %scatter3A_505 = tpu.memref_slice %arg8[%scatter3A_502, %scatter3A_503, %scatter3A_504] : memref<3x16x1024xf32, #tpu.memory_space<vmem>> -> memref<1x16x1024xf32, #tpu.memory_space<vmem>>
          %scatter3A_506 = tpu.memref_squeeze %scatter3A_505 : memref<1x16x1024xf32, #tpu.memory_space<vmem>> -> memref<16x1024xf32, #tpu.memory_space<vmem>>
          tpu.vector_store_idx %scatter3A_506[%broadcast_in_dim3A, %add3A_488], %mul3A_501 : memref<16x1024xf32, #tpu.memory_space<vmem>>[vector<16xi32>, vector<16xi32>], vector<16xf32>,
          %sub3A_507 = arith.subf %gather3A_375, %gather3A_381 : vector<16xf32>
          %max3A_508 = arith.constant 0.000000e+00 : f32
          %max3A_509 = vector.broadcast %max3A_508 : f32 to vector<16xf32>
          %max3A_510 = arith.maximumf %sub3A_507, %max3A_509 : vector<16xf32>
          %add3A_511 = arith.addf %gather3A_375, %gather3A_381 : vector<16xf32>
          %max3A_512 = arith.constant 0.000000e+00 : f32
          %max3A_513 = vector.broadcast %max3A_512 : f32 to vector<16xf32>
          %max3A_514 = arith.maximumf %add3A_511, %max3A_513 : vector<16xf32>
          %add3A_515 = arith.constant 32 : i32
          %add3A_516 = vector.broadcast %add3A_515 : i32 to vector<16xi32>
          %add3A_517 = arith.addi %iota3A, %add3A_516 : vector<16xi32>
          %add3A_518 = arith.addf %max3A_510, %max3A_514 : vector<16xf32>
          %mul3A_519 = arith.constant 5.000000e-01 : f32
          %mul3A_520 = vector.broadcast %mul3A_519 : f32 to vector<16xf32>
          %mul3A_521 = arith.mulf %add3A_518, %mul3A_520 : vector<16xf32>
          %scatter3A_522 = arith.constant 1 : i32
          %scatter3A_523 = arith.constant 0 : i32
          %scatter3A_524 = arith.constant 0 : i32
          %scatter3A_525 = tpu.memref_slice %arg7[%scatter3A_522, %scatter3A_523, %scatter3A_524] : memref<3x16x1024xf32, #tpu.memory_space<vmem>> -> memref<1x16x1024xf32, #tpu.memory_space<vmem>>
          %scatter3A_526 = tpu.memref_squeeze %scatter3A_525 : memref<1x16x1024xf32, #tpu.memory_space<vmem>> -> memref<16x1024xf32, #tpu.memory_space<vmem>>
          tpu.vector_store_idx %scatter3A_526[%broadcast_in_dim3A, %add3A_517], %mul3A_521 : memref<16x1024xf32, #tpu.memory_space<vmem>>[vector<16xi32>, vector<16xi32>], vector<16xf32>,
          %sub3A_527 = arith.subf %max3A_514, %max3A_510 : vector<16xf32>
          %mul3A_528 = arith.constant 5.000000e-01 : f32
          %mul3A_529 = vector.broadcast %mul3A_528 : f32 to vector<16xf32>
          %mul3A_530 = arith.mulf %sub3A_527, %mul3A_529 : vector<16xf32>
          %scatter3A_531 = arith.constant 1 : i32
          %scatter3A_532 = arith.constant 0 : i32
          %scatter3A_533 = arith.constant 0 : i32
          %scatter3A_534 = tpu.memref_slice %arg8[%scatter3A_531, %scatter3A_532, %scatter3A_533] : memref<3x16x1024xf32, #tpu.memory_space<vmem>> -> memref<1x16x1024xf32, #tpu.memory_space<vmem>>
          %scatter3A_535 = tpu.memref_squeeze %scatter3A_534 : memref<1x16x1024xf32, #tpu.memory_space<vmem>> -> memref<16x1024xf32, #tpu.memory_space<vmem>>
          tpu.vector_store_idx %scatter3A_535[%broadcast_in_dim3A, %add3A_517], %mul3A_530 : memref<16x1024xf32, #tpu.memory_space<vmem>>[vector<16xi32>, vector<16xi32>], vector<16xf32>,
          %sub3A_536 = arith.subf %gather3A_389, %gather3A_395 : vector<16xf32>
          %max3A_537 = arith.constant 0.000000e+00 : f32
          %max3A_538 = vector.broadcast %max3A_537 : f32 to vector<16xf32>
          %max3A_539 = arith.maximumf %sub3A_536, %max3A_538 : vector<16xf32>
          %add3A_540 = arith.addf %gather3A_389, %gather3A_395 : vector<16xf32>
          %max3A_541 = arith.constant 0.000000e+00 : f32
          %max3A_542 = vector.broadcast %max3A_541 : f32 to vector<16xf32>
          %max3A_543 = arith.maximumf %add3A_540, %max3A_542 : vector<16xf32>
          %add3A_544 = arith.constant 48 : i32
          %add3A_545 = vector.broadcast %add3A_544 : i32 to vector<16xi32>
          %add3A_546 = arith.addi %iota3A, %add3A_545 : vector<16xi32>
          %add3A_547 = arith.addf %max3A_539, %max3A_543 : vector<16xf32>
          %mul3A_548 = arith.constant 5.000000e-01 : f32
          %mul3A_549 = vector.broadcast %mul3A_548 : f32 to vector<16xf32>
          %mul3A_550 = arith.mulf %add3A_547, %mul3A_549 : vector<16xf32>
          %scatter3A_551 = arith.constant 1 : i32
          %scatter3A_552 = arith.constant 0 : i32
          %scatter3A_553 = arith.constant 0 : i32
          %scatter3A_554 = tpu.memref_slice %arg7[%scatter3A_551, %scatter3A_552, %scatter3A_553] : memref<3x16x1024xf32, #tpu.memory_space<vmem>> -> memref<1x16x1024xf32, #tpu.memory_space<vmem>>
          %scatter3A_555 = tpu.memref_squeeze %scatter3A_554 : memref<1x16x1024xf32, #tpu.memory_space<vmem>> -> memref<16x1024xf32, #tpu.memory_space<vmem>>
          tpu.vector_store_idx %scatter3A_555[%broadcast_in_dim3A, %add3A_546], %mul3A_550 : memref<16x1024xf32, #tpu.memory_space<vmem>>[vector<16xi32>, vector<16xi32>], vector<16xf32>,
          %sub3A_556 = arith.subf %max3A_543, %max3A_539 : vector<16xf32>
          %mul3A_557 = arith.constant 5.000000e-01 : f32
          %mul3A_558 = vector.broadcast %mul3A_557 : f32 to vector<16xf32>
          %mul3A_559 = arith.mulf %sub3A_556, %mul3A_558 : vector<16xf32>
          %scatter3A_560 = arith.constant 1 : i32
          %scatter3A_561 = arith.constant 0 : i32
          %scatter3A_562 = arith.constant 0 : i32
          %scatter3A_563 = tpu.memref_slice %arg8[%scatter3A_560, %scatter3A_561, %scatter3A_562] : memref<3x16x1024xf32, #tpu.memory_space<vmem>> -> memref<1x16x1024xf32, #tpu.memory_space<vmem>>
          %scatter3A_564 = tpu.memref_squeeze %scatter3A_563 : memref<1x16x1024xf32, #tpu.memory_space<vmem>> -> memref<16x1024xf32, #tpu.memory_space<vmem>>
          tpu.vector_store_idx %scatter3A_564[%broadcast_in_dim3A, %add3A_546], %mul3A_559 : memref<16x1024xf32, #tpu.memory_space<vmem>>[vector<16xi32>, vector<16xi32>], vector<16xf32>,
          %sub3A_565 = arith.subf %gather3A_403, %gather3A_409 : vector<16xf32>
          %max3A_566 = arith.constant 0.000000e+00 : f32
          %max3A_567 = vector.broadcast %max3A_566 : f32 to vector<16xf32>
          %max3A_568 = arith.maximumf %sub3A_565, %max3A_567 : vector<16xf32>
          %add3A_569 = arith.addf %gather3A_403, %gather3A_409 : vector<16xf32>
          %max3A_570 = arith.constant 0.000000e+00 : f32
          %max3A_571 = vector.broadcast %max3A_570 : f32 to vector<16xf32>
          %max3A_572 = arith.maximumf %add3A_569, %max3A_571 : vector<16xf32>
          %add3A_573 = arith.constant 64 : i32
          %add3A_574 = vector.broadcast %add3A_573 : i32 to vector<16xi32>
          %add3A_575 = arith.addi %iota3A, %add3A_574 : vector<16xi32>
          %add3A_576 = arith.addf %max3A_568, %max3A_572 : vector<16xf32>
          %mul3A_577 = arith.constant 5.000000e-01 : f32
          %mul3A_578 = vector.broadcast %mul3A_577 : f32 to vector<16xf32>
          %mul3A_579 = arith.mulf %add3A_576, %mul3A_578 : vector<16xf32>
          %scatter3A_580 = arith.constant 1 : i32
          %scatter3A_581 = arith.constant 0 : i32
          %scatter3A_582 = arith.constant 0 : i32
          %scatter3A_583 = tpu.memref_slice %arg7[%scatter3A_580, %scatter3A_581, %scatter3A_582] : memref<3x16x1024xf32, #tpu.memory_space<vmem>> -> memref<1x16x1024xf32, #tpu.memory_space<vmem>>
          %scatter3A_584 = tpu.memref_squeeze %scatter3A_583 : memref<1x16x1024xf32, #tpu.memory_space<vmem>> -> memref<16x1024xf32, #tpu.memory_space<vmem>>
          tpu.vector_store_idx %scatter3A_584[%broadcast_in_dim3A, %add3A_575], %mul3A_579 : memref<16x1024xf32, #tpu.memory_space<vmem>>[vector<16xi32>, vector<16xi32>], vector<16xf32>,
          %sub3A_585 = arith.subf %max3A_572, %max3A_568 : vector<16xf32>
          %mul3A_586 = arith.constant 5.000000e-01 : f32
          %mul3A_587 = vector.broadcast %mul3A_586 : f32 to vector<16xf32>
          %mul3A_588 = arith.mulf %sub3A_585, %mul3A_587 : vector<16xf32>
          %scatter3A_589 = arith.constant 1 : i32
          %scatter3A_590 = arith.constant 0 : i32
          %scatter3A_591 = arith.constant 0 : i32
          %scatter3A_592 = tpu.memref_slice %arg8[%scatter3A_589, %scatter3A_590, %scatter3A_591] : memref<3x16x1024xf32, #tpu.memory_space<vmem>> -> memref<1x16x1024xf32, #tpu.memory_space<vmem>>
          %scatter3A_593 = tpu.memref_squeeze %scatter3A_592 : memref<1x16x1024xf32, #tpu.memory_space<vmem>> -> memref<16x1024xf32, #tpu.memory_space<vmem>>
          tpu.vector_store_idx %scatter3A_593[%broadcast_in_dim3A, %add3A_575], %mul3A_588 : memref<16x1024xf32, #tpu.memory_space<vmem>>[vector<16xi32>, vector<16xi32>], vector<16xf32>,
          %sub3A_594 = arith.subf %gather3A_417, %gather3A_423 : vector<16xf32>
          %max3A_595 = arith.constant 0.000000e+00 : f32
          %max3A_596 = vector.broadcast %max3A_595 : f32 to vector<16xf32>
          %max3A_597 = arith.maximumf %sub3A_594, %max3A_596 : vector<16xf32>
          %add3A_598 = arith.addf %gather3A_417, %gather3A_423 : vector<16xf32>
          %max3A_599 = arith.constant 0.000000e+00 : f32
          %max3A_600 = vector.broadcast %max3A_599 : f32 to vector<16xf32>
          %max3A_601 = arith.maximumf %add3A_598, %max3A_600 : vector<16xf32>
          %add3A_602 = arith.constant 80 : i32
          %add3A_603 = vector.broadcast %add3A_602 : i32 to vector<16xi32>
          %add3A_604 = arith.addi %iota3A, %add3A_603 : vector<16xi32>
          %add3A_605 = arith.addf %max3A_597, %max3A_601 : vector<16xf32>
          %mul3A_606 = arith.constant 5.000000e-01 : f32
          %mul3A_607 = vector.broadcast %mul3A_606 : f32 to vector<16xf32>
          %mul3A_608 = arith.mulf %add3A_605, %mul3A_607 : vector<16xf32>
          %scatter3A_609 = arith.constant 1 : i32
          %scatter3A_610 = arith.constant 0 : i32
          %scatter3A_611 = arith.constant 0 : i32
          %scatter3A_612 = tpu.memref_slice %arg7[%scatter3A_609, %scatter3A_610, %scatter3A_611] : memref<3x16x1024xf32, #tpu.memory_space<vmem>> -> memref<1x16x1024xf32, #tpu.memory_space<vmem>>
          %scatter3A_613 = tpu.memref_squeeze %scatter3A_612 : memref<1x16x1024xf32, #tpu.memory_space<vmem>> -> memref<16x1024xf32, #tpu.memory_space<vmem>>
          tpu.vector_store_idx %scatter3A_613[%broadcast_in_dim3A, %add3A_604], %mul3A_608 : memref<16x1024xf32, #tpu.memory_space<vmem>>[vector<16xi32>, vector<16xi32>], vector<16xf32>,
          %sub3A_614 = arith.subf %max3A_601, %max3A_597 : vector<16xf32>
          %mul3A_615 = arith.constant 5.000000e-01 : f32
          %mul3A_616 = vector.broadcast %mul3A_615 : f32 to vector<16xf32>
          %mul3A_617 = arith.mulf %sub3A_614, %mul3A_616 : vector<16xf32>
          %scatter3A_618 = arith.constant 1 : i32
          %scatter3A_619 = arith.constant 0 : i32
          %scatter3A_620 = arith.constant 0 : i32
          %scatter3A_621 = tpu.memref_slice %arg8[%scatter3A_618, %scatter3A_619, %scatter3A_620] : memref<3x16x1024xf32, #tpu.memory_space<vmem>> -> memref<1x16x1024xf32, #tpu.memory_space<vmem>>
          %scatter3A_622 = tpu.memref_squeeze %scatter3A_621 : memref<1x16x1024xf32, #tpu.memory_space<vmem>> -> memref<16x1024xf32, #tpu.memory_space<vmem>>
          tpu.vector_store_idx %scatter3A_622[%broadcast_in_dim3A, %add3A_604], %mul3A_617 : memref<16x1024xf32, #tpu.memory_space<vmem>>[vector<16xi32>, vector<16xi32>], vector<16xf32>,
          %sub3A_623 = arith.subf %gather3A_431, %gather3A_437 : vector<16xf32>
          %max3A_624 = arith.constant 0.000000e+00 : f32
          %max3A_625 = vector.broadcast %max3A_624 : f32 to vector<16xf32>
          %max3A_626 = arith.maximumf %sub3A_623, %max3A_625 : vector<16xf32>
          %add3A_627 = arith.addf %gather3A_431, %gather3A_437 : vector<16xf32>
          %max3A_628 = arith.constant 0.000000e+00 : f32
          %max3A_629 = vector.broadcast %max3A_628 : f32 to vector<16xf32>
          %max3A_630 = arith.maximumf %add3A_627, %max3A_629 : vector<16xf32>
          %add3A_631 = arith.constant 96 : i32
          %add3A_632 = vector.broadcast %add3A_631 : i32 to vector<16xi32>
          %add3A_633 = arith.addi %iota3A, %add3A_632 : vector<16xi32>
          %add3A_634 = arith.addf %max3A_626, %max3A_630 : vector<16xf32>
          %mul3A_635 = arith.constant 5.000000e-01 : f32
          %mul3A_636 = vector.broadcast %mul3A_635 : f32 to vector<16xf32>
          %mul3A_637 = arith.mulf %add3A_634, %mul3A_636 : vector<16xf32>
          %scatter3A_638 = arith.constant 1 : i32
          %scatter3A_639 = arith.constant 0 : i32
          %scatter3A_640 = arith.constant 0 : i32
          %scatter3A_641 = tpu.memref_slice %arg7[%scatter3A_638, %scatter3A_639, %scatter3A_640] : memref<3x16x1024xf32, #tpu.memory_space<vmem>> -> memref<1x16x1024xf32, #tpu.memory_space<vmem>>
          %scatter3A_642 = tpu.memref_squeeze %scatter3A_641 : memref<1x16x1024xf32, #tpu.memory_space<vmem>> -> memref<16x1024xf32, #tpu.memory_space<vmem>>
          tpu.vector_store_idx %scatter3A_642[%broadcast_in_dim3A, %add3A_633], %mul3A_637 : memref<16x1024xf32, #tpu.memory_space<vmem>>[vector<16xi32>, vector<16xi32>], vector<16xf32>,
          %sub3A_643 = arith.subf %max3A_630, %max3A_626 : vector<16xf32>
          %mul3A_644 = arith.constant 5.000000e-01 : f32
          %mul3A_645 = vector.broadcast %mul3A_644 : f32 to vector<16xf32>
          %mul3A_646 = arith.mulf %sub3A_643, %mul3A_645 : vector<16xf32>
          %scatter3A_647 = arith.constant 1 : i32
          %scatter3A_648 = arith.constant 0 : i32
          %scatter3A_649 = arith.constant 0 : i32
          %scatter3A_650 = tpu.memref_slice %arg8[%scatter3A_647, %scatter3A_648, %scatter3A_649] : memref<3x16x1024xf32, #tpu.memory_space<vmem>> -> memref<1x16x1024xf32, #tpu.memory_space<vmem>>
          %scatter3A_651 = tpu.memref_squeeze %scatter3A_650 : memref<1x16x1024xf32, #tpu.memory_space<vmem>> -> memref<16x1024xf32, #tpu.memory_space<vmem>>
          tpu.vector_store_idx %scatter3A_651[%broadcast_in_dim3A, %add3A_633], %mul3A_646 : memref<16x1024xf32, #tpu.memory_space<vmem>>[vector<16xi32>, vector<16xi32>], vector<16xf32>,
          %sub3A_652 = arith.subf %gather3A_445, %gather3A_451 : vector<16xf32>
          %max3A_653 = arith.constant 0.000000e+00 : f32
          %max3A_654 = vector.broadcast %max3A_653 : f32 to vector<16xf32>
          %max3A_655 = arith.maximumf %sub3A_652, %max3A_654 : vector<16xf32>
          %add3A_656 = arith.addf %gather3A_445, %gather3A_451 : vector<16xf32>
          %max3A_657 = arith.constant 0.000000e+00 : f32
          %max3A_658 = vector.broadcast %max3A_657 : f32 to vector<16xf32>
          %max3A_659 = arith.maximumf %add3A_656, %max3A_658 : vector<16xf32>
          %add3A_660 = arith.constant 112 : i32
          %add3A_661 = vector.broadcast %add3A_660 : i32 to vector<16xi32>
          %add3A_662 = arith.addi %iota3A, %add3A_661 : vector<16xi32>
          %add3A_663 = arith.addf %max3A_655, %max3A_659 : vector<16xf32>
          %mul3A_664 = arith.constant 5.000000e-01 : f32
          %mul3A_665 = vector.broadcast %mul3A_664 : f32 to vector<16xf32>
          %mul3A_666 = arith.mulf %add3A_663, %mul3A_665 : vector<16xf32>
          %scatter3A_667 = arith.constant 1 : i32
          %scatter3A_668 = arith.constant 0 : i32
          %scatter3A_669 = arith.constant 0 : i32
          %scatter3A_670 = tpu.memref_slice %arg7[%scatter3A_667, %scatter3A_668, %scatter3A_669] : memref<3x16x1024xf32, #tpu.memory_space<vmem>> -> memref<1x16x1024xf32, #tpu.memory_space<vmem>>
          %scatter3A_671 = tpu.memref_squeeze %scatter3A_670 : memref<1x16x1024xf32, #tpu.memory_space<vmem>> -> memref<16x1024xf32, #tpu.memory_space<vmem>>
          tpu.vector_store_idx %scatter3A_671[%broadcast_in_dim3A, %add3A_662], %mul3A_666 : memref<16x1024xf32, #tpu.memory_space<vmem>>[vector<16xi32>, vector<16xi32>], vector<16xf32>,
          %sub3A_672 = arith.subf %max3A_659, %max3A_655 : vector<16xf32>
          %mul3A_673 = arith.constant 5.000000e-01 : f32
          %mul3A_674 = vector.broadcast %mul3A_673 : f32 to vector<16xf32>
          %mul3A_675 = arith.mulf %sub3A_672, %mul3A_674 : vector<16xf32>
          %scatter3A_676 = arith.constant 1 : i32
          %scatter3A_677 = arith.constant 0 : i32
          %scatter3A_678 = arith.constant 0 : i32
          %scatter3A_679 = tpu.memref_slice %arg8[%scatter3A_676, %scatter3A_677, %scatter3A_678] : memref<3x16x1024xf32, #tpu.memory_space<vmem>> -> memref<1x16x1024xf32, #tpu.memory_space<vmem>>
          %scatter3A_680 = tpu.memref_squeeze %scatter3A_679 : memref<1x16x1024xf32, #tpu.memory_space<vmem>> -> memref<16x1024xf32, #tpu.memory_space<vmem>>
          tpu.vector_store_idx %scatter3A_680[%broadcast_in_dim3A, %add3A_662], %mul3A_675 : memref<16x1024xf32, #tpu.memory_space<vmem>>[vector<16xi32>, vector<16xi32>], vector<16xf32>,
        }
        %scan3A_293 = arith.constant 16 : i32
        %mul3A_294 = arith.constant 16 : i32
        %mul3A_295 = arith.muli %add3A_236, %mul3A_294 : i32
        %add3A_296 = arith.addi %mul3A_2, %mul3A_295 : i32
        %dma_start3A_297 = arith.constant 1 : i32
        %dma_start3A_298 = arith.constant 0 : i32
        %dma_start3A_299 = arith.constant 0 : i32
        %dma_start3A_300 = arith.constant 0 : i32
        %dma_start3A_301 = tpu.memref_slice %arg7[%dma_start3A_297, %dma_start3A_299, %dma_start3A_300] : memref<3x16x1024xf32, #tpu.memory_space<vmem>> -> memref<1x16x1024xf32, #tpu.memory_space<vmem>>
        %dma_start3A_302 = tpu.memref_squeeze %dma_start3A_301 : memref<1x16x1024xf32, #tpu.memory_space<vmem>> -> memref<16x1024xf32, #tpu.memory_space<vmem>>
        %dma_start3A_303 = arith.constant 0 : i32
        %dma_start3A_304 = arith.constant 0 : i32
        %dma_start3A_305 = tpu.memref_slice %arg5[%dma_start3A_298, %dma_start3A_303, %dma_start3A_304] : memref<2x16384x1024xf32, #tpu.memory_space<hbm>> -> memref<1x16384x1024xf32, #tpu.memory_space<hbm>>
        %dma_start3A_306 = tpu.memref_squeeze %dma_start3A_305 : memref<1x16384x1024xf32, #tpu.memory_space<hbm>> -> memref<16384x1024xf32, #tpu.memory_space<hbm>>
        %dma_start3A_307 = arith.constant 0 : i32
        %dma_start3A_308 = tpu.memref_slice %dma_start3A_306[%add3A_296, %dma_start3A_307] : memref<16384x1024xf32, #tpu.memory_space<hbm>> -> memref<16x1024xf32, #tpu.memory_space<hbm>>
        %dma_start3A_309 = arith.constant 0 : i32
        %dma_start3A_310 = arith.constant 0 : i32
        %dma_start3A_311 = tpu.memref_slice %arg5[%dma_start3A_298, %dma_start3A_309, %dma_start3A_310] : memref<2x16384x1024xf32, #tpu.memory_space<hbm>> -> memref<1x16384x1024xf32, #tpu.memory_space<hbm>>
        %dma_start3A_312 = tpu.memref_squeeze %dma_start3A_311 : memref<1x16384x1024xf32, #tpu.memory_space<hbm>> -> memref<16384x1024xf32, #tpu.memory_space<hbm>>
        %dma_start3A_313 = arith.constant 0 : i32
        %dma_start3A_314 = tpu.memref_slice %dma_start3A_312[%add3A_296, %dma_start3A_313] : memref<16384x1024xf32, #tpu.memory_space<hbm>> -> memref<16x1024xf32, #tpu.memory_space<hbm>>
        %dma_start3A_315 = arith.constant 0 : i32
        %dma_start3A_316 = arith.constant 0 : i32
        %dma_start3A_317 = tpu.memref_slice %arg7[%dma_start3A_297, %dma_start3A_315, %dma_start3A_316] : memref<3x16x1024xf32, #tpu.memory_space<vmem>> -> memref<1x16x1024xf32, #tpu.memory_space<vmem>>
        %dma_start3A_318 = tpu.memref_squeeze %dma_start3A_317 : memref<1x16x1024xf32, #tpu.memory_space<vmem>> -> memref<16x1024xf32, #tpu.memory_space<vmem>>
        tpu.enqueue_dma source(%dma_start3A_318 : memref<16x1024xf32, #tpu.memory_space<vmem>>) target(%dma_start3A_314 : memref<16x1024xf32, #tpu.memory_space<hbm>>) target_semaphore(%arg10 : memref<!tpu.dma_semaphore, #tpu.memory_space<semaphore_mem>>)
        %dma_start3A_319 = arith.constant 1 : i32
        %dma_start3A_320 = arith.constant 1 : i32
        %dma_start3A_321 = arith.constant 0 : i32
        %dma_start3A_322 = arith.constant 0 : i32
        %dma_start3A_323 = tpu.memref_slice %arg8[%dma_start3A_319, %dma_start3A_321, %dma_start3A_322] : memref<3x16x1024xf32, #tpu.memory_space<vmem>> -> memref<1x16x1024xf32, #tpu.memory_space<vmem>>
        %dma_start3A_324 = tpu.memref_squeeze %dma_start3A_323 : memref<1x16x1024xf32, #tpu.memory_space<vmem>> -> memref<16x1024xf32, #tpu.memory_space<vmem>>
        %dma_start3A_325 = arith.constant 0 : i32
        %dma_start3A_326 = arith.constant 0 : i32
        %dma_start3A_327 = tpu.memref_slice %arg5[%dma_start3A_320, %dma_start3A_325, %dma_start3A_326] : memref<2x16384x1024xf32, #tpu.memory_space<hbm>> -> memref<1x16384x1024xf32, #tpu.memory_space<hbm>>
        %dma_start3A_328 = tpu.memref_squeeze %dma_start3A_327 : memref<1x16384x1024xf32, #tpu.memory_space<hbm>> -> memref<16384x1024xf32, #tpu.memory_space<hbm>>
        %dma_start3A_329 = arith.constant 0 : i32
        %dma_start3A_330 = tpu.memref_slice %dma_start3A_328[%add3A_296, %dma_start3A_329] : memref<16384x1024xf32, #tpu.memory_space<hbm>> -> memref<16x1024xf32, #tpu.memory_space<hbm>>
        %dma_start3A_331 = arith.constant 0 : i32
        %dma_start3A_332 = arith.constant 0 : i32
        %dma_start3A_333 = tpu.memref_slice %arg5[%dma_start3A_320, %dma_start3A_331, %dma_start3A_332] : memref<2x16384x1024xf32, #tpu.memory_space<hbm>> -> memref<1x16384x1024xf32, #tpu.memory_space<hbm>>
        %dma_start3A_334 = tpu.memref_squeeze %dma_start3A_333 : memref<1x16384x1024xf32, #tpu.memory_space<hbm>> -> memref<16384x1024xf32, #tpu.memory_space<hbm>>
        %dma_start3A_335 = arith.constant 0 : i32
        %dma_start3A_336 = tpu.memref_slice %dma_start3A_334[%add3A_296, %dma_start3A_335] : memref<16384x1024xf32, #tpu.memory_space<hbm>> -> memref<16x1024xf32, #tpu.memory_space<hbm>>
        %dma_start3A_337 = arith.constant 0 : i32
        %dma_start3A_338 = arith.constant 0 : i32
        %dma_start3A_339 = tpu.memref_slice %arg8[%dma_start3A_319, %dma_start3A_337, %dma_start3A_338] : memref<3x16x1024xf32, #tpu.memory_space<vmem>> -> memref<1x16x1024xf32, #tpu.memory_space<vmem>>
        %dma_start3A_340 = tpu.memref_squeeze %dma_start3A_339 : memref<1x16x1024xf32, #tpu.memory_space<vmem>> -> memref<16x1024xf32, #tpu.memory_space<vmem>>
        tpu.enqueue_dma source(%dma_start3A_340 : memref<16x1024xf32, #tpu.memory_space<vmem>>) target(%dma_start3A_336 : memref<16x1024xf32, #tpu.memory_space<hbm>>) target_semaphore(%arg10 : memref<!tpu.dma_semaphore, #tpu.memory_space<semaphore_mem>>)
      } else {
      }
      %add3A_242 = arith.constant 2 : i32
      %add3A_243 = arith.addi %mul3A_230, %add3A_242 : i32
      %lt3A_244 = arith.constant 32 : i32
      %lt3A_245 = arith.cmpi slt, %add3A_243, %lt3A_244 : i32
      %convert_element_type3A_246 = arith.extui %lt3A_245 : i1 to i32
      %cond3A_247 = arith.constant 0 : i32
      %cond3A_248 = arith.cmpi ne, %convert_element_type3A_246, %cond3A_247 : i32
      scf.if %cond3A_248 {
        %add3A_249 = arith.constant 1 : i32
        %add3A_250 = arith.addi %add3A_243, %add3A_249 : i32
        %ge3A = arith.constant 3 : i32
        %ge3A_251 = arith.cmpi sge, %add3A_250, %ge3A : i32
        %add3A_252 = arith.constant 1 : i32
        %add3A_253 = arith.addi %add3A_243, %add3A_252 : i32
        %lt3A_254 = arith.constant 32 : i32
        %lt3A_255 = arith.cmpi slt, %add3A_253, %lt3A_254 : i32
        %and3A = arith.andi %ge3A_251, %lt3A_255 : i1
        %convert_element_type3A_256 = arith.extui %and3A : i1 to i32
        %cond3A_257 = arith.constant 0 : i32
        %cond3A_258 = arith.cmpi ne, %convert_element_type3A_256, %cond3A_257 : i32
        scf.if %cond3A_258 {
          %add3A_341 = arith.constant 1 : i32
          %add3A_342 = arith.addi %add3A_243, %add3A_341 : i32
          %sub3A = arith.constant 3 : i32
          %sub3A_343 = arith.subi %add3A_342, %sub3A : i32
          %mul3A_344 = arith.constant 16 : i32
          %mul3A_345 = arith.muli %sub3A_343, %mul3A_344 : i32
          %add3A_346 = arith.addi %mul3A_2, %mul3A_345 : i32
          %dma_wait3A_347 = arith.constant 0 : i32
          %dma_wait3A_348 = arith.constant 0 : i32
          %dma_wait3A_349 = arith.constant 0 : i32
          %dma_wait3A_350 = arith.constant 0 : i32
          %dma_wait3A_351 = tpu.memref_slice %arg7[%dma_wait3A_347, %dma_wait3A_349, %dma_wait3A_350] : memref<3x16x1024xf32, #tpu.memory_space<vmem>> -> memref<1x16x1024xf32, #tpu.memory_space<vmem>>
          %dma_wait3A_352 = tpu.memref_squeeze %dma_wait3A_351 : memref<1x16x1024xf32, #tpu.memory_space<vmem>> -> memref<16x1024xf32, #tpu.memory_space<vmem>>
          %dma_wait3A_353 = arith.constant 0 : i32
          %dma_wait3A_354 = arith.constant 0 : i32
          %dma_wait3A_355 = tpu.memref_slice %arg5[%dma_wait3A_348, %dma_wait3A_353, %dma_wait3A_354] : memref<2x16384x1024xf32, #tpu.memory_space<hbm>> -> memref<1x16384x1024xf32, #tpu.memory_space<hbm>>
          %dma_wait3A_356 = tpu.memref_squeeze %dma_wait3A_355 : memref<1x16384x1024xf32, #tpu.memory_space<hbm>> -> memref<16384x1024xf32, #tpu.memory_space<hbm>>
          %dma_wait3A_357 = arith.constant 0 : i32
          %dma_wait3A_358 = tpu.memref_slice %dma_wait3A_356[%add3A_346, %dma_wait3A_357] : memref<16384x1024xf32, #tpu.memory_space<hbm>> -> memref<16x1024xf32, #tpu.memory_space<hbm>>
          %dma_wait3A_359 = arith.constant 0 : i32
          %dma_wait3A_360 = arith.constant 0 : i32
          %dma_wait3A_361 = tpu.memref_slice %arg5[%dma_wait3A_348, %dma_wait3A_359, %dma_wait3A_360] : memref<2x16384x1024xf32, #tpu.memory_space<hbm>> -> memref<1x16384x1024xf32, #tpu.memory_space<hbm>>
          %dma_wait3A_362 = tpu.memref_squeeze %dma_wait3A_361 : memref<1x16384x1024xf32, #tpu.memory_space<hbm>> -> memref<16384x1024xf32, #tpu.memory_space<hbm>>
          %dma_wait3A_363 = arith.constant 0 : i32
          %dma_wait3A_364 = tpu.memref_slice %dma_wait3A_362[%add3A_346, %dma_wait3A_363] : memref<16384x1024xf32, #tpu.memory_space<hbm>> -> memref<16x1024xf32, #tpu.memory_space<hbm>>
          %dma_wait3A_365 = arith.constant 0 : i32
          %dma_wait3A_366 = arith.constant 0 : i32
          %dma_wait3A_367 = tpu.memref_slice %arg7[%dma_wait3A_347, %dma_wait3A_365, %dma_wait3A_366] : memref<3x16x1024xf32, #tpu.memory_space<vmem>> -> memref<1x16x1024xf32, #tpu.memory_space<vmem>>
          %dma_wait3A_368 = tpu.memref_squeeze %dma_wait3A_367 : memref<1x16x1024xf32, #tpu.memory_space<vmem>> -> memref<16x1024xf32, #tpu.memory_space<vmem>>
          tpu.wait_dma2 semaphore(%arg10 : memref<!tpu.dma_semaphore, #tpu.memory_space<semaphore_mem>>) src(%dma_wait3A_368 : memref<16x1024xf32, #tpu.memory_space<vmem>>) dst(%dma_wait3A_364 : memref<16x1024xf32, #tpu.memory_space<hbm>>)
          %dma_wait3A_369 = arith.constant 0 : i32
          %dma_wait3A_370 = arith.constant 1 : i32
          %dma_wait3A_371 = arith.constant 0 : i32
          %dma_wait3A_372 = arith.constant 0 : i32
          %dma_wait3A_373 = tpu.memref_slice %arg8[%dma_wait3A_369, %dma_wait3A_371, %dma_wait3A_372] : memref<3x16x1024xf32, #tpu.memory_space<vmem>> -> memref<1x16x1024xf32, #tpu.memory_space<vmem>>
          %dma_wait3A_374 = tpu.memref_squeeze %dma_wait3A_373 : memref<1x16x1024xf32, #tpu.memory_space<vmem>> -> memref<16x1024xf32, #tpu.memory_space<vmem>>
          %dma_wait3A_375 = arith.constant 0 : i32
          %dma_wait3A_376 = arith.constant 0 : i32
          %dma_wait3A_377 = tpu.memref_slice %arg5[%dma_wait3A_370, %dma_wait3A_375, %dma_wait3A_376] : memref<2x16384x1024xf32, #tpu.memory_space<hbm>> -> memref<1x16384x1024xf32, #tpu.memory_space<hbm>>
          %dma_wait3A_378 = tpu.memref_squeeze %dma_wait3A_377 : memref<1x16384x1024xf32, #tpu.memory_space<hbm>> -> memref<16384x1024xf32, #tpu.memory_space<hbm>>
          %dma_wait3A_379 = arith.constant 0 : i32
          %dma_wait3A_380 = tpu.memref_slice %dma_wait3A_378[%add3A_346, %dma_wait3A_379] : memref<16384x1024xf32, #tpu.memory_space<hbm>> -> memref<16x1024xf32, #tpu.memory_space<hbm>>
          %dma_wait3A_381 = arith.constant 0 : i32
          %dma_wait3A_382 = arith.constant 0 : i32
          %dma_wait3A_383 = tpu.memref_slice %arg5[%dma_wait3A_370, %dma_wait3A_381, %dma_wait3A_382] : memref<2x16384x1024xf32, #tpu.memory_space<hbm>> -> memref<1x16384x1024xf32, #tpu.memory_space<hbm>>
          %dma_wait3A_384 = tpu.memref_squeeze %dma_wait3A_383 : memref<1x16384x1024xf32, #tpu.memory_space<hbm>> -> memref<16384x1024xf32, #tpu.memory_space<hbm>>
          %dma_wait3A_385 = arith.constant 0 : i32
          %dma_wait3A_386 = tpu.memref_slice %dma_wait3A_384[%add3A_346, %dma_wait3A_385] : memref<16384x1024xf32, #tpu.memory_space<hbm>> -> memref<16x1024xf32, #tpu.memory_space<hbm>>
          %dma_wait3A_387 = arith.constant 0 : i32
          %dma_wait3A_388 = arith.constant 0 : i32
          %dma_wait3A_389 = tpu.memref_slice %arg8[%dma_wait3A_369, %dma_wait3A_387, %dma_wait3A_388] : memref<3x16x1024xf32, #tpu.memory_space<vmem>> -> memref<1x16x1024xf32, #tpu.memory_space<vmem>>
          %dma_wait3A_390 = tpu.memref_squeeze %dma_wait3A_389 : memref<1x16x1024xf32, #tpu.memory_space<vmem>> -> memref<16x1024xf32, #tpu.memory_space<vmem>>
          tpu.wait_dma2 semaphore(%arg10 : memref<!tpu.dma_semaphore, #tpu.memory_space<semaphore_mem>>) src(%dma_wait3A_390 : memref<16x1024xf32, #tpu.memory_space<vmem>>) dst(%dma_wait3A_386 : memref<16x1024xf32, #tpu.memory_space<hbm>>)
          %add3A_391 = arith.constant 1 : i32
          %add3A_392 = arith.addi %add3A_243, %add3A_391 : i32
          %mul3A_393 = arith.constant 16 : i32
          %mul3A_394 = arith.muli %add3A_392, %mul3A_393 : i32
          %add3A_395 = arith.addi %mul3A_2, %mul3A_394 : i32
          %dma_start3A_396 = arith.constant 0 : i32
          %dma_start3A_397 = arith.constant 0 : i32
          %dma_start3A_398 = arith.constant 0 : i32
          %dma_start3A_399 = tpu.memref_slice %arg7[%dma_start3A_396, %dma_start3A_397, %dma_start3A_398] : memref<3x16x1024xf32, #tpu.memory_space<vmem>> -> memref<1x16x1024xf32, #tpu.memory_space<vmem>>
          %dma_start3A_400 = tpu.memref_squeeze %dma_start3A_399 : memref<1x16x1024xf32, #tpu.memory_space<vmem>> -> memref<16x1024xf32, #tpu.memory_space<vmem>>
          %dma_start3A_401 = arith.constant 0 : i32
          %dma_start3A_402 = tpu.memref_slice %arg2[%add3A_395, %dma_start3A_401] : memref<16384x1024xf32, #tpu.memory_space<hbm>> -> memref<16x1024xf32, #tpu.memory_space<hbm>>
          %dma_start3A_403 = arith.constant 0 : i32
          %dma_start3A_404 = arith.constant 0 : i32
          %dma_start3A_405 = tpu.memref_slice %arg7[%dma_start3A_396, %dma_start3A_403, %dma_start3A_404] : memref<3x16x1024xf32, #tpu.memory_space<vmem>> -> memref<1x16x1024xf32, #tpu.memory_space<vmem>>
          %dma_start3A_406 = tpu.memref_squeeze %dma_start3A_405 : memref<1x16x1024xf32, #tpu.memory_space<vmem>> -> memref<16x1024xf32, #tpu.memory_space<vmem>>
          %dma_start3A_407 = arith.constant 0 : i32
          %dma_start3A_408 = tpu.memref_slice %arg2[%add3A_395, %dma_start3A_407] : memref<16384x1024xf32, #tpu.memory_space<hbm>> -> memref<16x1024xf32, #tpu.memory_space<hbm>>
          tpu.enqueue_dma source(%dma_start3A_408 : memref<16x1024xf32, #tpu.memory_space<hbm>>) target(%dma_start3A_406 : memref<16x1024xf32, #tpu.memory_space<vmem>>) target_semaphore(%arg9 : memref<!tpu.dma_semaphore, #tpu.memory_space<semaphore_mem>>)
          %dma_start3A_409 = arith.constant 0 : i32
          %dma_start3A_410 = arith.constant 0 : i32
          %dma_start3A_411 = arith.constant 0 : i32
          %dma_start3A_412 = tpu.memref_slice %arg8[%dma_start3A_409, %dma_start3A_410, %dma_start3A_411] : memref<3x16x1024xf32, #tpu.memory_space<vmem>> -> memref<1x16x1024xf32, #tpu.memory_space<vmem>>
          %dma_start3A_413 = tpu.memref_squeeze %dma_start3A_412 : memref<1x16x1024xf32, #tpu.memory_space<vmem>> -> memref<16x1024xf32, #tpu.memory_space<vmem>>
          %dma_start3A_414 = arith.constant 0 : i32
          %dma_start3A_415 = tpu.memref_slice %arg3[%add3A_395, %dma_start3A_414] : memref<16384x1024xf32, #tpu.memory_space<hbm>> -> memref<16x1024xf32, #tpu.memory_space<hbm>>
          %dma_start3A_416 = arith.constant 0 : i32
          %dma_start3A_417 = arith.constant 0 : i32
          %dma_start3A_418 = tpu.memref_slice %arg8[%dma_start3A_409, %dma_start3A_416, %dma_start3A_417] : memref<3x16x1024xf32, #tpu.memory_space<vmem>> -> memref<1x16x1024xf32, #tpu.memory_space<vmem>>
          %dma_start3A_419 = tpu.memref_squeeze %dma_start3A_418 : memref<1x16x1024xf32, #tpu.memory_space<vmem>> -> memref<16x1024xf32, #tpu.memory_space<vmem>>
          %dma_start3A_420 = arith.constant 0 : i32
          %dma_start3A_421 = tpu.memref_slice %arg3[%add3A_395, %dma_start3A_420] : memref<16384x1024xf32, #tpu.memory_space<hbm>> -> memref<16x1024xf32, #tpu.memory_space<hbm>>
          tpu.enqueue_dma source(%dma_start3A_421 : memref<16x1024xf32, #tpu.memory_space<hbm>>) target(%dma_start3A_419 : memref<16x1024xf32, #tpu.memory_space<vmem>>) target_semaphore(%arg9 : memref<!tpu.dma_semaphore, #tpu.memory_space<semaphore_mem>>)
        } else {
        }
        %mul3A_259 = arith.constant 16 : i32
        %mul3A_260 = arith.muli %add3A_243, %mul3A_259 : i32
        %add3A_261 = arith.addi %mul3A_2, %mul3A_260 : i32
        %dma_wait3A_262 = arith.constant 2 : i32
        %dma_wait3A_263 = arith.constant 0 : i32
        %dma_wait3A_264 = arith.constant 0 : i32
        %dma_wait3A_265 = tpu.memref_slice %arg7[%dma_wait3A_262, %dma_wait3A_263, %dma_wait3A_264] : memref<3x16x1024xf32, #tpu.memory_space<vmem>> -> memref<1x16x1024xf32, #tpu.memory_space<vmem>>
        %dma_wait3A_266 = tpu.memref_squeeze %dma_wait3A_265 : memref<1x16x1024xf32, #tpu.memory_space<vmem>> -> memref<16x1024xf32, #tpu.memory_space<vmem>>
        %dma_wait3A_267 = arith.constant 0 : i32
        %dma_wait3A_268 = tpu.memref_slice %arg2[%add3A_261, %dma_wait3A_267] : memref<16384x1024xf32, #tpu.memory_space<hbm>> -> memref<16x1024xf32, #tpu.memory_space<hbm>>
        %dma_wait3A_269 = arith.constant 0 : i32
        %dma_wait3A_270 = arith.constant 0 : i32
        %dma_wait3A_271 = tpu.memref_slice %arg7[%dma_wait3A_262, %dma_wait3A_269, %dma_wait3A_270] : memref<3x16x1024xf32, #tpu.memory_space<vmem>> -> memref<1x16x1024xf32, #tpu.memory_space<vmem>>
        %dma_wait3A_272 = tpu.memref_squeeze %dma_wait3A_271 : memref<1x16x1024xf32, #tpu.memory_space<vmem>> -> memref<16x1024xf32, #tpu.memory_space<vmem>>
        %dma_wait3A_273 = arith.constant 0 : i32
        %dma_wait3A_274 = tpu.memref_slice %arg2[%add3A_261, %dma_wait3A_273] : memref<16384x1024xf32, #tpu.memory_space<hbm>> -> memref<16x1024xf32, #tpu.memory_space<hbm>>
        tpu.wait_dma2 semaphore(%arg9 : memref<!tpu.dma_semaphore, #tpu.memory_space<semaphore_mem>>) src(%dma_wait3A_274 : memref<16x1024xf32, #tpu.memory_space<hbm>>) dst(%dma_wait3A_272 : memref<16x1024xf32, #tpu.memory_space<vmem>>)
        %dma_wait3A_275 = arith.constant 2 : i32
        %dma_wait3A_276 = arith.constant 0 : i32
        %dma_wait3A_277 = arith.constant 0 : i32
        %dma_wait3A_278 = tpu.memref_slice %arg8[%dma_wait3A_275, %dma_wait3A_276, %dma_wait3A_277] : memref<3x16x1024xf32, #tpu.memory_space<vmem>> -> memref<1x16x1024xf32, #tpu.memory_space<vmem>>
        %dma_wait3A_279 = tpu.memref_squeeze %dma_wait3A_278 : memref<1x16x1024xf32, #tpu.memory_space<vmem>> -> memref<16x1024xf32, #tpu.memory_space<vmem>>
        %dma_wait3A_280 = arith.constant 0 : i32
        %dma_wait3A_281 = tpu.memref_slice %arg3[%add3A_261, %dma_wait3A_280] : memref<16384x1024xf32, #tpu.memory_space<hbm>> -> memref<16x1024xf32, #tpu.memory_space<hbm>>
        %dma_wait3A_282 = arith.constant 0 : i32
        %dma_wait3A_283 = arith.constant 0 : i32
        %dma_wait3A_284 = tpu.memref_slice %arg8[%dma_wait3A_275, %dma_wait3A_282, %dma_wait3A_283] : memref<3x16x1024xf32, #tpu.memory_space<vmem>> -> memref<1x16x1024xf32, #tpu.memory_space<vmem>>
        %dma_wait3A_285 = tpu.memref_squeeze %dma_wait3A_284 : memref<1x16x1024xf32, #tpu.memory_space<vmem>> -> memref<16x1024xf32, #tpu.memory_space<vmem>>
        %dma_wait3A_286 = arith.constant 0 : i32
        %dma_wait3A_287 = tpu.memref_slice %arg3[%add3A_261, %dma_wait3A_286] : memref<16384x1024xf32, #tpu.memory_space<hbm>> -> memref<16x1024xf32, #tpu.memory_space<hbm>>
        tpu.wait_dma2 semaphore(%arg9 : memref<!tpu.dma_semaphore, #tpu.memory_space<semaphore_mem>>) src(%dma_wait3A_287 : memref<16x1024xf32, #tpu.memory_space<hbm>>) dst(%dma_wait3A_285 : memref<16x1024xf32, #tpu.memory_space<vmem>>)
        %scan3A_288 = arith.constant 0 : i32
        %scan3A_289 = arith.constant 0 : i32
        %scan3A_290 = arith.constant 16 : i32
        %scan3A_291 = arith.addi %scan3A_289, %scan3A_290 : i32
        %scan3A_292 = arith.constant 1 : i32
        scf.for %scan3A_341 = %scan3A_289 to %scan3A_291 step %scan3A_292  : i32 {
          %broadcast_in_dim3A = vector.broadcast %scan3A_341 : i32 to vector<16xi32>
          %get3A = arith.constant 0 : index
          %get3A_342 = tpu.vector_load %arg6[%get3A] {strides = array<i32>} : memref<128xi32, #tpu.memory_space<vmem>>, vector<16xi32>,
          %gather3A = arith.constant 2 : i32
          %gather3A_343 = arith.constant 0 : i32
          %gather3A_344 = arith.constant 0 : i32
          %gather3A_345 = tpu.memref_slice %arg7[%gather3A, %gather3A_343, %gather3A_344] : memref<3x16x1024xf32, #tpu.memory_space<vmem>> -> memref<1x16x1024xf32, #tpu.memory_space<vmem>>
          %gather3A_346 = tpu.memref_squeeze %gather3A_345 : memref<1x16x1024xf32, #tpu.memory_space<vmem>> -> memref<16x1024xf32, #tpu.memory_space<vmem>>
          %gather3A_347 = tpu.vector_load_idx %gather3A_346[%broadcast_in_dim3A, %get3A_342] : memref<16x1024xf32, #tpu.memory_space<vmem>>[vector<16xi32>, vector<16xi32>], vector<16xf32>,
          %gather3A_348 = arith.constant 2 : i32
          %gather3A_349 = arith.constant 0 : i32
          %gather3A_350 = arith.constant 0 : i32
          %gather3A_351 = tpu.memref_slice %arg8[%gather3A_348, %gather3A_349, %gather3A_350] : memref<3x16x1024xf32, #tpu.memory_space<vmem>> -> memref<1x16x1024xf32, #tpu.memory_space<vmem>>
          %gather3A_352 = tpu.memref_squeeze %gather3A_351 : memref<1x16x1024xf32, #tpu.memory_space<vmem>> -> memref<16x1024xf32, #tpu.memory_space<vmem>>
          %gather3A_353 = tpu.vector_load_idx %gather3A_352[%broadcast_in_dim3A, %get3A_342] : memref<16x1024xf32, #tpu.memory_space<vmem>>[vector<16xi32>, vector<16xi32>], vector<16xf32>,
          %get3A_354 = arith.constant 16 : index
          %get3A_355 = tpu.vector_load %arg6[%get3A_354] {strides = array<i32>} : memref<128xi32, #tpu.memory_space<vmem>>, vector<16xi32>,
          %gather3A_356 = arith.constant 2 : i32
          %gather3A_357 = arith.constant 0 : i32
          %gather3A_358 = arith.constant 0 : i32
          %gather3A_359 = tpu.memref_slice %arg7[%gather3A_356, %gather3A_357, %gather3A_358] : memref<3x16x1024xf32, #tpu.memory_space<vmem>> -> memref<1x16x1024xf32, #tpu.memory_space<vmem>>
          %gather3A_360 = tpu.memref_squeeze %gather3A_359 : memref<1x16x1024xf32, #tpu.memory_space<vmem>> -> memref<16x1024xf32, #tpu.memory_space<vmem>>
          %gather3A_361 = tpu.vector_load_idx %gather3A_360[%broadcast_in_dim3A, %get3A_355] : memref<16x1024xf32, #tpu.memory_space<vmem>>[vector<16xi32>, vector<16xi32>], vector<16xf32>,
          %gather3A_362 = arith.constant 2 : i32
          %gather3A_363 = arith.constant 0 : i32
          %gather3A_364 = arith.constant 0 : i32
          %gather3A_365 = tpu.memref_slice %arg8[%gather3A_362, %gather3A_363, %gather3A_364] : memref<3x16x1024xf32, #tpu.memory_space<vmem>> -> memref<1x16x1024xf32, #tpu.memory_space<vmem>>
          %gather3A_366 = tpu.memref_squeeze %gather3A_365 : memref<1x16x1024xf32, #tpu.memory_space<vmem>> -> memref<16x1024xf32, #tpu.memory_space<vmem>>
          %gather3A_367 = tpu.vector_load_idx %gather3A_366[%broadcast_in_dim3A, %get3A_355] : memref<16x1024xf32, #tpu.memory_space<vmem>>[vector<16xi32>, vector<16xi32>], vector<16xf32>,
          %get3A_368 = arith.constant 32 : index
          %get3A_369 = tpu.vector_load %arg6[%get3A_368] {strides = array<i32>} : memref<128xi32, #tpu.memory_space<vmem>>, vector<16xi32>,
          %gather3A_370 = arith.constant 2 : i32
          %gather3A_371 = arith.constant 0 : i32
          %gather3A_372 = arith.constant 0 : i32
          %gather3A_373 = tpu.memref_slice %arg7[%gather3A_370, %gather3A_371, %gather3A_372] : memref<3x16x1024xf32, #tpu.memory_space<vmem>> -> memref<1x16x1024xf32, #tpu.memory_space<vmem>>
          %gather3A_374 = tpu.memref_squeeze %gather3A_373 : memref<1x16x1024xf32, #tpu.memory_space<vmem>> -> memref<16x1024xf32, #tpu.memory_space<vmem>>
          %gather3A_375 = tpu.vector_load_idx %gather3A_374[%broadcast_in_dim3A, %get3A_369] : memref<16x1024xf32, #tpu.memory_space<vmem>>[vector<16xi32>, vector<16xi32>], vector<16xf32>,
          %gather3A_376 = arith.constant 2 : i32
          %gather3A_377 = arith.constant 0 : i32
          %gather3A_378 = arith.constant 0 : i32
          %gather3A_379 = tpu.memref_slice %arg8[%gather3A_376, %gather3A_377, %gather3A_378] : memref<3x16x1024xf32, #tpu.memory_space<vmem>> -> memref<1x16x1024xf32, #tpu.memory_space<vmem>>
          %gather3A_380 = tpu.memref_squeeze %gather3A_379 : memref<1x16x1024xf32, #tpu.memory_space<vmem>> -> memref<16x1024xf32, #tpu.memory_space<vmem>>
          %gather3A_381 = tpu.vector_load_idx %gather3A_380[%broadcast_in_dim3A, %get3A_369] : memref<16x1024xf32, #tpu.memory_space<vmem>>[vector<16xi32>, vector<16xi32>], vector<16xf32>,
          %get3A_382 = arith.constant 48 : index
          %get3A_383 = tpu.vector_load %arg6[%get3A_382] {strides = array<i32>} : memref<128xi32, #tpu.memory_space<vmem>>, vector<16xi32>,
          %gather3A_384 = arith.constant 2 : i32
          %gather3A_385 = arith.constant 0 : i32
          %gather3A_386 = arith.constant 0 : i32
          %gather3A_387 = tpu.memref_slice %arg7[%gather3A_384, %gather3A_385, %gather3A_386] : memref<3x16x1024xf32, #tpu.memory_space<vmem>> -> memref<1x16x1024xf32, #tpu.memory_space<vmem>>
          %gather3A_388 = tpu.memref_squeeze %gather3A_387 : memref<1x16x1024xf32, #tpu.memory_space<vmem>> -> memref<16x1024xf32, #tpu.memory_space<vmem>>
          %gather3A_389 = tpu.vector_load_idx %gather3A_388[%broadcast_in_dim3A, %get3A_383] : memref<16x1024xf32, #tpu.memory_space<vmem>>[vector<16xi32>, vector<16xi32>], vector<16xf32>,
          %gather3A_390 = arith.constant 2 : i32
          %gather3A_391 = arith.constant 0 : i32
          %gather3A_392 = arith.constant 0 : i32
          %gather3A_393 = tpu.memref_slice %arg8[%gather3A_390, %gather3A_391, %gather3A_392] : memref<3x16x1024xf32, #tpu.memory_space<vmem>> -> memref<1x16x1024xf32, #tpu.memory_space<vmem>>
          %gather3A_394 = tpu.memref_squeeze %gather3A_393 : memref<1x16x1024xf32, #tpu.memory_space<vmem>> -> memref<16x1024xf32, #tpu.memory_space<vmem>>
          %gather3A_395 = tpu.vector_load_idx %gather3A_394[%broadcast_in_dim3A, %get3A_383] : memref<16x1024xf32, #tpu.memory_space<vmem>>[vector<16xi32>, vector<16xi32>], vector<16xf32>,
          %get3A_396 = arith.constant 64 : index
          %get3A_397 = tpu.vector_load %arg6[%get3A_396] {strides = array<i32>} : memref<128xi32, #tpu.memory_space<vmem>>, vector<16xi32>,
          %gather3A_398 = arith.constant 2 : i32
          %gather3A_399 = arith.constant 0 : i32
          %gather3A_400 = arith.constant 0 : i32
          %gather3A_401 = tpu.memref_slice %arg7[%gather3A_398, %gather3A_399, %gather3A_400] : memref<3x16x1024xf32, #tpu.memory_space<vmem>> -> memref<1x16x1024xf32, #tpu.memory_space<vmem>>
          %gather3A_402 = tpu.memref_squeeze %gather3A_401 : memref<1x16x1024xf32, #tpu.memory_space<vmem>> -> memref<16x1024xf32, #tpu.memory_space<vmem>>
          %gather3A_403 = tpu.vector_load_idx %gather3A_402[%broadcast_in_dim3A, %get3A_397] : memref<16x1024xf32, #tpu.memory_space<vmem>>[vector<16xi32>, vector<16xi32>], vector<16xf32>,
          %gather3A_404 = arith.constant 2 : i32
          %gather3A_405 = arith.constant 0 : i32
          %gather3A_406 = arith.constant 0 : i32
          %gather3A_407 = tpu.memref_slice %arg8[%gather3A_404, %gather3A_405, %gather3A_406] : memref<3x16x1024xf32, #tpu.memory_space<vmem>> -> memref<1x16x1024xf32, #tpu.memory_space<vmem>>
          %gather3A_408 = tpu.memref_squeeze %gather3A_407 : memref<1x16x1024xf32, #tpu.memory_space<vmem>> -> memref<16x1024xf32, #tpu.memory_space<vmem>>
          %gather3A_409 = tpu.vector_load_idx %gather3A_408[%broadcast_in_dim3A, %get3A_397] : memref<16x1024xf32, #tpu.memory_space<vmem>>[vector<16xi32>, vector<16xi32>], vector<16xf32>,
          %get3A_410 = arith.constant 80 : index
          %get3A_411 = tpu.vector_load %arg6[%get3A_410] {strides = array<i32>} : memref<128xi32, #tpu.memory_space<vmem>>, vector<16xi32>,
          %gather3A_412 = arith.constant 2 : i32
          %gather3A_413 = arith.constant 0 : i32
          %gather3A_414 = arith.constant 0 : i32
          %gather3A_415 = tpu.memref_slice %arg7[%gather3A_412, %gather3A_413, %gather3A_414] : memref<3x16x1024xf32, #tpu.memory_space<vmem>> -> memref<1x16x1024xf32, #tpu.memory_space<vmem>>
          %gather3A_416 = tpu.memref_squeeze %gather3A_415 : memref<1x16x1024xf32, #tpu.memory_space<vmem>> -> memref<16x1024xf32, #tpu.memory_space<vmem>>
          %gather3A_417 = tpu.vector_load_idx %gather3A_416[%broadcast_in_dim3A, %get3A_411] : memref<16x1024xf32, #tpu.memory_space<vmem>>[vector<16xi32>, vector<16xi32>], vector<16xf32>,
          %gather3A_418 = arith.constant 2 : i32
          %gather3A_419 = arith.constant 0 : i32
          %gather3A_420 = arith.constant 0 : i32
          %gather3A_421 = tpu.memref_slice %arg8[%gather3A_418, %gather3A_419, %gather3A_420] : memref<3x16x1024xf32, #tpu.memory_space<vmem>> -> memref<1x16x1024xf32, #tpu.memory_space<vmem>>
          %gather3A_422 = tpu.memref_squeeze %gather3A_421 : memref<1x16x1024xf32, #tpu.memory_space<vmem>> -> memref<16x1024xf32, #tpu.memory_space<vmem>>
          %gather3A_423 = tpu.vector_load_idx %gather3A_422[%broadcast_in_dim3A, %get3A_411] : memref<16x1024xf32, #tpu.memory_space<vmem>>[vector<16xi32>, vector<16xi32>], vector<16xf32>,
          %get3A_424 = arith.constant 96 : index
          %get3A_425 = tpu.vector_load %arg6[%get3A_424] {strides = array<i32>} : memref<128xi32, #tpu.memory_space<vmem>>, vector<16xi32>,
          %gather3A_426 = arith.constant 2 : i32
          %gather3A_427 = arith.constant 0 : i32
          %gather3A_428 = arith.constant 0 : i32
          %gather3A_429 = tpu.memref_slice %arg7[%gather3A_426, %gather3A_427, %gather3A_428] : memref<3x16x1024xf32, #tpu.memory_space<vmem>> -> memref<1x16x1024xf32, #tpu.memory_space<vmem>>
          %gather3A_430 = tpu.memref_squeeze %gather3A_429 : memref<1x16x1024xf32, #tpu.memory_space<vmem>> -> memref<16x1024xf32, #tpu.memory_space<vmem>>
          %gather3A_431 = tpu.vector_load_idx %gather3A_430[%broadcast_in_dim3A, %get3A_425] : memref<16x1024xf32, #tpu.memory_space<vmem>>[vector<16xi32>, vector<16xi32>], vector<16xf32>,
          %gather3A_432 = arith.constant 2 : i32
          %gather3A_433 = arith.constant 0 : i32
          %gather3A_434 = arith.constant 0 : i32
          %gather3A_435 = tpu.memref_slice %arg8[%gather3A_432, %gather3A_433, %gather3A_434] : memref<3x16x1024xf32, #tpu.memory_space<vmem>> -> memref<1x16x1024xf32, #tpu.memory_space<vmem>>
          %gather3A_436 = tpu.memref_squeeze %gather3A_435 : memref<1x16x1024xf32, #tpu.memory_space<vmem>> -> memref<16x1024xf32, #tpu.memory_space<vmem>>
          %gather3A_437 = tpu.vector_load_idx %gather3A_436[%broadcast_in_dim3A, %get3A_425] : memref<16x1024xf32, #tpu.memory_space<vmem>>[vector<16xi32>, vector<16xi32>], vector<16xf32>,
          %get3A_438 = arith.constant 112 : index
          %get3A_439 = tpu.vector_load %arg6[%get3A_438] {strides = array<i32>} : memref<128xi32, #tpu.memory_space<vmem>>, vector<16xi32>,
          %gather3A_440 = arith.constant 2 : i32
          %gather3A_441 = arith.constant 0 : i32
          %gather3A_442 = arith.constant 0 : i32
          %gather3A_443 = tpu.memref_slice %arg7[%gather3A_440, %gather3A_441, %gather3A_442] : memref<3x16x1024xf32, #tpu.memory_space<vmem>> -> memref<1x16x1024xf32, #tpu.memory_space<vmem>>
          %gather3A_444 = tpu.memref_squeeze %gather3A_443 : memref<1x16x1024xf32, #tpu.memory_space<vmem>> -> memref<16x1024xf32, #tpu.memory_space<vmem>>
          %gather3A_445 = tpu.vector_load_idx %gather3A_444[%broadcast_in_dim3A, %get3A_439] : memref<16x1024xf32, #tpu.memory_space<vmem>>[vector<16xi32>, vector<16xi32>], vector<16xf32>,
          %gather3A_446 = arith.constant 2 : i32
          %gather3A_447 = arith.constant 0 : i32
          %gather3A_448 = arith.constant 0 : i32
          %gather3A_449 = tpu.memref_slice %arg8[%gather3A_446, %gather3A_447, %gather3A_448] : memref<3x16x1024xf32, #tpu.memory_space<vmem>> -> memref<1x16x1024xf32, #tpu.memory_space<vmem>>
          %gather3A_450 = tpu.memref_squeeze %gather3A_449 : memref<1x16x1024xf32, #tpu.memory_space<vmem>> -> memref<16x1024xf32, #tpu.memory_space<vmem>>
          %gather3A_451 = tpu.vector_load_idx %gather3A_450[%broadcast_in_dim3A, %get3A_439] : memref<16x1024xf32, #tpu.memory_space<vmem>>[vector<16xi32>, vector<16xi32>], vector<16xf32>,
          %iota3A = tpu.iota {dimensions = array<i32: 0>} : vector<16xi32>
          %sub3A = arith.subf %gather3A_347, %gather3A_353 : vector<16xf32>
          %max3A = arith.constant 0.000000e+00 : f32
          %max3A_452 = vector.broadcast %max3A : f32 to vector<16xf32>
          %max3A_453 = arith.maximumf %sub3A, %max3A_452 : vector<16xf32>
          %add3A_454 = arith.addf %gather3A_347, %gather3A_353 : vector<16xf32>
          %max3A_455 = arith.constant 0.000000e+00 : f32
          %max3A_456 = vector.broadcast %max3A_455 : f32 to vector<16xf32>
          %max3A_457 = arith.maximumf %add3A_454, %max3A_456 : vector<16xf32>
          %add3A_458 = arith.constant 0 : i32
          %add3A_459 = vector.broadcast %add3A_458 : i32 to vector<16xi32>
          %add3A_460 = arith.addi %iota3A, %add3A_459 : vector<16xi32>
          %add3A_461 = arith.addf %max3A_453, %max3A_457 : vector<16xf32>
          %mul3A_462 = arith.constant 5.000000e-01 : f32
          %mul3A_463 = vector.broadcast %mul3A_462 : f32 to vector<16xf32>
          %mul3A_464 = arith.mulf %add3A_461, %mul3A_463 : vector<16xf32>
          %scatter3A = arith.constant 2 : i32
          %scatter3A_465 = arith.constant 0 : i32
          %scatter3A_466 = arith.constant 0 : i32
          %scatter3A_467 = tpu.memref_slice %arg7[%scatter3A, %scatter3A_465, %scatter3A_466] : memref<3x16x1024xf32, #tpu.memory_space<vmem>> -> memref<1x16x1024xf32, #tpu.memory_space<vmem>>
          %scatter3A_468 = tpu.memref_squeeze %scatter3A_467 : memref<1x16x1024xf32, #tpu.memory_space<vmem>> -> memref<16x1024xf32, #tpu.memory_space<vmem>>
          tpu.vector_store_idx %scatter3A_468[%broadcast_in_dim3A, %add3A_460], %mul3A_464 : memref<16x1024xf32, #tpu.memory_space<vmem>>[vector<16xi32>, vector<16xi32>], vector<16xf32>,
          %sub3A_469 = arith.subf %max3A_457, %max3A_453 : vector<16xf32>
          %mul3A_470 = arith.constant 5.000000e-01 : f32
          %mul3A_471 = vector.broadcast %mul3A_470 : f32 to vector<16xf32>
          %mul3A_472 = arith.mulf %sub3A_469, %mul3A_471 : vector<16xf32>
          %scatter3A_473 = arith.constant 2 : i32
          %scatter3A_474 = arith.constant 0 : i32
          %scatter3A_475 = arith.constant 0 : i32
          %scatter3A_476 = tpu.memref_slice %arg8[%scatter3A_473, %scatter3A_474, %scatter3A_475] : memref<3x16x1024xf32, #tpu.memory_space<vmem>> -> memref<1x16x1024xf32, #tpu.memory_space<vmem>>
          %scatter3A_477 = tpu.memref_squeeze %scatter3A_476 : memref<1x16x1024xf32, #tpu.memory_space<vmem>> -> memref<16x1024xf32, #tpu.memory_space<vmem>>
          tpu.vector_store_idx %scatter3A_477[%broadcast_in_dim3A, %add3A_460], %mul3A_472 : memref<16x1024xf32, #tpu.memory_space<vmem>>[vector<16xi32>, vector<16xi32>], vector<16xf32>,
          %sub3A_478 = arith.subf %gather3A_361, %gather3A_367 : vector<16xf32>
          %max3A_479 = arith.constant 0.000000e+00 : f32
          %max3A_480 = vector.broadcast %max3A_479 : f32 to vector<16xf32>
          %max3A_481 = arith.maximumf %sub3A_478, %max3A_480 : vector<16xf32>
          %add3A_482 = arith.addf %gather3A_361, %gather3A_367 : vector<16xf32>
          %max3A_483 = arith.constant 0.000000e+00 : f32
          %max3A_484 = vector.broadcast %max3A_483 : f32 to vector<16xf32>
          %max3A_485 = arith.maximumf %add3A_482, %max3A_484 : vector<16xf32>
          %add3A_486 = arith.constant 16 : i32
          %add3A_487 = vector.broadcast %add3A_486 : i32 to vector<16xi32>
          %add3A_488 = arith.addi %iota3A, %add3A_487 : vector<16xi32>
          %add3A_489 = arith.addf %max3A_481, %max3A_485 : vector<16xf32>
          %mul3A_490 = arith.constant 5.000000e-01 : f32
          %mul3A_491 = vector.broadcast %mul3A_490 : f32 to vector<16xf32>
          %mul3A_492 = arith.mulf %add3A_489, %mul3A_491 : vector<16xf32>
          %scatter3A_493 = arith.constant 2 : i32
          %scatter3A_494 = arith.constant 0 : i32
          %scatter3A_495 = arith.constant 0 : i32
          %scatter3A_496 = tpu.memref_slice %arg7[%scatter3A_493, %scatter3A_494, %scatter3A_495] : memref<3x16x1024xf32, #tpu.memory_space<vmem>> -> memref<1x16x1024xf32, #tpu.memory_space<vmem>>
          %scatter3A_497 = tpu.memref_squeeze %scatter3A_496 : memref<1x16x1024xf32, #tpu.memory_space<vmem>> -> memref<16x1024xf32, #tpu.memory_space<vmem>>
          tpu.vector_store_idx %scatter3A_497[%broadcast_in_dim3A, %add3A_488], %mul3A_492 : memref<16x1024xf32, #tpu.memory_space<vmem>>[vector<16xi32>, vector<16xi32>], vector<16xf32>,
          %sub3A_498 = arith.subf %max3A_485, %max3A_481 : vector<16xf32>
          %mul3A_499 = arith.constant 5.000000e-01 : f32
          %mul3A_500 = vector.broadcast %mul3A_499 : f32 to vector<16xf32>
          %mul3A_501 = arith.mulf %sub3A_498, %mul3A_500 : vector<16xf32>
          %scatter3A_502 = arith.constant 2 : i32
          %scatter3A_503 = arith.constant 0 : i32
          %scatter3A_504 = arith.constant 0 : i32
          %scatter3A_505 = tpu.memref_slice %arg8[%scatter3A_502, %scatter3A_503, %scatter3A_504] : memref<3x16x1024xf32, #tpu.memory_space<vmem>> -> memref<1x16x1024xf32, #tpu.memory_space<vmem>>
          %scatter3A_506 = tpu.memref_squeeze %scatter3A_505 : memref<1x16x1024xf32, #tpu.memory_space<vmem>> -> memref<16x1024xf32, #tpu.memory_space<vmem>>
          tpu.vector_store_idx %scatter3A_506[%broadcast_in_dim3A, %add3A_488], %mul3A_501 : memref<16x1024xf32, #tpu.memory_space<vmem>>[vector<16xi32>, vector<16xi32>], vector<16xf32>,
          %sub3A_507 = arith.subf %gather3A_375, %gather3A_381 : vector<16xf32>
          %max3A_508 = arith.constant 0.000000e+00 : f32
          %max3A_509 = vector.broadcast %max3A_508 : f32 to vector<16xf32>
          %max3A_510 = arith.maximumf %sub3A_507, %max3A_509 : vector<16xf32>
          %add3A_511 = arith.addf %gather3A_375, %gather3A_381 : vector<16xf32>
          %max3A_512 = arith.constant 0.000000e+00 : f32
          %max3A_513 = vector.broadcast %max3A_512 : f32 to vector<16xf32>
          %max3A_514 = arith.maximumf %add3A_511, %max3A_513 : vector<16xf32>
          %add3A_515 = arith.constant 32 : i32
          %add3A_516 = vector.broadcast %add3A_515 : i32 to vector<16xi32>
          %add3A_517 = arith.addi %iota3A, %add3A_516 : vector<16xi32>
          %add3A_518 = arith.addf %max3A_510, %max3A_514 : vector<16xf32>
          %mul3A_519 = arith.constant 5.000000e-01 : f32
          %mul3A_520 = vector.broadcast %mul3A_519 : f32 to vector<16xf32>
          %mul3A_521 = arith.mulf %add3A_518, %mul3A_520 : vector<16xf32>
          %scatter3A_522 = arith.constant 2 : i32
          %scatter3A_523 = arith.constant 0 : i32
          %scatter3A_524 = arith.constant 0 : i32
          %scatter3A_525 = tpu.memref_slice %arg7[%scatter3A_522, %scatter3A_523, %scatter3A_524] : memref<3x16x1024xf32, #tpu.memory_space<vmem>> -> memref<1x16x1024xf32, #tpu.memory_space<vmem>>
          %scatter3A_526 = tpu.memref_squeeze %scatter3A_525 : memref<1x16x1024xf32, #tpu.memory_space<vmem>> -> memref<16x1024xf32, #tpu.memory_space<vmem>>
          tpu.vector_store_idx %scatter3A_526[%broadcast_in_dim3A, %add3A_517], %mul3A_521 : memref<16x1024xf32, #tpu.memory_space<vmem>>[vector<16xi32>, vector<16xi32>], vector<16xf32>,
          %sub3A_527 = arith.subf %max3A_514, %max3A_510 : vector<16xf32>
          %mul3A_528 = arith.constant 5.000000e-01 : f32
          %mul3A_529 = vector.broadcast %mul3A_528 : f32 to vector<16xf32>
          %mul3A_530 = arith.mulf %sub3A_527, %mul3A_529 : vector<16xf32>
          %scatter3A_531 = arith.constant 2 : i32
          %scatter3A_532 = arith.constant 0 : i32
          %scatter3A_533 = arith.constant 0 : i32
          %scatter3A_534 = tpu.memref_slice %arg8[%scatter3A_531, %scatter3A_532, %scatter3A_533] : memref<3x16x1024xf32, #tpu.memory_space<vmem>> -> memref<1x16x1024xf32, #tpu.memory_space<vmem>>
          %scatter3A_535 = tpu.memref_squeeze %scatter3A_534 : memref<1x16x1024xf32, #tpu.memory_space<vmem>> -> memref<16x1024xf32, #tpu.memory_space<vmem>>
          tpu.vector_store_idx %scatter3A_535[%broadcast_in_dim3A, %add3A_517], %mul3A_530 : memref<16x1024xf32, #tpu.memory_space<vmem>>[vector<16xi32>, vector<16xi32>], vector<16xf32>,
          %sub3A_536 = arith.subf %gather3A_389, %gather3A_395 : vector<16xf32>
          %max3A_537 = arith.constant 0.000000e+00 : f32
          %max3A_538 = vector.broadcast %max3A_537 : f32 to vector<16xf32>
          %max3A_539 = arith.maximumf %sub3A_536, %max3A_538 : vector<16xf32>
          %add3A_540 = arith.addf %gather3A_389, %gather3A_395 : vector<16xf32>
          %max3A_541 = arith.constant 0.000000e+00 : f32
          %max3A_542 = vector.broadcast %max3A_541 : f32 to vector<16xf32>
          %max3A_543 = arith.maximumf %add3A_540, %max3A_542 : vector<16xf32>
          %add3A_544 = arith.constant 48 : i32
          %add3A_545 = vector.broadcast %add3A_544 : i32 to vector<16xi32>
          %add3A_546 = arith.addi %iota3A, %add3A_545 : vector<16xi32>
          %add3A_547 = arith.addf %max3A_539, %max3A_543 : vector<16xf32>
          %mul3A_548 = arith.constant 5.000000e-01 : f32
          %mul3A_549 = vector.broadcast %mul3A_548 : f32 to vector<16xf32>
          %mul3A_550 = arith.mulf %add3A_547, %mul3A_549 : vector<16xf32>
          %scatter3A_551 = arith.constant 2 : i32
          %scatter3A_552 = arith.constant 0 : i32
          %scatter3A_553 = arith.constant 0 : i32
          %scatter3A_554 = tpu.memref_slice %arg7[%scatter3A_551, %scatter3A_552, %scatter3A_553] : memref<3x16x1024xf32, #tpu.memory_space<vmem>> -> memref<1x16x1024xf32, #tpu.memory_space<vmem>>
          %scatter3A_555 = tpu.memref_squeeze %scatter3A_554 : memref<1x16x1024xf32, #tpu.memory_space<vmem>> -> memref<16x1024xf32, #tpu.memory_space<vmem>>
          tpu.vector_store_idx %scatter3A_555[%broadcast_in_dim3A, %add3A_546], %mul3A_550 : memref<16x1024xf32, #tpu.memory_space<vmem>>[vector<16xi32>, vector<16xi32>], vector<16xf32>,
          %sub3A_556 = arith.subf %max3A_543, %max3A_539 : vector<16xf32>
          %mul3A_557 = arith.constant 5.000000e-01 : f32
          %mul3A_558 = vector.broadcast %mul3A_557 : f32 to vector<16xf32>
          %mul3A_559 = arith.mulf %sub3A_556, %mul3A_558 : vector<16xf32>
          %scatter3A_560 = arith.constant 2 : i32
          %scatter3A_561 = arith.constant 0 : i32
          %scatter3A_562 = arith.constant 0 : i32
          %scatter3A_563 = tpu.memref_slice %arg8[%scatter3A_560, %scatter3A_561, %scatter3A_562] : memref<3x16x1024xf32, #tpu.memory_space<vmem>> -> memref<1x16x1024xf32, #tpu.memory_space<vmem>>
          %scatter3A_564 = tpu.memref_squeeze %scatter3A_563 : memref<1x16x1024xf32, #tpu.memory_space<vmem>> -> memref<16x1024xf32, #tpu.memory_space<vmem>>
          tpu.vector_store_idx %scatter3A_564[%broadcast_in_dim3A, %add3A_546], %mul3A_559 : memref<16x1024xf32, #tpu.memory_space<vmem>>[vector<16xi32>, vector<16xi32>], vector<16xf32>,
          %sub3A_565 = arith.subf %gather3A_403, %gather3A_409 : vector<16xf32>
          %max3A_566 = arith.constant 0.000000e+00 : f32
          %max3A_567 = vector.broadcast %max3A_566 : f32 to vector<16xf32>
          %max3A_568 = arith.maximumf %sub3A_565, %max3A_567 : vector<16xf32>
          %add3A_569 = arith.addf %gather3A_403, %gather3A_409 : vector<16xf32>
          %max3A_570 = arith.constant 0.000000e+00 : f32
          %max3A_571 = vector.broadcast %max3A_570 : f32 to vector<16xf32>
          %max3A_572 = arith.maximumf %add3A_569, %max3A_571 : vector<16xf32>
          %add3A_573 = arith.constant 64 : i32
          %add3A_574 = vector.broadcast %add3A_573 : i32 to vector<16xi32>
          %add3A_575 = arith.addi %iota3A, %add3A_574 : vector<16xi32>
          %add3A_576 = arith.addf %max3A_568, %max3A_572 : vector<16xf32>
          %mul3A_577 = arith.constant 5.000000e-01 : f32
          %mul3A_578 = vector.broadcast %mul3A_577 : f32 to vector<16xf32>
          %mul3A_579 = arith.mulf %add3A_576, %mul3A_578 : vector<16xf32>
          %scatter3A_580 = arith.constant 2 : i32
          %scatter3A_581 = arith.constant 0 : i32
          %scatter3A_582 = arith.constant 0 : i32
          %scatter3A_583 = tpu.memref_slice %arg7[%scatter3A_580, %scatter3A_581, %scatter3A_582] : memref<3x16x1024xf32, #tpu.memory_space<vmem>> -> memref<1x16x1024xf32, #tpu.memory_space<vmem>>
          %scatter3A_584 = tpu.memref_squeeze %scatter3A_583 : memref<1x16x1024xf32, #tpu.memory_space<vmem>> -> memref<16x1024xf32, #tpu.memory_space<vmem>>
          tpu.vector_store_idx %scatter3A_584[%broadcast_in_dim3A, %add3A_575], %mul3A_579 : memref<16x1024xf32, #tpu.memory_space<vmem>>[vector<16xi32>, vector<16xi32>], vector<16xf32>,
          %sub3A_585 = arith.subf %max3A_572, %max3A_568 : vector<16xf32>
          %mul3A_586 = arith.constant 5.000000e-01 : f32
          %mul3A_587 = vector.broadcast %mul3A_586 : f32 to vector<16xf32>
          %mul3A_588 = arith.mulf %sub3A_585, %mul3A_587 : vector<16xf32>
          %scatter3A_589 = arith.constant 2 : i32
          %scatter3A_590 = arith.constant 0 : i32
          %scatter3A_591 = arith.constant 0 : i32
          %scatter3A_592 = tpu.memref_slice %arg8[%scatter3A_589, %scatter3A_590, %scatter3A_591] : memref<3x16x1024xf32, #tpu.memory_space<vmem>> -> memref<1x16x1024xf32, #tpu.memory_space<vmem>>
          %scatter3A_593 = tpu.memref_squeeze %scatter3A_592 : memref<1x16x1024xf32, #tpu.memory_space<vmem>> -> memref<16x1024xf32, #tpu.memory_space<vmem>>
          tpu.vector_store_idx %scatter3A_593[%broadcast_in_dim3A, %add3A_575], %mul3A_588 : memref<16x1024xf32, #tpu.memory_space<vmem>>[vector<16xi32>, vector<16xi32>], vector<16xf32>,
          %sub3A_594 = arith.subf %gather3A_417, %gather3A_423 : vector<16xf32>
          %max3A_595 = arith.constant 0.000000e+00 : f32
          %max3A_596 = vector.broadcast %max3A_595 : f32 to vector<16xf32>
          %max3A_597 = arith.maximumf %sub3A_594, %max3A_596 : vector<16xf32>
          %add3A_598 = arith.addf %gather3A_417, %gather3A_423 : vector<16xf32>
          %max3A_599 = arith.constant 0.000000e+00 : f32
          %max3A_600 = vector.broadcast %max3A_599 : f32 to vector<16xf32>
          %max3A_601 = arith.maximumf %add3A_598, %max3A_600 : vector<16xf32>
          %add3A_602 = arith.constant 80 : i32
          %add3A_603 = vector.broadcast %add3A_602 : i32 to vector<16xi32>
          %add3A_604 = arith.addi %iota3A, %add3A_603 : vector<16xi32>
          %add3A_605 = arith.addf %max3A_597, %max3A_601 : vector<16xf32>
          %mul3A_606 = arith.constant 5.000000e-01 : f32
          %mul3A_607 = vector.broadcast %mul3A_606 : f32 to vector<16xf32>
          %mul3A_608 = arith.mulf %add3A_605, %mul3A_607 : vector<16xf32>
          %scatter3A_609 = arith.constant 2 : i32
          %scatter3A_610 = arith.constant 0 : i32
          %scatter3A_611 = arith.constant 0 : i32
          %scatter3A_612 = tpu.memref_slice %arg7[%scatter3A_609, %scatter3A_610, %scatter3A_611] : memref<3x16x1024xf32, #tpu.memory_space<vmem>> -> memref<1x16x1024xf32, #tpu.memory_space<vmem>>
          %scatter3A_613 = tpu.memref_squeeze %scatter3A_612 : memref<1x16x1024xf32, #tpu.memory_space<vmem>> -> memref<16x1024xf32, #tpu.memory_space<vmem>>
          tpu.vector_store_idx %scatter3A_613[%broadcast_in_dim3A, %add3A_604], %mul3A_608 : memref<16x1024xf32, #tpu.memory_space<vmem>>[vector<16xi32>, vector<16xi32>], vector<16xf32>,
          %sub3A_614 = arith.subf %max3A_601, %max3A_597 : vector<16xf32>
          %mul3A_615 = arith.constant 5.000000e-01 : f32
          %mul3A_616 = vector.broadcast %mul3A_615 : f32 to vector<16xf32>
          %mul3A_617 = arith.mulf %sub3A_614, %mul3A_616 : vector<16xf32>
          %scatter3A_618 = arith.constant 2 : i32
          %scatter3A_619 = arith.constant 0 : i32
          %scatter3A_620 = arith.constant 0 : i32
          %scatter3A_621 = tpu.memref_slice %arg8[%scatter3A_618, %scatter3A_619, %scatter3A_620] : memref<3x16x1024xf32, #tpu.memory_space<vmem>> -> memref<1x16x1024xf32, #tpu.memory_space<vmem>>
          %scatter3A_622 = tpu.memref_squeeze %scatter3A_621 : memref<1x16x1024xf32, #tpu.memory_space<vmem>> -> memref<16x1024xf32, #tpu.memory_space<vmem>>
          tpu.vector_store_idx %scatter3A_622[%broadcast_in_dim3A, %add3A_604], %mul3A_617 : memref<16x1024xf32, #tpu.memory_space<vmem>>[vector<16xi32>, vector<16xi32>], vector<16xf32>,
          %sub3A_623 = arith.subf %gather3A_431, %gather3A_437 : vector<16xf32>
          %max3A_624 = arith.constant 0.000000e+00 : f32
          %max3A_625 = vector.broadcast %max3A_624 : f32 to vector<16xf32>
          %max3A_626 = arith.maximumf %sub3A_623, %max3A_625 : vector<16xf32>
          %add3A_627 = arith.addf %gather3A_431, %gather3A_437 : vector<16xf32>
          %max3A_628 = arith.constant 0.000000e+00 : f32
          %max3A_629 = vector.broadcast %max3A_628 : f32 to vector<16xf32>
          %max3A_630 = arith.maximumf %add3A_627, %max3A_629 : vector<16xf32>
          %add3A_631 = arith.constant 96 : i32
          %add3A_632 = vector.broadcast %add3A_631 : i32 to vector<16xi32>
          %add3A_633 = arith.addi %iota3A, %add3A_632 : vector<16xi32>
          %add3A_634 = arith.addf %max3A_626, %max3A_630 : vector<16xf32>
          %mul3A_635 = arith.constant 5.000000e-01 : f32
          %mul3A_636 = vector.broadcast %mul3A_635 : f32 to vector<16xf32>
          %mul3A_637 = arith.mulf %add3A_634, %mul3A_636 : vector<16xf32>
          %scatter3A_638 = arith.constant 2 : i32
          %scatter3A_639 = arith.constant 0 : i32
          %scatter3A_640 = arith.constant 0 : i32
          %scatter3A_641 = tpu.memref_slice %arg7[%scatter3A_638, %scatter3A_639, %scatter3A_640] : memref<3x16x1024xf32, #tpu.memory_space<vmem>> -> memref<1x16x1024xf32, #tpu.memory_space<vmem>>
          %scatter3A_642 = tpu.memref_squeeze %scatter3A_641 : memref<1x16x1024xf32, #tpu.memory_space<vmem>> -> memref<16x1024xf32, #tpu.memory_space<vmem>>
          tpu.vector_store_idx %scatter3A_642[%broadcast_in_dim3A, %add3A_633], %mul3A_637 : memref<16x1024xf32, #tpu.memory_space<vmem>>[vector<16xi32>, vector<16xi32>], vector<16xf32>,
          %sub3A_643 = arith.subf %max3A_630, %max3A_626 : vector<16xf32>
          %mul3A_644 = arith.constant 5.000000e-01 : f32
          %mul3A_645 = vector.broadcast %mul3A_644 : f32 to vector<16xf32>
          %mul3A_646 = arith.mulf %sub3A_643, %mul3A_645 : vector<16xf32>
          %scatter3A_647 = arith.constant 2 : i32
          %scatter3A_648 = arith.constant 0 : i32
          %scatter3A_649 = arith.constant 0 : i32
          %scatter3A_650 = tpu.memref_slice %arg8[%scatter3A_647, %scatter3A_648, %scatter3A_649] : memref<3x16x1024xf32, #tpu.memory_space<vmem>> -> memref<1x16x1024xf32, #tpu.memory_space<vmem>>
          %scatter3A_651 = tpu.memref_squeeze %scatter3A_650 : memref<1x16x1024xf32, #tpu.memory_space<vmem>> -> memref<16x1024xf32, #tpu.memory_space<vmem>>
          tpu.vector_store_idx %scatter3A_651[%broadcast_in_dim3A, %add3A_633], %mul3A_646 : memref<16x1024xf32, #tpu.memory_space<vmem>>[vector<16xi32>, vector<16xi32>], vector<16xf32>,
          %sub3A_652 = arith.subf %gather3A_445, %gather3A_451 : vector<16xf32>
          %max3A_653 = arith.constant 0.000000e+00 : f32
          %max3A_654 = vector.broadcast %max3A_653 : f32 to vector<16xf32>
          %max3A_655 = arith.maximumf %sub3A_652, %max3A_654 : vector<16xf32>
          %add3A_656 = arith.addf %gather3A_445, %gather3A_451 : vector<16xf32>
          %max3A_657 = arith.constant 0.000000e+00 : f32
          %max3A_658 = vector.broadcast %max3A_657 : f32 to vector<16xf32>
          %max3A_659 = arith.maximumf %add3A_656, %max3A_658 : vector<16xf32>
          %add3A_660 = arith.constant 112 : i32
          %add3A_661 = vector.broadcast %add3A_660 : i32 to vector<16xi32>
          %add3A_662 = arith.addi %iota3A, %add3A_661 : vector<16xi32>
          %add3A_663 = arith.addf %max3A_655, %max3A_659 : vector<16xf32>
          %mul3A_664 = arith.constant 5.000000e-01 : f32
          %mul3A_665 = vector.broadcast %mul3A_664 : f32 to vector<16xf32>
          %mul3A_666 = arith.mulf %add3A_663, %mul3A_665 : vector<16xf32>
          %scatter3A_667 = arith.constant 2 : i32
          %scatter3A_668 = arith.constant 0 : i32
          %scatter3A_669 = arith.constant 0 : i32
          %scatter3A_670 = tpu.memref_slice %arg7[%scatter3A_667, %scatter3A_668, %scatter3A_669] : memref<3x16x1024xf32, #tpu.memory_space<vmem>> -> memref<1x16x1024xf32, #tpu.memory_space<vmem>>
          %scatter3A_671 = tpu.memref_squeeze %scatter3A_670 : memref<1x16x1024xf32, #tpu.memory_space<vmem>> -> memref<16x1024xf32, #tpu.memory_space<vmem>>
          tpu.vector_store_idx %scatter3A_671[%broadcast_in_dim3A, %add3A_662], %mul3A_666 : memref<16x1024xf32, #tpu.memory_space<vmem>>[vector<16xi32>, vector<16xi32>], vector<16xf32>,
          %sub3A_672 = arith.subf %max3A_659, %max3A_655 : vector<16xf32>
          %mul3A_673 = arith.constant 5.000000e-01 : f32
          %mul3A_674 = vector.broadcast %mul3A_673 : f32 to vector<16xf32>
          %mul3A_675 = arith.mulf %sub3A_672, %mul3A_674 : vector<16xf32>
          %scatter3A_676 = arith.constant 2 : i32
          %scatter3A_677 = arith.constant 0 : i32
          %scatter3A_678 = arith.constant 0 : i32
          %scatter3A_679 = tpu.memref_slice %arg8[%scatter3A_676, %scatter3A_677, %scatter3A_678] : memref<3x16x1024xf32, #tpu.memory_space<vmem>> -> memref<1x16x1024xf32, #tpu.memory_space<vmem>>
          %scatter3A_680 = tpu.memref_squeeze %scatter3A_679 : memref<1x16x1024xf32, #tpu.memory_space<vmem>> -> memref<16x1024xf32, #tpu.memory_space<vmem>>
          tpu.vector_store_idx %scatter3A_680[%broadcast_in_dim3A, %add3A_662], %mul3A_675 : memref<16x1024xf32, #tpu.memory_space<vmem>>[vector<16xi32>, vector<16xi32>], vector<16xf32>,
        }
        %scan3A_293 = arith.constant 16 : i32
        %mul3A_294 = arith.constant 16 : i32
        %mul3A_295 = arith.muli %add3A_243, %mul3A_294 : i32
        %add3A_296 = arith.addi %mul3A_2, %mul3A_295 : i32
        %dma_start3A_297 = arith.constant 2 : i32
        %dma_start3A_298 = arith.constant 0 : i32
        %dma_start3A_299 = arith.constant 0 : i32
        %dma_start3A_300 = arith.constant 0 : i32
        %dma_start3A_301 = tpu.memref_slice %arg7[%dma_start3A_297, %dma_start3A_299, %dma_start3A_300] : memref<3x16x1024xf32, #tpu.memory_space<vmem>> -> memref<1x16x1024xf32, #tpu.memory_space<vmem>>
        %dma_start3A_302 = tpu.memref_squeeze %dma_start3A_301 : memref<1x16x1024xf32, #tpu.memory_space<vmem>> -> memref<16x1024xf32, #tpu.memory_space<vmem>>
        %dma_start3A_303 = arith.constant 0 : i32
        %dma_start3A_304 = arith.constant 0 : i32
        %dma_start3A_305 = tpu.memref_slice %arg5[%dma_start3A_298, %dma_start3A_303, %dma_start3A_304] : memref<2x16384x1024xf32, #tpu.memory_space<hbm>> -> memref<1x16384x1024xf32, #tpu.memory_space<hbm>>
        %dma_start3A_306 = tpu.memref_squeeze %dma_start3A_305 : memref<1x16384x1024xf32, #tpu.memory_space<hbm>> -> memref<16384x1024xf32, #tpu.memory_space<hbm>>
        %dma_start3A_307 = arith.constant 0 : i32
        %dma_start3A_308 = tpu.memref_slice %dma_start3A_306[%add3A_296, %dma_start3A_307] : memref<16384x1024xf32, #tpu.memory_space<hbm>> -> memref<16x1024xf32, #tpu.memory_space<hbm>>
        %dma_start3A_309 = arith.constant 0 : i32
        %dma_start3A_310 = arith.constant 0 : i32
        %dma_start3A_311 = tpu.memref_slice %arg5[%dma_start3A_298, %dma_start3A_309, %dma_start3A_310] : memref<2x16384x1024xf32, #tpu.memory_space<hbm>> -> memref<1x16384x1024xf32, #tpu.memory_space<hbm>>
        %dma_start3A_312 = tpu.memref_squeeze %dma_start3A_311 : memref<1x16384x1024xf32, #tpu.memory_space<hbm>> -> memref<16384x1024xf32, #tpu.memory_space<hbm>>
        %dma_start3A_313 = arith.constant 0 : i32
        %dma_start3A_314 = tpu.memref_slice %dma_start3A_312[%add3A_296, %dma_start3A_313] : memref<16384x1024xf32, #tpu.memory_space<hbm>> -> memref<16x1024xf32, #tpu.memory_space<hbm>>
        %dma_start3A_315 = arith.constant 0 : i32
        %dma_start3A_316 = arith.constant 0 : i32
        %dma_start3A_317 = tpu.memref_slice %arg7[%dma_start3A_297, %dma_start3A_315, %dma_start3A_316] : memref<3x16x1024xf32, #tpu.memory_space<vmem>> -> memref<1x16x1024xf32, #tpu.memory_space<vmem>>
        %dma_start3A_318 = tpu.memref_squeeze %dma_start3A_317 : memref<1x16x1024xf32, #tpu.memory_space<vmem>> -> memref<16x1024xf32, #tpu.memory_space<vmem>>
        tpu.enqueue_dma source(%dma_start3A_318 : memref<16x1024xf32, #tpu.memory_space<vmem>>) target(%dma_start3A_314 : memref<16x1024xf32, #tpu.memory_space<hbm>>) target_semaphore(%arg10 : memref<!tpu.dma_semaphore, #tpu.memory_space<semaphore_mem>>)
        %dma_start3A_319 = arith.constant 2 : i32
        %dma_start3A_320 = arith.constant 1 : i32
        %dma_start3A_321 = arith.constant 0 : i32
        %dma_start3A_322 = arith.constant 0 : i32
        %dma_start3A_323 = tpu.memref_slice %arg8[%dma_start3A_319, %dma_start3A_321, %dma_start3A_322] : memref<3x16x1024xf32, #tpu.memory_space<vmem>> -> memref<1x16x1024xf32, #tpu.memory_space<vmem>>
        %dma_start3A_324 = tpu.memref_squeeze %dma_start3A_323 : memref<1x16x1024xf32, #tpu.memory_space<vmem>> -> memref<16x1024xf32, #tpu.memory_space<vmem>>
        %dma_start3A_325 = arith.constant 0 : i32
        %dma_start3A_326 = arith.constant 0 : i32
        %dma_start3A_327 = tpu.memref_slice %arg5[%dma_start3A_320, %dma_start3A_325, %dma_start3A_326] : memref<2x16384x1024xf32, #tpu.memory_space<hbm>> -> memref<1x16384x1024xf32, #tpu.memory_space<hbm>>
        %dma_start3A_328 = tpu.memref_squeeze %dma_start3A_327 : memref<1x16384x1024xf32, #tpu.memory_space<hbm>> -> memref<16384x1024xf32, #tpu.memory_space<hbm>>
        %dma_start3A_329 = arith.constant 0 : i32
        %dma_start3A_330 = tpu.memref_slice %dma_start3A_328[%add3A_296, %dma_start3A_329] : memref<16384x1024xf32, #tpu.memory_space<hbm>> -> memref<16x1024xf32, #tpu.memory_space<hbm>>
        %dma_start3A_331 = arith.constant 0 : i32
        %dma_start3A_332 = arith.constant 0 : i32
        %dma_start3A_333 = tpu.memref_slice %arg5[%dma_start3A_320, %dma_start3A_331, %dma_start3A_332] : memref<2x16384x1024xf32, #tpu.memory_space<hbm>> -> memref<1x16384x1024xf32, #tpu.memory_space<hbm>>
        %dma_start3A_334 = tpu.memref_squeeze %dma_start3A_333 : memref<1x16384x1024xf32, #tpu.memory_space<hbm>> -> memref<16384x1024xf32, #tpu.memory_space<hbm>>
        %dma_start3A_335 = arith.constant 0 : i32
        %dma_start3A_336 = tpu.memref_slice %dma_start3A_334[%add3A_296, %dma_start3A_335] : memref<16384x1024xf32, #tpu.memory_space<hbm>> -> memref<16x1024xf32, #tpu.memory_space<hbm>>
        %dma_start3A_337 = arith.constant 0 : i32
        %dma_start3A_338 = arith.constant 0 : i32
        %dma_start3A_339 = tpu.memref_slice %arg8[%dma_start3A_319, %dma_start3A_337, %dma_start3A_338] : memref<3x16x1024xf32, #tpu.memory_space<vmem>> -> memref<1x16x1024xf32, #tpu.memory_space<vmem>>
        %dma_start3A_340 = tpu.memref_squeeze %dma_start3A_339 : memref<1x16x1024xf32, #tpu.memory_space<vmem>> -> memref<16x1024xf32, #tpu.memory_space<vmem>>
        tpu.enqueue_dma source(%dma_start3A_340 : memref<16x1024xf32, #tpu.memory_space<vmem>>) target(%dma_start3A_336 : memref<16x1024xf32, #tpu.memory_space<hbm>>) target_semaphore(%arg10 : memref<!tpu.dma_semaphore, #tpu.memory_space<semaphore_mem>>)
      } else {
      }
    }
    %scan3A_90 = arith.constant 11 : i32
    %add3A_91 = arith.constant 464 : i32
    %add3A_92 = arith.addi %mul3A_2, %add3A_91 : i32
    %dma_wait3A = arith.constant 2 : i32
    %dma_wait3A_93 = arith.constant 0 : i32
    %dma_wait3A_94 = arith.constant 0 : i32
    %dma_wait3A_95 = arith.constant 0 : i32
    %dma_wait3A_96 = tpu.memref_slice %arg7[%dma_wait3A, %dma_wait3A_94, %dma_wait3A_95] : memref<3x16x1024xf32, #tpu.memory_space<vmem>> -> memref<1x16x1024xf32, #tpu.memory_space<vmem>>
    %dma_wait3A_97 = tpu.memref_squeeze %dma_wait3A_96 : memref<1x16x1024xf32, #tpu.memory_space<vmem>> -> memref<16x1024xf32, #tpu.memory_space<vmem>>
    %dma_wait3A_98 = arith.constant 0 : i32
    %dma_wait3A_99 = arith.constant 0 : i32
    %dma_wait3A_100 = tpu.memref_slice %arg5[%dma_wait3A_93, %dma_wait3A_98, %dma_wait3A_99] : memref<2x16384x1024xf32, #tpu.memory_space<hbm>> -> memref<1x16384x1024xf32, #tpu.memory_space<hbm>>
    %dma_wait3A_101 = tpu.memref_squeeze %dma_wait3A_100 : memref<1x16384x1024xf32, #tpu.memory_space<hbm>> -> memref<16384x1024xf32, #tpu.memory_space<hbm>>
    %dma_wait3A_102 = arith.constant 0 : i32
    %dma_wait3A_103 = tpu.memref_slice %dma_wait3A_101[%add3A_92, %dma_wait3A_102] : memref<16384x1024xf32, #tpu.memory_space<hbm>> -> memref<16x1024xf32, #tpu.memory_space<hbm>>
    %dma_wait3A_104 = arith.constant 0 : i32
    %dma_wait3A_105 = arith.constant 0 : i32
    %dma_wait3A_106 = tpu.memref_slice %arg5[%dma_wait3A_93, %dma_wait3A_104, %dma_wait3A_105] : memref<2x16384x1024xf32, #tpu.memory_space<hbm>> -> memref<1x16384x1024xf32, #tpu.memory_space<hbm>>
    %dma_wait3A_107 = tpu.memref_squeeze %dma_wait3A_106 : memref<1x16384x1024xf32, #tpu.memory_space<hbm>> -> memref<16384x1024xf32, #tpu.memory_space<hbm>>
    %dma_wait3A_108 = arith.constant 0 : i32
    %dma_wait3A_109 = tpu.memref_slice %dma_wait3A_107[%add3A_92, %dma_wait3A_108] : memref<16384x1024xf32, #tpu.memory_space<hbm>> -> memref<16x1024xf32, #tpu.memory_space<hbm>>
    %dma_wait3A_110 = arith.constant 0 : i32
    %dma_wait3A_111 = arith.constant 0 : i32
    %dma_wait3A_112 = tpu.memref_slice %arg7[%dma_wait3A, %dma_wait3A_110, %dma_wait3A_111] : memref<3x16x1024xf32, #tpu.memory_space<vmem>> -> memref<1x16x1024xf32, #tpu.memory_space<vmem>>
    %dma_wait3A_113 = tpu.memref_squeeze %dma_wait3A_112 : memref<1x16x1024xf32, #tpu.memory_space<vmem>> -> memref<16x1024xf32, #tpu.memory_space<vmem>>
    tpu.wait_dma2 semaphore(%arg10 : memref<!tpu.dma_semaphore, #tpu.memory_space<semaphore_mem>>) src(%dma_wait3A_113 : memref<16x1024xf32, #tpu.memory_space<vmem>>) dst(%dma_wait3A_109 : memref<16x1024xf32, #tpu.memory_space<hbm>>)
    %dma_wait3A_114 = arith.constant 2 : i32
    %dma_wait3A_115 = arith.constant 1 : i32
    %dma_wait3A_116 = arith.constant 0 : i32
    %dma_wait3A_117 = arith.constant 0 : i32
    %dma_wait3A_118 = tpu.memref_slice %arg8[%dma_wait3A_114, %dma_wait3A_116, %dma_wait3A_117] : memref<3x16x1024xf32, #tpu.memory_space<vmem>> -> memref<1x16x1024xf32, #tpu.memory_space<vmem>>
    %dma_wait3A_119 = tpu.memref_squeeze %dma_wait3A_118 : memref<1x16x1024xf32, #tpu.memory_space<vmem>> -> memref<16x1024xf32, #tpu.memory_space<vmem>>
    %dma_wait3A_120 = arith.constant 0 : i32
    %dma_wait3A_121 = arith.constant 0 : i32
    %dma_wait3A_122 = tpu.memref_slice %arg5[%dma_wait3A_115, %dma_wait3A_120, %dma_wait3A_121] : memref<2x16384x1024xf32, #tpu.memory_space<hbm>> -> memref<1x16384x1024xf32, #tpu.memory_space<hbm>>
    %dma_wait3A_123 = tpu.memref_squeeze %dma_wait3A_122 : memref<1x16384x1024xf32, #tpu.memory_space<hbm>> -> memref<16384x1024xf32, #tpu.memory_space<hbm>>
    %dma_wait3A_124 = arith.constant 0 : i32
    %dma_wait3A_125 = tpu.memref_slice %dma_wait3A_123[%add3A_92, %dma_wait3A_124] : memref<16384x1024xf32, #tpu.memory_space<hbm>> -> memref<16x1024xf32, #tpu.memory_space<hbm>>
    %dma_wait3A_126 = arith.constant 0 : i32
    %dma_wait3A_127 = arith.constant 0 : i32
    %dma_wait3A_128 = tpu.memref_slice %arg5[%dma_wait3A_115, %dma_wait3A_126, %dma_wait3A_127] : memref<2x16384x1024xf32, #tpu.memory_space<hbm>> -> memref<1x16384x1024xf32, #tpu.memory_space<hbm>>
    %dma_wait3A_129 = tpu.memref_squeeze %dma_wait3A_128 : memref<1x16384x1024xf32, #tpu.memory_space<hbm>> -> memref<16384x1024xf32, #tpu.memory_space<hbm>>
    %dma_wait3A_130 = arith.constant 0 : i32
    %dma_wait3A_131 = tpu.memref_slice %dma_wait3A_129[%add3A_92, %dma_wait3A_130] : memref<16384x1024xf32, #tpu.memory_space<hbm>> -> memref<16x1024xf32, #tpu.memory_space<hbm>>
    %dma_wait3A_132 = arith.constant 0 : i32
    %dma_wait3A_133 = arith.constant 0 : i32
    %dma_wait3A_134 = tpu.memref_slice %arg8[%dma_wait3A_114, %dma_wait3A_132, %dma_wait3A_133] : memref<3x16x1024xf32, #tpu.memory_space<vmem>> -> memref<1x16x1024xf32, #tpu.memory_space<vmem>>
    %dma_wait3A_135 = tpu.memref_squeeze %dma_wait3A_134 : memref<1x16x1024xf32, #tpu.memory_space<vmem>> -> memref<16x1024xf32, #tpu.memory_space<vmem>>
    tpu.wait_dma2 semaphore(%arg10 : memref<!tpu.dma_semaphore, #tpu.memory_space<semaphore_mem>>) src(%dma_wait3A_135 : memref<16x1024xf32, #tpu.memory_space<vmem>>) dst(%dma_wait3A_131 : memref<16x1024xf32, #tpu.memory_space<hbm>>)
    %add3A_136 = arith.constant 480 : i32
    %add3A_137 = arith.addi %mul3A_2, %add3A_136 : i32
    %dma_wait3A_138 = arith.constant 0 : i32
    %dma_wait3A_139 = arith.constant 0 : i32
    %dma_wait3A_140 = arith.constant 0 : i32
    %dma_wait3A_141 = arith.constant 0 : i32
    %dma_wait3A_142 = tpu.memref_slice %arg7[%dma_wait3A_138, %dma_wait3A_140, %dma_wait3A_141] : memref<3x16x1024xf32, #tpu.memory_space<vmem>> -> memref<1x16x1024xf32, #tpu.memory_space<vmem>>
    %dma_wait3A_143 = tpu.memref_squeeze %dma_wait3A_142 : memref<1x16x1024xf32, #tpu.memory_space<vmem>> -> memref<16x1024xf32, #tpu.memory_space<vmem>>
    %dma_wait3A_144 = arith.constant 0 : i32
    %dma_wait3A_145 = arith.constant 0 : i32
    %dma_wait3A_146 = tpu.memref_slice %arg5[%dma_wait3A_139, %dma_wait3A_144, %dma_wait3A_145] : memref<2x16384x1024xf32, #tpu.memory_space<hbm>> -> memref<1x16384x1024xf32, #tpu.memory_space<hbm>>
    %dma_wait3A_147 = tpu.memref_squeeze %dma_wait3A_146 : memref<1x16384x1024xf32, #tpu.memory_space<hbm>> -> memref<16384x1024xf32, #tpu.memory_space<hbm>>
    %dma_wait3A_148 = arith.constant 0 : i32
    %dma_wait3A_149 = tpu.memref_slice %dma_wait3A_147[%add3A_137, %dma_wait3A_148] : memref<16384x1024xf32, #tpu.memory_space<hbm>> -> memref<16x1024xf32, #tpu.memory_space<hbm>>
    %dma_wait3A_150 = arith.constant 0 : i32
    %dma_wait3A_151 = arith.constant 0 : i32
    %dma_wait3A_152 = tpu.memref_slice %arg5[%dma_wait3A_139, %dma_wait3A_150, %dma_wait3A_151] : memref<2x16384x1024xf32, #tpu.memory_space<hbm>> -> memref<1x16384x1024xf32, #tpu.memory_space<hbm>>
    %dma_wait3A_153 = tpu.memref_squeeze %dma_wait3A_152 : memref<1x16384x1024xf32, #tpu.memory_space<hbm>> -> memref<16384x1024xf32, #tpu.memory_space<hbm>>
    %dma_wait3A_154 = arith.constant 0 : i32
    %dma_wait3A_155 = tpu.memref_slice %dma_wait3A_153[%add3A_137, %dma_wait3A_154] : memref<16384x1024xf32, #tpu.memory_space<hbm>> -> memref<16x1024xf32, #tpu.memory_space<hbm>>
    %dma_wait3A_156 = arith.constant 0 : i32
    %dma_wait3A_157 = arith.constant 0 : i32
    %dma_wait3A_158 = tpu.memref_slice %arg7[%dma_wait3A_138, %dma_wait3A_156, %dma_wait3A_157] : memref<3x16x1024xf32, #tpu.memory_space<vmem>> -> memref<1x16x1024xf32, #tpu.memory_space<vmem>>
    %dma_wait3A_159 = tpu.memref_squeeze %dma_wait3A_158 : memref<1x16x1024xf32, #tpu.memory_space<vmem>> -> memref<16x1024xf32, #tpu.memory_space<vmem>>
    tpu.wait_dma2 semaphore(%arg10 : memref<!tpu.dma_semaphore, #tpu.memory_space<semaphore_mem>>) src(%dma_wait3A_159 : memref<16x1024xf32, #tpu.memory_space<vmem>>) dst(%dma_wait3A_155 : memref<16x1024xf32, #tpu.memory_space<hbm>>)
    %dma_wait3A_160 = arith.constant 0 : i32
    %dma_wait3A_161 = arith.constant 1 : i32
    %dma_wait3A_162 = arith.constant 0 : i32
    %dma_wait3A_163 = arith.constant 0 : i32
    %dma_wait3A_164 = tpu.memref_slice %arg8[%dma_wait3A_160, %dma_wait3A_162, %dma_wait3A_163] : memref<3x16x1024xf32, #tpu.memory_space<vmem>> -> memref<1x16x1024xf32, #tpu.memory_space<vmem>>
    %dma_wait3A_165 = tpu.memref_squeeze %dma_wait3A_164 : memref<1x16x1024xf32, #tpu.memory_space<vmem>> -> memref<16x1024xf32, #tpu.memory_space<vmem>>
    %dma_wait3A_166 = arith.constant 0 : i32
    %dma_wait3A_167 = arith.constant 0 : i32
    %dma_wait3A_168 = tpu.memref_slice %arg5[%dma_wait3A_161, %dma_wait3A_166, %dma_wait3A_167] : memref<2x16384x1024xf32, #tpu.memory_space<hbm>> -> memref<1x16384x1024xf32, #tpu.memory_space<hbm>>
    %dma_wait3A_169 = tpu.memref_squeeze %dma_wait3A_168 : memref<1x16384x1024xf32, #tpu.memory_space<hbm>> -> memref<16384x1024xf32, #tpu.memory_space<hbm>>
    %dma_wait3A_170 = arith.constant 0 : i32
    %dma_wait3A_171 = tpu.memref_slice %dma_wait3A_169[%add3A_137, %dma_wait3A_170] : memref<16384x1024xf32, #tpu.memory_space<hbm>> -> memref<16x1024xf32, #tpu.memory_space<hbm>>
    %dma_wait3A_172 = arith.constant 0 : i32
    %dma_wait3A_173 = arith.constant 0 : i32
    %dma_wait3A_174 = tpu.memref_slice %arg5[%dma_wait3A_161, %dma_wait3A_172, %dma_wait3A_173] : memref<2x16384x1024xf32, #tpu.memory_space<hbm>> -> memref<1x16384x1024xf32, #tpu.memory_space<hbm>>
    %dma_wait3A_175 = tpu.memref_squeeze %dma_wait3A_174 : memref<1x16384x1024xf32, #tpu.memory_space<hbm>> -> memref<16384x1024xf32, #tpu.memory_space<hbm>>
    %dma_wait3A_176 = arith.constant 0 : i32
    %dma_wait3A_177 = tpu.memref_slice %dma_wait3A_175[%add3A_137, %dma_wait3A_176] : memref<16384x1024xf32, #tpu.memory_space<hbm>> -> memref<16x1024xf32, #tpu.memory_space<hbm>>
    %dma_wait3A_178 = arith.constant 0 : i32
    %dma_wait3A_179 = arith.constant 0 : i32
    %dma_wait3A_180 = tpu.memref_slice %arg8[%dma_wait3A_160, %dma_wait3A_178, %dma_wait3A_179] : memref<3x16x1024xf32, #tpu.memory_space<vmem>> -> memref<1x16x1024xf32, #tpu.memory_space<vmem>>
    %dma_wait3A_181 = tpu.memref_squeeze %dma_wait3A_180 : memref<1x16x1024xf32, #tpu.memory_space<vmem>> -> memref<16x1024xf32, #tpu.memory_space<vmem>>
    tpu.wait_dma2 semaphore(%arg10 : memref<!tpu.dma_semaphore, #tpu.memory_space<semaphore_mem>>) src(%dma_wait3A_181 : memref<16x1024xf32, #tpu.memory_space<vmem>>) dst(%dma_wait3A_177 : memref<16x1024xf32, #tpu.memory_space<hbm>>)
    %add3A_182 = arith.constant 496 : i32
    %add3A_183 = arith.addi %mul3A_2, %add3A_182 : i32
    %dma_wait3A_184 = arith.constant 1 : i32
    %dma_wait3A_185 = arith.constant 0 : i32
    %dma_wait3A_186 = arith.constant 0 : i32
    %dma_wait3A_187 = arith.constant 0 : i32
    %dma_wait3A_188 = tpu.memref_slice %arg7[%dma_wait3A_184, %dma_wait3A_186, %dma_wait3A_187] : memref<3x16x1024xf32, #tpu.memory_space<vmem>> -> memref<1x16x1024xf32, #tpu.memory_space<vmem>>
    %dma_wait3A_189 = tpu.memref_squeeze %dma_wait3A_188 : memref<1x16x1024xf32, #tpu.memory_space<vmem>> -> memref<16x1024xf32, #tpu.memory_space<vmem>>
    %dma_wait3A_190 = arith.constant 0 : i32
    %dma_wait3A_191 = arith.constant 0 : i32
    %dma_wait3A_192 = tpu.memref_slice %arg5[%dma_wait3A_185, %dma_wait3A_190, %dma_wait3A_191] : memref<2x16384x1024xf32, #tpu.memory_space<hbm>> -> memref<1x16384x1024xf32, #tpu.memory_space<hbm>>
    %dma_wait3A_193 = tpu.memref_squeeze %dma_wait3A_192 : memref<1x16384x1024xf32, #tpu.memory_space<hbm>> -> memref<16384x1024xf32, #tpu.memory_space<hbm>>
    %dma_wait3A_194 = arith.constant 0 : i32
    %dma_wait3A_195 = tpu.memref_slice %dma_wait3A_193[%add3A_183, %dma_wait3A_194] : memref<16384x1024xf32, #tpu.memory_space<hbm>> -> memref<16x1024xf32, #tpu.memory_space<hbm>>
    %dma_wait3A_196 = arith.constant 0 : i32
    %dma_wait3A_197 = arith.constant 0 : i32
    %dma_wait3A_198 = tpu.memref_slice %arg5[%dma_wait3A_185, %dma_wait3A_196, %dma_wait3A_197] : memref<2x16384x1024xf32, #tpu.memory_space<hbm>> -> memref<1x16384x1024xf32, #tpu.memory_space<hbm>>
    %dma_wait3A_199 = tpu.memref_squeeze %dma_wait3A_198 : memref<1x16384x1024xf32, #tpu.memory_space<hbm>> -> memref<16384x1024xf32, #tpu.memory_space<hbm>>
    %dma_wait3A_200 = arith.constant 0 : i32
    %dma_wait3A_201 = tpu.memref_slice %dma_wait3A_199[%add3A_183, %dma_wait3A_200] : memref<16384x1024xf32, #tpu.memory_space<hbm>> -> memref<16x1024xf32, #tpu.memory_space<hbm>>
    %dma_wait3A_202 = arith.constant 0 : i32
    %dma_wait3A_203 = arith.constant 0 : i32
    %dma_wait3A_204 = tpu.memref_slice %arg7[%dma_wait3A_184, %dma_wait3A_202, %dma_wait3A_203] : memref<3x16x1024xf32, #tpu.memory_space<vmem>> -> memref<1x16x1024xf32, #tpu.memory_space<vmem>>
    %dma_wait3A_205 = tpu.memref_squeeze %dma_wait3A_204 : memref<1x16x1024xf32, #tpu.memory_space<vmem>> -> memref<16x1024xf32, #tpu.memory_space<vmem>>
    tpu.wait_dma2 semaphore(%arg10 : memref<!tpu.dma_semaphore, #tpu.memory_space<semaphore_mem>>) src(%dma_wait3A_205 : memref<16x1024xf32, #tpu.memory_space<vmem>>) dst(%dma_wait3A_201 : memref<16x1024xf32, #tpu.memory_space<hbm>>)
    %dma_wait3A_206 = arith.constant 1 : i32
    %dma_wait3A_207 = arith.constant 1 : i32
    %dma_wait3A_208 = arith.constant 0 : i32
    %dma_wait3A_209 = arith.constant 0 : i32
    %dma_wait3A_210 = tpu.memref_slice %arg8[%dma_wait3A_206, %dma_wait3A_208, %dma_wait3A_209] : memref<3x16x1024xf32, #tpu.memory_space<vmem>> -> memref<1x16x1024xf32, #tpu.memory_space<vmem>>
    %dma_wait3A_211 = tpu.memref_squeeze %dma_wait3A_210 : memref<1x16x1024xf32, #tpu.memory_space<vmem>> -> memref<16x1024xf32, #tpu.memory_space<vmem>>
    %dma_wait3A_212 = arith.constant 0 : i32
    %dma_wait3A_213 = arith.constant 0 : i32
    %dma_wait3A_214 = tpu.memref_slice %arg5[%dma_wait3A_207, %dma_wait3A_212, %dma_wait3A_213] : memref<2x16384x1024xf32, #tpu.memory_space<hbm>> -> memref<1x16384x1024xf32, #tpu.memory_space<hbm>>
    %dma_wait3A_215 = tpu.memref_squeeze %dma_wait3A_214 : memref<1x16384x1024xf32, #tpu.memory_space<hbm>> -> memref<16384x1024xf32, #tpu.memory_space<hbm>>
    %dma_wait3A_216 = arith.constant 0 : i32
    %dma_wait3A_217 = tpu.memref_slice %dma_wait3A_215[%add3A_183, %dma_wait3A_216] : memref<16384x1024xf32, #tpu.memory_space<hbm>> -> memref<16x1024xf32, #tpu.memory_space<hbm>>
    %dma_wait3A_218 = arith.constant 0 : i32
    %dma_wait3A_219 = arith.constant 0 : i32
    %dma_wait3A_220 = tpu.memref_slice %arg5[%dma_wait3A_207, %dma_wait3A_218, %dma_wait3A_219] : memref<2x16384x1024xf32, #tpu.memory_space<hbm>> -> memref<1x16384x1024xf32, #tpu.memory_space<hbm>>
    %dma_wait3A_221 = tpu.memref_squeeze %dma_wait3A_220 : memref<1x16384x1024xf32, #tpu.memory_space<hbm>> -> memref<16384x1024xf32, #tpu.memory_space<hbm>>
    %dma_wait3A_222 = arith.constant 0 : i32
    %dma_wait3A_223 = tpu.memref_slice %dma_wait3A_221[%add3A_183, %dma_wait3A_222] : memref<16384x1024xf32, #tpu.memory_space<hbm>> -> memref<16x1024xf32, #tpu.memory_space<hbm>>
    %dma_wait3A_224 = arith.constant 0 : i32
    %dma_wait3A_225 = arith.constant 0 : i32
    %dma_wait3A_226 = tpu.memref_slice %arg8[%dma_wait3A_206, %dma_wait3A_224, %dma_wait3A_225] : memref<3x16x1024xf32, #tpu.memory_space<vmem>> -> memref<1x16x1024xf32, #tpu.memory_space<vmem>>
    %dma_wait3A_227 = tpu.memref_squeeze %dma_wait3A_226 : memref<1x16x1024xf32, #tpu.memory_space<vmem>> -> memref<16x1024xf32, #tpu.memory_space<vmem>>
    tpu.wait_dma2 semaphore(%arg10 : memref<!tpu.dma_semaphore, #tpu.memory_space<semaphore_mem>>) src(%dma_wait3A_227 : memref<16x1024xf32, #tpu.memory_space<vmem>>) dst(%dma_wait3A_223 : memref<16x1024xf32, #tpu.memory_space<hbm>>)
    return
  }
}

</mosaic_0001>

<sc_bundles>
// kernel: kernel.3.cloned.1.call-start
scs
__scs_entry_jumppad:
0x0: {  	(pc) =	sbr.rel $0x88, $3  }
0x1: {  	(tag) =	ssettag $0x0;
	lr =	simm.s32 $0x1  }
0x2: {  	[smem:$0x3F9E] =	sst lr;
	_ =	strace $0xD0000000  }
0x3: {  	_ = 	snop  }
0x4: {  	_ = 	snop  }
0x5: {  	_ = 	snop  }
0x6: {  	_ = 	snop  }
0x7: {  	_ = 	snop  }
__scs_overlays_trampoline_lowered:
0x8: {  	[smem:$0x3FAD] =	sst s0  }
0x9: {  	[smem:$0x3FAE] =	sst s1  }
0xa: {  	[smem:$0x3FAF] =	sst s2  }
0xb: {  	[smem:$0x3FB0] =	sst s3  }
0xc: {  	[smem:$0x3FB1] =	sst s4  }
0xd: {  	[smem:$0x3FB2] =	sst s5  }
0xe: {  	[smem:$0x3FB3] =	sst s6  }
0xf: {  	[smem:$0x3FB4] =	sst s7  }
0x10: {  	[smem:$0x3FB5] =	sst s8  }
0x11: {  	[smem:$0x3FB6] =	sst s9;
	s0 =	simm.s32 @!p0 $0x0  }
0x12: {  	s1 =	sld [smem:$0x3F9C];
	s0 =	simm.s32 @p0 $0x1  }
0x13: {  	[smem:$0x3FB7] =	sst s0;
	s0 =	simm.s32 @!p1 $0x0  }
0x14: {  	s2 =	sld [smem:$0x3F9B];
	s0 =	simm.s32 @p1 $0x1  }
0x15: {  	[smem:$0x3FB8] =	sst s0;
	s0 =	simm.s32 @!p2 $0x0  }
0x16: {  	s3 =	sld [smem:$0x3FDB];
	s0 =	simm.s32 @p2 $0x1  }
0x17: {  	s4 =	simm.s32 $0x1BF5;
	[smem:$0x3FBA] =	sst s0  }
0x18: {  	s0 =	sld [smem:$0x3F9D];
	_ =	swait.ge [sflag:s4], $0x0  }
0x19: {  	s7 =	sld [smem:$0x3F9E]  }
0x1a: {  	s8 =	sadd.s32 $0xFFFFE003, lr  }
0x1b: {  	s9 =	sadd.s32 $0xFFFFFEF7, lr;
	s5 =	simm.s32 $0xFFFFFFFF;
	p2 =	slt.u32 s8, $0xFFFFF086  }
0x1c: {  	p1 =	slt.u32 s9, $0xF7A;
	s5 =	simm.s32 @!p2 $0x0  }
0x1d: {  	s5 =	simm.s32 @p1 $0x1;
	p0 =	seq.s32 s7, s2  }
0x1e: {  	s7 =	smul.u32 @!p0 $0xF7A, s2;
	p2 =	seq.s32 @!p0 s5, $0x0  }
0x1f: {  	s9 =	smul.u32 $0xF7A, s1;
	s8 =	simm.s32 @!p0 $0x1BF5;
	p2 =	por !p2, p0  }
0x20: {  	[sflag:s8] =	ssyncset.s32 @!p0 $0xFFFFF086;
	s6 =	sadd.s32 @!p0 s3, s7;
	s7 =	simm.s32 @!p0 $0x108  }
0x21: {  	s3 =	sadd.s32 s3, s9;
	s6 =	sadd.s32 @!p0 $0x88, s6;
	s7 =	simm.s32 @p2 $0x1082  }
0x22: {  	[simem:s7], [sflag:s8] =	dma.local @!p0 [hbm:s6], $0xF7A  }
0x23: {  	s9 =	sor.u32 $0xD0000000, s2;
	s6 =	simm.s32 $0x108;
	_ =	swait.ge @!p0 [sflag:s8], $0x0  }
0x24: {  	s3 =	sadd.s32 $0x88, s3;
	s6 =	simm.s32 @!p1 $0x1082;
	[sflag:s4] =	ssyncset.s32 $0xFFFFF086  }
0x25: {  	[simem:s6], [sflag:s4] =	dma.local [hbm:s3], $0xF7A  }
0x26: {  	[smem:$0x3F9E] =	sst s1;
	(tag) =	ssettag s2;
	_ =	strace s9  }
0x27: {  	s1 =	sld [smem:$0x3FAE]  }
0x28: {  	s2 =	sld [smem:$0x3FAF]  }
0x29: {  	s4 =	sld [smem:$0x3FB1]  }
0x2a: {  	p0 =	seq.s32 s5, $0x0;
	s5 =	sld [smem:$0x3FB2]  }
0x2b: {  	s6 =	sld [smem:$0x3FB3]  }
0x2c: {  	s7 =	sld [smem:$0x3FB4]  }
0x2d: {  	s3 =	simm.s32 $0x108;
	s8 =	sld [smem:$0x3FB5]  }
0x2e: {  	s3 =	simm.s32 @!p0 $0x1082;
	s9 =	sld [smem:$0x3FB6]  }
0x2f: {  	lr =	sadd.s32 s0, s3;
	s0 =	sld [smem:$0x3FAD]  }
0x30: {  	s3 =	sld [smem:$0x3FB0]  }
0x31: {  	[smem:$0x3FB9] =	sst s10  }
0x32: {  	s10 =	sld [smem:$0x3FB7];
	_ =	sdelay $0x3  }
0x33: {  	p0 =	seq.s32 s10, $0x1;
	s10 =	sld [smem:$0x3FB9];
	_ =	sdelay $0x3  }
0x34: {  	[smem:$0x3FB9] =	sst s10  }
0x35: {  	s10 =	sld [smem:$0x3FB8];
	_ =	sdelay $0x3  }
0x36: {  	p1 =	seq.s32 s10, $0x1;
	s10 =	sld [smem:$0x3FB9];
	_ =	sdelay $0x3  }
0x37: {  	[smem:$0x3FB9] =	sst s10  }
0x38: {  	s10 =	sld [smem:$0x3FBA]  }
0x39: {  	_ = 	snop;
	(pc) =	sbr.ind lr, $3  }
0x3a: {  	_ = 	snop  }
0x3b: {  	_ = 	snop  }
0x3c: {  	p2 =	seq.s32 s10, $0x1;
	s10 =	sld [smem:$0x3FB9]  }
0x3d: {  	_ =	shalt  }
0x3e: {  	_ =	shalt  }
0x3f: {  	_ =	shalt  }
0x40: {  	_ =	shalt  }
0x41: {  	_ =	shalt  }
0x42: {  	_ =	shalt  }
0x43: {  	_ =	shalt  }
0x44: {  	_ =	shalt  }
0x45: {  	_ =	shalt  }
0x46: {  	_ =	shalt  }
0x47: {  	_ =	shalt  }
0x48: {  	_ =	shalt  }
0x49: {  	_ =	shalt  }
0x4a: {  	_ =	shalt  }
0x4b: {  	_ =	shalt  }
0x4c: {  	_ =	shalt  }
0x4d: {  	_ =	shalt  }
0x4e: {  	_ =	shalt  }
0x4f: {  	_ =	shalt  }
0x50: {  	_ =	shalt  }
0x51: {  	_ =	shalt  }
0x52: {  	_ =	shalt  }
0x53: {  	_ =	shalt  }
0x54: {  	_ =	shalt  }
0x55: {  	_ =	shalt  }
0x56: {  	_ =	shalt  }
0x57: {  	_ =	shalt  }
0x58: {  	_ =	shalt  }
0x59: {  	_ =	shalt  }
0x5a: {  	_ =	shalt  }
0x5b: {  	_ =	shalt  }
0x5c: {  	_ =	shalt  }
0x5d: {  	_ =	shalt  }
0x5e: {  	_ =	shalt  }
0x5f: {  	_ =	shalt  }
0x60: {  	_ =	shalt  }
0x61: {  	_ =	shalt  }
0x62: {  	_ =	shalt  }
0x63: {  	_ =	shalt  }
0x64: {  	_ =	shalt  }
0x65: {  	_ =	shalt  }
0x66: {  	_ =	shalt  }
0x67: {  	_ =	shalt  }
0x68: {  	_ =	shalt  }
0x69: {  	_ =	shalt  }
0x6a: {  	_ =	shalt  }
0x6b: {  	_ =	shalt  }
0x6c: {  	_ =	shalt  }
0x6d: {  	_ =	shalt  }
0x6e: {  	_ =	shalt  }
0x6f: {  	_ =	shalt  }
0x70: {  	_ =	shalt  }
0x71: {  	_ =	shalt  }
0x72: {  	_ =	shalt  }
0x73: {  	_ =	shalt  }
0x74: {  	_ =	shalt  }
0x75: {  	_ =	shalt  }
0x76: {  	_ =	shalt  }
0x77: {  	_ =	shalt  }
0x78: {  	_ =	shalt  }
0x79: {  	_ =	shalt  }
0x7a: {  	_ =	shalt  }
0x7b: {  	_ =	shalt  }
0x7c: {  	_ =	shalt  }
0x7d: {  	_ =	shalt  }
0x7e: {  	_ =	shalt  }
0x7f: {  	_ =	shalt  }
0x80: {  	_ =	shalt  }
0x81: {  	_ =	shalt  }
0x82: {  	_ =	shalt  }
0x83: {  	_ =	shalt  }
0x84: {  	_ =	shalt  }
0x85: {  	_ =	shalt  }
0x86: {  	_ =	shalt  }
0x87: {  	_ =	shalt  }
.Lfunc_end0:
.L_simem_size_0:
called_computation_lowered:
.L_overlay_start_0:
0x88: {  	s2 =	sld [smem:$0x3FD9]  }
0x89: {  	s3 =	sld [smem:$0x3FFE];
	_ =	sdelay $0x1  }
0x8a: {  	s1 =	srdreg.scid  }
0x8b: {  	s0 =	sand.u32 $0x1, s1  }
0x8c: {  	s18 =	sshll.u32 s0, $0xA;
	s2 =	sadd.s32 s3, s2  }
0x8d: {  	s2 =	sadd.s32 s2, s18  }
0x8e: {  	[smem:$0x3FC5] =	sst s2  }
0x8f: {  	_ = 	snop  }
0x90: {  	s2 =	sld [smem:$0x3FC9]  }
0x91: {  	s19 =	sld [smem:$0x3FC8]  }
0x92: {  	s4 =	sld [smem:$0x3FC7]  }
0x93: {  	s5 =	sld [smem:$0x3FD0];
	(tm) =	ssettm $0x1  }
0x94: {  	s6 =	sld [smem:$0x3FFB];
	_ =	sdelay $0x3  }
0x95: {  	_ =	strace s6  }
0x96: {  	s6 =	sld [smem:$0x3FFC];
	_ =	sdelay $0x3  }
0x97: {  	_ =	strace s6  }
0x98: {  	s6 =	sld [smem:$0x3FFD];
	_ =	sdelay $0x3  }
0x99: {  	_ =	strace s6  }
0x9a: {  	_ =	strace $0x8FFFFFFF  }
0x9b: {  	s20 =	sld [smem:$0x3FDB];
	_ =	sdelay $0x1  }
0x9c: {  	s7 =	simm.s32 $_scs_section_size  }
0x9d: {  	s8 =	simm.s32 $_size__tile_overlayer_lowered;
	s9 =	simm.s32 $_tile_overlayer_lowered  }
0x9e: {  	s23 =	simm.s32 $0x1BFF;
	s22 =	sshll.u32 s9, $0x1;
	s6 =	sadd.s32 s7, s20  }
0x9f: {  	s10 =	simm.s32 $0x0;
	s21 =	sshll.u32 s8, $0x1;
	s8 =	sadd.s32 s22, s6  }
0xa0: {  	[timem:s10], [sflag:s23] =	dma.local [hbm:s8], s21  }
0xa1: {  	_ =	swait.ge [sflag:s23], s21  }
0xa2: {  	s7 =	ssub.s32 $0x0, s21;
	[sflag:s23] =	ssyncset.done $0x0  }
0xa3: {  	[sflag:s23] =	ssyncadd.s32 s7;
	_ =	sdelay $0x1  }
0xa4: {  	s24 =	simm.s32 $0x1B8B  }
0xa5: {  	_ =	swait.ge [sflag:s24], $0x1  }
0xa6: {  	[sflag:s24] =	ssyncset.done $0x0  }
0xa7: {  	s25 =	simm.s32 $0x1B8E;
	[sflag:s24] =	ssyncadd.s32 $0xFFFFFFFF  }
0xa8: {  	s26 =	simm.s32 $execute0_lowered;
	[smem:$0x3FD2] =	sst s25  }
0xa9: {  	s7 =	sshll.u32 s26, $0x1;
	_ =	strace $0x80000046;
	[dreg:$0x1] =	wrdreg $0xFFFFFFFF  }
0xaa: {  	s28 =	simm.s32 $_size_execute0_lowered;
	s6 =	sadd.s32 s6, s7;
	[dreg:$0x0] =	wrdreg $0x0  }
0xab: {  	s7 =	sshll.u32 s28, $0x1;
	[dreg:$0x2] =	wrdreg s6  }
0xac: {  	[dreg:$0x3] =	wrdreg s7  }
0xad: {  	[dreg:$0x4] =	wrdreg $0xC0  }
0xae: {  	_ =	task [dreg:s10], $0x5FFFF  }
0xaf: {  	[dreg:$0x1] =	wrdreg $0xFFFFFFFF  }
0xb0: {  	[dreg:$0x0] =	wrdreg $0x60  }
0xb1: {  	[dreg:$0x2] =	wrdreg s2  }
0xb2: {  	[dreg:$0x3] =	wrdreg s19  }
0xb3: {  	[dreg:$0x4] =	wrdreg s4  }
0xb4: {  	[dreg:$0x5] =	wrdreg s5  }
0xb5: {  	[dreg:$0x6] =	wrdreg $0x9  }
0xb6: {  	_ =	task.clear_ibuf [dreg:s10], $0x7FFFF;
	_ =	strace $0x90000046  }
0xb7: {  	s29 =	simm.s32 $0x9;
	_ =	strace $0x80000048  }
0xb8: {  	_ =	swait.ge [sflag:s29], $0x1  }
0xb9: {  	[sflag:s29] =	ssyncadd.s32 $0xFFFFFFFF  }
0xba: {  	_ =	strace $0x90000048  }
0xbb: {  	_ =	sfence  }
0xbc: {  	s30 =	sld [smem:$0x0];
	_ =	sdelay $0x2  }
0xbd: {  	s31 =	sshll.u32 s1, $0xD;
	s1 =	sshrl.u32 s1, $0x2  }
0xbe: {  	s3 =	sand.u32 $0x4000, s31;
	s1 =	sadd.s32 s1, s30  }
0xbf: {  	s0 =	sor.u32 s3, s0;
	s1 =	sshll.u32 s1, $0x11  }
0xc0: {  	s0 =	sor.u32 s1, s0  }
0xc1: {  	s0 =	sadd.s32 $0x8F2B, s0  }
0xc2: {  	[sflag:s0] =	ssyncadd.remote.s32 $0x1  }
0xc3: {  	_ =	sfence.sel $0xFFFF  }
0xc4: {  	[dreg:$0x0] =	wrdreg $0xFFFFFFFF;
	(pc) =	sbr.abs _section_cstart, $3  }
0xc5: {  	[dreg:$0x1] =	wrdreg $0xFFFFFFFF  }
0xc6: {  	_ =	task.clear_ibuf [dreg:s10], $0x2FFFF;
	_ =	strace $0x9FFFFFFF  }
0xc7: {  	(tm) =	ssettm $0x7FFFFFFF  }
tec
execute0_lowered:
.L_overlay_start_1:
0x0: {  	(tag) =	ssettag $0x1  }
0x1: {  	s1 =	rddreg [dreg:$0x0]  }
0x2: {  	s2 =	rddreg [dreg:$0x1]  }
0x3: {  	s5 =	rddreg [dreg:$0x3];
	s0 =	srdreg.scid  }
0x4: {  	s3 =	stileid.u32;
	s6 =	simm.s32 $0x0;
	s21 =	simm.s32 $0x3  }
0x5: {  	s28 =	simm.s32 $0x14080;
	s29 =	simm.s32 $0x1;
	s30 =	simm.s32 $0x2  }
0x6: {  	s31 =	simm.s32 $0x0;
	s0 =	sand.u32 $0x1, s0;
	s3 =	sshll.u32 s3, $0xA  }
0x7: {  	[smem:$0x7FF] =	sst s6;
	s4 =	sshll.u32 s0, $0x9;
	s0 =	ssub.s32 $0x2, s0  }
0x8: {  	s15 =	sadd.s32 $0x200000, s5;
	s7 =	sor.u32 s4, s3;
	s22 =	sshrl.u32 s0, $0x1  }
0x9: {  	_ =	strace $0x80000047;
	s4 =	sshll.u32 s7, $0x7;
	s0 =	ssub.s32 s0, s22  }
0xa: {  	s14 =	sor.u32 $0x10, s7;
	s26 =	sshll.u32 s7, $0xA;
	s16 =	sor.u32 $0x20, s7  }
0xb: {  	s18 =	sor.u32 $0x30, s7;
	s22 =	simm.s32 $0x80;
	s23 =	sadd.s32 s1, s4  }
0xc: {  	s24 =	sor.u32 $0x800, s4;
	s8 =	sadd.s32 s2, s4;
	s4 =	sor.u32 $0x1000, s4  }
.Ltmp0:
0xd: {  	s17 =	sor.u32 $0x4000, s26;
	s19 =	sor.u32 $0x8000, s26;
	(pc) =	sbr.rel .LBB2_1-.Ltmp0, $4  }
0xe: {  	v0 =	vlaneseq.u32;
	s20 =	smax.u32 s0, $0x1;
	s26 =	simm.s32 $0x8080;
	[dreg:$0x5] =	wrdreg s23  }
0xf: {  	v1 =	vor.u32 $0x10, v0;
	[dreg:$0x6] =	wrdreg s8;
	s25 =	sadd.s32 s1, s24;
	s11 =	sadd.s32 s2, s24  }
0x10: {  	v2 =	vor.u32 $0x20, v0;
	v3 =	vor.u32 $0x30, v0;
	v4 =	vor.u32 $0x40, v0;
	s12 =	sadd.s32 s1, s4;
	s13 =	sadd.s32 s2, s4;
	s23 =	simm.s32 $0xC080  }
0x11: {  	v5 =	vor.u32 $0x50, v0;
	v6 =	vor.u32 $0x60, v0;
	v7 =	vor.u32 $0x70, v0;
	s24 =	simm.s32 $0x4080;
	[dreg:$0x7] =	wrdreg s25;
	s25 =	simm.s32 $0x10080  }
.LBB2_10:
0x12: {  	_ =	swait.ge [sflag:s30], $0x4000  }
0x13: {  	[sflag:s30] =	ssyncset.done $0x0  }
0x14: {  	[sflag:s30] =	ssyncadd.s32 $0xFFFFC000  }
0x15: {  	_ =	swait.ge [sflag:s30], $0x4000  }
0x16: {  	[sflag:s30] =	ssyncset.done $0x0  }
0x17: {  	s31 =	sadd.s32 $0x1, s31;
	[sflag:s30] =	ssyncadd.s32 $0xFFFFC000  }
0x18: {  	p0 =	sne.s32 s31, s20;
	_ =	swait.ge [sflag:s30], $0x4000  }
.Ltmp1:
0x19: {  	[sflag:s30] =	ssyncset.done $0x0;
	(pc) =	sbr.rel @!p0 .LBB2_11-.Ltmp1, $4  }
0x1a: {  	[sflag:s30] =	ssyncadd.s32 $0xFFFFC000  }
0x1b: {  	_ =	swait.ge [sflag:s30], $0x4000  }
0x1c: {  	[sflag:s30] =	ssyncset.done $0x0  }
0x1d: {  	[sflag:s30] =	ssyncadd.s32 $0xFFFFC000  }
.LBB2_1:
0x1e: {  	s0 =	rddreg [dreg:$0x2]  }
0x1f: {  	[tilespmem:s6], [sflag:$0x3] =	stream.linear.gather [hbm4b:s0+s6], $0x80, $0x38;
	[tilespmem:$0x18080] =	vst v63  }
0x20: {  	_ =	swait.ge [sflag:s21], $0x80  }
0x21: {  	[sflag:s21] =	ssyncset.done $0x0  }
0x22: {  	s8 =	rddreg [dreg:$0x5];
	[sflag:s21] =	ssyncadd.s32 $0xFFFFFF80  }
0x23: {  	[tilespmem:s22], [sflag:$0x1] =	stream.linear.gather [hbm4b:s8+s6], $0x4000, $0x38;
	[tilespmem:$0x18080] =	vst v63  }
0x24: {  	s9 =	rddreg [dreg:$0x6]  }
0x25: {  	[tilespmem:s23], [sflag:$0x1] =	stream.linear.gather [hbm4b:s9+s6], $0x4000, $0x38;
	[tilespmem:$0x18080] =	vst v63  }
0x26: {  	s10 =	rddreg [dreg:$0x7]  }
0x27: {  	[tilespmem:s24], [sflag:$0x1] =	stream.linear.gather [hbm4b:s10+s6], $0x4000, $0x38;
	[tilespmem:$0x18080] =	vst v63  }
0x28: {  	_ = 	snop  }
0x29: {  	[tilespmem:s25], [sflag:$0x1] =	stream.linear.gather [hbm4b:s11+s6], $0x4000, $0x38;
	[tilespmem:$0x18080] =	vst v63  }
0x2a: {  	_ = 	snop  }
0x2b: {  	[tilespmem:s26], [sflag:$0x1] =	stream.linear.gather [hbm4b:s12+s6], $0x4000, $0x38;
	[tilespmem:$0x18080] =	vst v63  }
0x2c: {  	s0 =	simm.s32 $0x0  }
0x2d: {  	[tilespmem:s28], [sflag:$0x1] =	stream.linear.gather [hbm4b:s13+s6], $0x4000, $0x38;
	[tilespmem:$0x18080] =	vst v63  }
.LBB2_2:
0x2e: {  	s4 =	smul.u32 $0x3, s0;
	_ =	sdelay $0x1  }
0x2f: {  	s3 =	sadd.s32 $0xFFFFFFFE, s4  }
0x30: {  	p0 =	sgt.u32 s3, $0x1C  }
0x31: {  	s3 =	simm.s32 @!p0 $0x2  }
0x32: {  	_ =	swait.ge @!p0 [sflag:s3], $0x4000  }
0x33: {  	[sflag:s3] =	ssyncset.done @!p0 $0x0  }
0x34: {  	s8 =	smul.u32 @!p0 $0x30, s0;
	[sflag:s3] =	ssyncadd.s32 @!p0 $0xFFFFC000  }
0x35: {  	_ =	swait.ge @!p0 [sflag:s3], $0x4000  }
0x36: {  	s8 =	sadd.s32 @!p0 s8, s14;
	[sflag:s3] =	ssyncset.done @!p0 $0x0  }
0x37: {  	[sflag:s3] =	ssyncadd.s32 @!p0 $0xFFFFC000;
	s3 =	sshll.u32 @!p0 s8, $0x7  }
0x38: {  	s9 =	simm.s32 @!p0 $0x0;
	s10 =	simm.s32 @!p0 $0x4080;
	s8 =	sadd.s32 @!p0 s1, s3  }
0x39: {  	[tilespmem:s10], [sflag:$0x1] =	stream.linear.gather @!p0 [hbm4b:s8+s9], $0x4000, $0x38;
	[tilespmem:$0x18080] =	vst v63  }
0x3a: {  	s3 =	sadd.s32 @!p0 s2, s3;
	s8 =	simm.s32 @!p0 $0x10080  }
0x3b: {  	[tilespmem:s8], [sflag:$0x1] =	stream.linear.gather @!p0 [hbm4b:s3+s9], $0x4000, $0x38;
	[tilespmem:$0x18080] =	vst v63  }
0x3c: {  	_ =	swait.ge [sflag:s29], $0x4000  }
0x3d: {  	[sflag:s29] =	ssyncset.done $0x0  }
0x3e: {  	[sflag:s29] =	ssyncadd.s32 $0xFFFFC000  }
0x3f: {  	_ =	swait.ge [sflag:s29], $0x4000  }
0x40: {  	[sflag:s29] =	ssyncset.done $0x0  }
0x41: {  	[sflag:s29] =	ssyncadd.s32 $0xFFFFC000  }
0x42: {  	v8 =	vld [tilespmem:$0x0];
	_ =	sdelay $0x1  }
0x43: {  	v9 =	vld [tilespmem:$0x10]  }
0x44: {  	s10 =	simm.s32 $0x0  }
0x45: {  	v11 =	vmov s10  }
0x46: {  	v12 =	vshll.u32 v11, $0xA;
	v14 =	vld [tilespmem:$0x20];
	v13 =	vshll.u32 v8, $0x3  }
0x47: {  	v11 =	vshll.u32 v11, $0x7;
	v12 =	vand.u32 $0x2000, v12;
	v10 =	vld [tilespmem:$0x40];
	v13 =	vand.u32 $0xFFFFFC00, v13  }
0x48: {  	v8 =	vand.u32 $0x7F, v8;
	v15 =	vshll.u32 v9, $0x3;
	v13 =	vadd.s32 v12, v13  }
0x49: {  	v11 =	vand.u32 $0x380, v11;
	v8 =	vor.u32 v8, v13;
	v13 =	vand.u32 $0xFFFFFC00, v15;
	v15 =	vld [tilespmem:$0x30]  }
0x4a: {  	v16 =	vld [tilespmem:$0x50];
	v9 =	vand.u32 $0x7F, v9;
	v8 =	vor.u32 v11, v8;
	v13 =	vadd.s32 v12, v13  }
0x4b: {  	v9 =	vor.u32 v9, v13;
	v13 =	vshll.u32 v14, $0x3  }
0x4c: {  	v17 =	vand.u32 $0x7F, v10;
	v10 =	vshll.u32 v10, $0x3;
	v13 =	vand.u32 $0xFFFFFC00, v13  }
0x4d: {  	v18 =	vld [tilespmem:$0x60];
	v14 =	vand.u32 $0x7F, v14;
	v9 =	vor.u32 v11, v9;
	v13 =	vadd.s32 v12, v13  }
0x4e: {  	v20 =	vld [tilespmem:$0x70];
	v10 =	vand.u32 $0xFFFFFC00, v10;
	v13 =	vor.u32 v14, v13;
	v14 =	vshll.u32 v15, $0x3  }
0x4f: {  	v19 =	vand.u32 $0x7F, v16;
	v10 =	vadd.s32 v12, v10;
	v21 =	vld.idx.msk [tilespmem:v8+s22+$0x0], $0xffff;
	v14 =	vand.u32 $0xFFFFFC00, v14  }
0x50: {  	v23 =	vld.idx.msk [tilespmem:v8+s23+$0x0], $0xffff;
	v8 =	vand.u32 $0x7F, v15;
	v15 =	vshll.u32 v16, $0x3;
	v14 =	vadd.s32 v12, v14  }
0x51: {  	v13 =	vor.u32 v11, v13;
	v8 =	vor.u32 v8, v14;
	v14 =	vand.u32 $0xFFFFFC00, v15  }
0x52: {  	v10 =	vor.u32 v17, v10;
	v15 =	vld.idx.msk [tilespmem:v9+s22+$0x0], $0xffff;
	v16 =	vor.u32 v11, v8;
	v8 =	vadd.s32 v12, v14  }
0x53: {  	v10 =	vor.u32 v11, v10;
	v9 =	vld.idx.msk [tilespmem:v9+s23+$0x0], $0xffff;
	v14 =	vshll.u32 v18, $0x3;
	v8 =	vor.u32 v19, v8  }
0x54: {  	v22 =	vand.u32 $0x7F, v18;
	v14 =	vand.u32 $0xFFFFFC00, v14;
	v18 =	vor.u32 v11, v8  }
0x55: {  	v8 =	vadd.s32 v12, v14;
	v14 =	vshll.u32 v20, $0x3;
	v20 =	vand.u32 $0x7F, v20  }
0x56: {  	v17 =	vld.idx.msk [tilespmem:v13+s22+$0x0], $0xffff;
	v19 =	vor.u32 v22, v8;
	v14 =	vand.u32 $0xFFFFFC00, v14;
	v22 =	vsub.f32 v21, v23  }
0x57: {  	v13 =	vld.idx.msk [tilespmem:v13+s23+$0x0], $0xffff;
	v8 =	vor.u32 v11, v12;
	v21 =	vadd.f32 v23, v21;
	v19 =	vor.u32 v11, v19  }
0x58: {  	v12 =	vadd.s32 v12, v14;
	v23 =	vsub.f32 v15, v9;
	v9 =	vadd.f32 v9, v15;
	v15 =	vld.idx.msk [tilespmem:v10+s22+$0x0], $0xffff  }
0x59: {  	v29 =	vor.u32 v1, v8;
	v14 =	vmax.f32 v22, $0.0e+00;
	v22 =	vld.idx.msk [tilespmem:v16+s23+$0x0], $0xffff;
	v21 =	vmax.f32 v21, $0.0e+00  }
0x5a: {  	v12 =	vor.u32 v20, v12;
	v20 =	vadd.f32 v21, v14;
	v14 =	vsub.f32 v21, v14;
	v21 =	vld.idx.msk [tilespmem:v10+s23+$0x0], $0xffff  }
0x5b: {  	v30 =	vor.u32 v2, v8;
	v10 =	vmax.f32 v23, $0.0e+00;
	v9 =	vmax.f32 v9, $0.0e+00;
	v61 =	vld.idx.msk [tilespmem:v18+s22+$0x0], $0xffff  }
0x5c: {  	v26 =	vor.u32 v11, v12;
	v23 =	vsub.f32 v17, v13;
	v25 =	vadd.f32 v9, v10;
	v18 =	vld.idx.msk [tilespmem:v18+s23+$0x0], $0xffff  }
0x5d: {  	v10 =	vsub.f32 v9, v10;
	v11 =	vadd.f32 v13, v17;
	v27 =	vmul.f32 $5.000000000e-01, v14;
	v14 =	vld.idx.msk [tilespmem:v16+s22+$0x0], $0xffff  }
0x5e: {  	v9 =	vor.u32 v5, v8;
	v20 =	vmul.f32 $5.000000000e-01, v20;
	v16 =	vor.u32 v0, v8;
	v24 =	vld.idx.msk [tilespmem:v19+s22+$0x0], $0xffff  }
0x5f: {  	v19 =	vld.idx.msk [tilespmem:v19+s23+$0x0], $0xffff;
	v17 =	vmul.f32 $5.000000000e-01, v25;
	v12 =	vmax.f32 v23, $0.0e+00;
	v13 =	vmax.f32 v11, $0.0e+00  }
0x60: {  	v28 =	vmul.f32 $5.000000000e-01, v10;
	v23 =	vadd.f32 v13, v12;
	v31 =	vsub.f32 v13, v12  }
0x61: {  	v11 =	vor.u32 v3, v8;
	v63 =	vsub.f32 v61, v18;
	v18 =	vadd.f32 v18, v61  }
0x62: {  	v10 =	vor.u32 v4, v8;
	v12 =	vld.idx.msk [tilespmem:v26+s23+$0x0], $0xffff;
	v62 =	vsub.f32 v14, v22;
	v22 =	vadd.f32 v22, v14  }
0x63: {  	v13 =	vld.idx.msk [tilespmem:v26+s22+$0x0], $0xffff;
	[tilespmem:v16+s22+$0x0] =	vst.idx.msk $0xffff, v20;
	v20 =	vsub.f32 v15, v21;
	v15 =	vadd.f32 v21, v15  }
0x64: {  	v23 =	vmul.f32 $5.000000000e-01, v23;
	v32 =	vsub.f32 v24, v19;
	v24 =	vadd.f32 v19, v24  }
0x65: {  	v19 =	vmul.f32 $5.000000000e-01, v31;
	[tilespmem:v16+s23+$0x0] =	vst.idx.msk $0xffff, v27;
	v21 =	vmax.f32 v62, $0.0e+00;
	v22 =	vmax.f32 v22, $0.0e+00  }
0x66: {  	[tilespmem:v29+s22+$0x0] =	vst.idx.msk $0xffff, v17;
	v16 =	vmax.f32 v20, $0.0e+00;
	v15 =	vmax.f32 v15, $0.0e+00;
	v17 =	vadd.f32 v22, v21  }
0x67: {  	v14 =	vmax.f32 v32, $0.0e+00;
	[tilespmem:v29+s23+$0x0] =	vst.idx.msk $0xffff, v28;
	v20 =	vadd.f32 v15, v16;
	v16 =	vsub.f32 v15, v16  }
0x68: {  	v15 =	vmax.f32 v63, $0.0e+00;
	v21 =	vsub.f32 v22, v21;
	[tilespmem:v30+s22+$0x0] =	vst.idx.msk $0xffff, v23;
	v23 =	vmul.f32 $5.000000000e-01, v17  }
0x69: {  	[tilespmem:v30+s23+$0x0] =	vst.idx.msk $0xffff, v19;
	v19 =	vmul.f32 $5.000000000e-01, v20;
	v20 =	vmax.f32 v24, $0.0e+00;
	v17 =	vsub.f32 v13, v12  }
0x6a: {  	s3 =	simm.s32 $0x1;
	v22 =	vmul.f32 $5.000000000e-01, v21;
	v21 =	vmax.f32 v18, $0.0e+00;
	v18 =	vadd.f32 v20, v14;
	[tilespmem:v11+s22+$0x0] =	vst.idx.msk $0xffff, v23  }
.LBB2_3:
0x6b: {  	p0 =	sne.s32 s3, $0xF;
	v23 =	vadd.f32 v21, v15;
	v24 =	vor.u32 v6, v8;
	v14 =	vsub.f32 v20, v14;
	s8 =	smov.u32 s3;
	s3 =	sadd.s32 $0x1, s3  }
0x6c: {  	v15 =	vsub.f32 v21, v15;
	v12 =	vadd.f32 v12, v13;
	[tilespmem:v11+s23+$0x0] =	vst.idx.msk $0xffff, v22;
	v11 =	vmul.f32 $5.000000000e-01, v16  }
0x6d: {  	v8 =	vor.u32 v7, v8;
	[tilespmem:v10+s22+$0x0] =	vst.idx.msk $0xffff, v19;
	v13 =	vmul.f32 $5.000000000e-01, v23  }
0x6e: {  	v12 =	vmax.f32 v12, $0.0e+00;
	[tilespmem:v10+s23+$0x0] =	vst.idx.msk $0xffff, v11;
	v10 =	vmul.f32 $5.000000000e-01, v15;
	v11 =	vmax.f32 v17, $0.0e+00  }
0x6f: {  	[tilespmem:v9+s22+$0x0] =	vst.idx.msk $0xffff, v13;
	v13 =	vmul.f32 $5.000000000e-01, v18;
	v15 =	vadd.f32 v12, v11;
	v11 =	vsub.f32 v12, v11  }
0x70: {  	[tilespmem:v9+s23+$0x0] =	vst.idx.msk $0xffff, v10;
	v9 =	vmul.f32 $5.000000000e-01, v14  }
0x71: {  	[tilespmem:v24+s22+$0x0] =	vst.idx.msk $0xffff, v13;
	v10 =	vmul.f32 $5.000000000e-01, v15  }
0x72: {  	[tilespmem:v24+s23+$0x0] =	vst.idx.msk $0xffff, v9;
	v9 =	vmul.f32 $5.000000000e-01, v11  }
0x73: {  	[tilespmem:v8+s22+$0x0] =	vst.idx.msk $0xffff, v10  }
0x74: {  	[tilespmem:v8+s23+$0x0] =	vst.idx.msk $0xffff, v9  }
0x75: {  	v8 =	vld [tilespmem:$0x0];
	_ =	sdelay $0x1  }
0x76: {  	v9 =	vld [tilespmem:$0x10]  }
0x77: {  	v10 =	vld [tilespmem:$0x40]  }
0x78: {  	v11 =	vmov s8  }
0x79: {  	v12 =	vshll.u32 v11, $0xA;
	v11 =	vshll.u32 v11, $0x7;
	v13 =	vshll.u32 v8, $0x3;
	v14 =	vld [tilespmem:$0x20]  }
0x7a: {  	v12 =	vand.u32 $0x2000, v12;
	v11 =	vand.u32 $0x380, v11;
	v13 =	vand.u32 $0xFFFFFC00, v13  }
0x7b: {  	v8 =	vand.u32 $0x7F, v8;
	v13 =	vadd.s32 v12, v13;
	v15 =	vshll.u32 v9, $0x3;
	v16 =	vld [tilespmem:$0x50]  }
0x7c: {  	v8 =	vor.u32 v8, v13;
	v13 =	vand.u32 $0xFFFFFC00, v15;
	v15 =	vld [tilespmem:$0x30];
	v17 =	vand.u32 $0x7F, v10  }
0x7d: {  	v9 =	vand.u32 $0x7F, v9;
	v8 =	vor.u32 v11, v8;
	v13 =	vadd.s32 v12, v13;
	v18 =	vld [tilespmem:$0x60]  }
0x7e: {  	v10 =	vshll.u32 v10, $0x3;
	v9 =	vor.u32 v9, v13;
	v13 =	vshll.u32 v14, $0x3  }
0x7f: {  	v10 =	vand.u32 $0xFFFFFC00, v10;
	v9 =	vor.u32 v11, v9;
	v13 =	vand.u32 $0xFFFFFC00, v13  }
0x80: {  	v14 =	vand.u32 $0x7F, v14;
	v13 =	vadd.s32 v12, v13;
	v19 =	vand.u32 $0x7F, v16  }
0x81: {  	v10 =	vadd.s32 v12, v10;
	v13 =	vor.u32 v14, v13;
	v14 =	vshll.u32 v15, $0x3;
	v20 =	vld [tilespmem:$0x70]  }
0x82: {  	v21 =	vld.idx.msk [tilespmem:v8+s22+$0x0], $0xffff;
	v13 =	vor.u32 v11, v13;
	v14 =	vand.u32 $0xFFFFFC00, v14;
	v22 =	vand.u32 $0x7F, v18  }
0x83: {  	v23 =	vld.idx.msk [tilespmem:v8+s23+$0x0], $0xffff;
	v8 =	vand.u32 $0x7F, v15;
	v14 =	vadd.s32 v12, v14;
	v15 =	vshll.u32 v16, $0x3  }
0x84: {  	v10 =	vor.u32 v17, v10;
	v16 =	vld.idx.msk [tilespmem:v9+s22+$0x0], $0xffff;
	v8 =	vor.u32 v8, v14;
	v14 =	vand.u32 $0xFFFFFC00, v15  }
0x85: {  	v9 =	vld.idx.msk [tilespmem:v9+s23+$0x0], $0xffff;
	v15 =	vor.u32 v11, v8;
	v8 =	vadd.s32 v12, v14;
	v14 =	vshll.u32 v18, $0x3  }
0x86: {  	v10 =	vor.u32 v11, v10;
	v8 =	vor.u32 v19, v8;
	v14 =	vand.u32 $0xFFFFFC00, v14  }
0x87: {  	v17 =	vld.idx.msk [tilespmem:v13+s22+$0x0], $0xffff;
	v18 =	vor.u32 v11, v8;
	v8 =	vadd.s32 v12, v14;
	v14 =	vshll.u32 v20, $0x3  }
0x88: {  	v13 =	vld.idx.msk [tilespmem:v13+s23+$0x0], $0xffff;
	v19 =	vor.u32 v22, v8;
	v14 =	vand.u32 $0xFFFFFC00, v14;
	v8 =	vor.u32 v11, v12  }
0x89: {  	v22 =	vsub.f32 v21, v23;
	v21 =	vadd.f32 v23, v21;
	v19 =	vor.u32 v11, v19  }
0x8a: {  	v20 =	vand.u32 $0x7F, v20;
	v12 =	vadd.s32 v12, v14;
	v23 =	vld.idx.msk [tilespmem:v15+s23+$0x0], $0xffff  }
0x8b: {  	v22 =	vmax.f32 v22, $0.0e+00;
	v21 =	vmax.f32 v21, $0.0e+00;
	v24 =	vsub.f32 v16, v9;
	v14 =	vld.idx.msk [tilespmem:v10+s22+$0x0], $0xffff  }
0x8c: {  	v9 =	vadd.f32 v9, v16;
	v25 =	vld.idx.msk [tilespmem:v10+s23+$0x0], $0xffff;
	v10 =	vor.u32 v20, v12;
	v12 =	vadd.f32 v21, v22  }
0x8d: {  	v16 =	vsub.f32 v21, v22;
	v20 =	vld.idx.msk [tilespmem:v18+s22+$0x0], $0xffff  }
0x8e: {  	v22 =	vmax.f32 v24, $0.0e+00;
	v9 =	vmax.f32 v9, $0.0e+00;
	v24 =	vsub.f32 v17, v13;
	v21 =	vld.idx.msk [tilespmem:v19+s22+$0x0], $0xffff  }
0x8f: {  	v26 =	vmul.f32 $5.000000000e-01, v12;
	v12 =	vadd.f32 v9, v22;
	v22 =	vsub.f32 v9, v22;
	v19 =	vld.idx.msk [tilespmem:v19+s23+$0x0], $0xffff  }
0x90: {  	v27 =	vor.u32 v11, v10;
	v16 =	vmul.f32 $5.000000000e-01, v16;
	v10 =	vadd.f32 v13, v17;
	v15 =	vld.idx.msk [tilespmem:v15+s22+$0x0], $0xffff  }
0x91: {  	v9 =	vor.u32 v5, v8;
	v28 =	vmul.f32 $5.000000000e-01, v12;
	v17 =	vld.idx.msk [tilespmem:v18+s23+$0x0], $0xffff;
	v18 =	vor.u32 v0, v8  }
0x92: {  	v13 =	vmax.f32 v10, $0.0e+00;
	v22 =	vmul.f32 $5.000000000e-01, v22;
	v12 =	vmax.f32 v24, $0.0e+00  }
0x93: {  	v11 =	vor.u32 v3, v8;
	v10 =	vor.u32 v4, v8;
	v24 =	vadd.f32 v13, v12  }
0x94: {  	v29 =	vor.u32 v1, v8;
	v30 =	vor.u32 v2, v8;
	v31 =	vsub.f32 v13, v12  }
0x95: {  	v24 =	vmul.f32 $5.000000000e-01, v24;
	v32 =	vsub.f32 v21, v19;
	v21 =	vadd.f32 v19, v21;
	v12 =	vld.idx.msk [tilespmem:v27+s23+$0x0], $0xffff  }
0x96: {  	v19 =	vmul.f32 $5.000000000e-01, v31;
	v13 =	vld.idx.msk [tilespmem:v27+s22+$0x0], $0xffff;
	v27 =	vsub.f32 v15, v23;
	v15 =	vadd.f32 v23, v15  }
0x97: {  	v23 =	vsub.f32 v14, v25;
	v25 =	vadd.f32 v25, v14;
	v14 =	vmax.f32 v32, $0.0e+00;
	[tilespmem:v18+s22+$0x0] =	vst.idx.msk $0xffff, v26  }
0x98: {  	[tilespmem:v18+s23+$0x0] =	vst.idx.msk $0xffff, v16;
	v18 =	vmax.f32 v27, $0.0e+00;
	v26 =	vmax.f32 v15, $0.0e+00;
	v15 =	vsub.f32 v20, v17  }
.Ltmp2:
0x99: {  	v16 =	vmax.f32 v23, $0.0e+00;
	v23 =	vmax.f32 v25, $0.0e+00;
	[tilespmem:v29+s22+$0x0] =	vst.idx.msk $0xffff, v28;
	v27 =	vadd.f32 v26, v18;
	(pc) =	sbr.rel @p0 .LBB2_3-.Ltmp2, $4  }
0x9a: {  	[tilespmem:v29+s23+$0x0] =	vst.idx.msk $0xffff, v22;
	v22 =	vadd.f32 v23, v16;
	v16 =	vsub.f32 v23, v16;
	v15 =	vmax.f32 v15, $0.0e+00  }
0x9b: {  	v18 =	vsub.f32 v26, v18;
	[tilespmem:v30+s22+$0x0] =	vst.idx.msk $0xffff, v24;
	v23 =	vmul.f32 $5.000000000e-01, v27;
	v24 =	vadd.f32 v17, v20  }
0x9c: {  	v20 =	vmax.f32 v21, $0.0e+00;
	v17 =	vsub.f32 v13, v12;
	[tilespmem:v30+s23+$0x0] =	vst.idx.msk $0xffff, v19;
	v19 =	vmul.f32 $5.000000000e-01, v22  }
0x9d: {  	v22 =	vmul.f32 $5.000000000e-01, v18;
	v18 =	vadd.f32 v20, v14;
	[tilespmem:v11+s22+$0x0] =	vst.idx.msk $0xffff, v23;
	v21 =	vmax.f32 v24, $0.0e+00  }
0x9e: {  	_ =	sdelay $0x2  }
0x9f: {  	v23 =	vadd.f32 v21, v15;
	v24 =	vor.u32 v6, v8  }
0xa0: {  	v15 =	vsub.f32 v21, v15;
	v12 =	vadd.f32 v12, v13;
	[tilespmem:v11+s23+$0x0] =	vst.idx.msk $0xffff, v22;
	v11 =	vmul.f32 $5.000000000e-01, v16  }
0xa1: {  	v13 =	vsub.f32 v20, v14;
	v8 =	vor.u32 v7, v8;
	[tilespmem:v10+s22+$0x0] =	vst.idx.msk $0xffff, v19;
	v14 =	vmul.f32 $5.000000000e-01, v23  }
0xa2: {  	v12 =	vmax.f32 v12, $0.0e+00;
	[tilespmem:v10+s23+$0x0] =	vst.idx.msk $0xffff, v11;
	v10 =	vmul.f32 $5.000000000e-01, v15;
	v11 =	vmax.f32 v17, $0.0e+00  }
0xa3: {  	[tilespmem:v9+s22+$0x0] =	vst.idx.msk $0xffff, v14;
	v14 =	vmul.f32 $5.000000000e-01, v18;
	v15 =	vadd.f32 v12, v11  }
0xa4: {  	s3 =	smul.u32 $0x30, s0;
	v11 =	vsub.f32 v12, v11;
	[tilespmem:v9+s23+$0x0] =	vst.idx.msk $0xffff, v10;
	v9 =	vmul.f32 $5.000000000e-01, v13  }
0xa5: {  	[tilespmem:v24+s22+$0x0] =	vst.idx.msk $0xffff, v14;
	v10 =	vmul.f32 $5.000000000e-01, v15  }
0xa6: {  	s8 =	sadd.s32 s7, s3;
	[tilespmem:v24+s23+$0x0] =	vst.idx.msk $0xffff, v9;
	v9 =	vmul.f32 $5.000000000e-01, v11  }
0xa7: {  	s4 =	sadd.s32 $0xFFFFFFFF, s4;
	s8 =	sshll.u32 s8, $0x7;
	[tilespmem:v8+s22+$0x0] =	vst.idx.msk $0xffff, v10  }
0xa8: {  	p0 =	sgt.u32 s4, $0x1C;
	s9 =	sadd.s32 s5, s8;
	[tilespmem:v8+s23+$0x0] =	vst.idx.msk $0xffff, v9  }
0xa9: {  	[hbm4b:s9+s6] =	stream.linear.scatter [tilespmem:s22], [sflag:$0x2], $0x4000, $0x38;
	[tilespmem:$0x18080] =	vst v63  }
0xaa: {  	s4 =	simm.s32 @!p0 $0x2;
	s8 =	sadd.s32 s8, s15  }
0xab: {  	[hbm4b:s8+s6] =	stream.linear.scatter [tilespmem:s23], [sflag:$0x2], $0x4000, $0x38;
	[tilespmem:$0x18080] =	vst v63  }
0xac: {  	_ =	swait.ge @!p0 [sflag:s4], $0x4000  }
0xad: {  	[sflag:s4] =	ssyncset.done @!p0 $0x0  }
0xae: {  	[sflag:s4] =	ssyncadd.s32 @!p0 $0xFFFFC000  }
0xaf: {  	_ =	swait.ge @!p0 [sflag:s4], $0x4000  }
0xb0: {  	s8 =	sadd.s32 @!p0 s3, s16;
	[sflag:s4] =	ssyncset.done @!p0 $0x0  }
0xb1: {  	[sflag:s4] =	ssyncadd.s32 @!p0 $0xFFFFC000;
	s4 =	sshll.u32 @!p0 s8, $0x7  }
0xb2: {  	s10 =	simm.s32 @!p0 $0x8080;
	s9 =	simm.s32 @!p0 $0x0;
	s8 =	sadd.s32 @!p0 s1, s4  }
0xb3: {  	[tilespmem:s10], [sflag:$0x1] =	stream.linear.gather @!p0 [hbm4b:s8+s9], $0x4000, $0x38;
	[tilespmem:$0x18080] =	vst v63  }
0xb4: {  	s4 =	sadd.s32 @!p0 s2, s4;
	s8 =	simm.s32 @!p0 $0x14080  }
0xb5: {  	[tilespmem:s8], [sflag:$0x1] =	stream.linear.gather @!p0 [hbm4b:s4+s9], $0x4000, $0x38;
	[tilespmem:$0x18080] =	vst v63  }
0xb6: {  	_ =	swait.ge [sflag:s29], $0x4000  }
0xb7: {  	[sflag:s29] =	ssyncset.done $0x0  }
0xb8: {  	[sflag:s29] =	ssyncadd.s32 $0xFFFFC000  }
0xb9: {  	_ =	swait.ge [sflag:s29], $0x4000  }
0xba: {  	[sflag:s29] =	ssyncset.done $0x0  }
0xbb: {  	[sflag:s29] =	ssyncadd.s32 $0xFFFFC000  }
0xbc: {  	v8 =	vld [tilespmem:$0x0];
	_ =	sdelay $0x1  }
0xbd: {  	v9 =	vld [tilespmem:$0x10]  }
0xbe: {  	s10 =	simm.s32 $0x0  }
0xbf: {  	v11 =	vmov s10  }
0xc0: {  	v12 =	vshll.u32 v11, $0xA;
	v14 =	vld [tilespmem:$0x20];
	v13 =	vshll.u32 v8, $0x3  }
0xc1: {  	v11 =	vshll.u32 v11, $0x7;
	v12 =	vand.u32 $0x2000, v12;
	v10 =	vld [tilespmem:$0x40];
	v13 =	vand.u32 $0xFFFFFC00, v13  }
0xc2: {  	v8 =	vand.u32 $0x7F, v8;
	v15 =	vshll.u32 v9, $0x3;
	v13 =	vadd.s32 v12, v13  }
0xc3: {  	v11 =	vand.u32 $0x380, v11;
	v8 =	vor.u32 v8, v13;
	v13 =	vand.u32 $0xFFFFFC00, v15;
	v15 =	vld [tilespmem:$0x30]  }
0xc4: {  	v16 =	vld [tilespmem:$0x50];
	v9 =	vand.u32 $0x7F, v9;
	v8 =	vor.u32 v11, v8;
	v13 =	vadd.s32 v12, v13  }
0xc5: {  	v9 =	vor.u32 v9, v13;
	v13 =	vshll.u32 v14, $0x3  }
0xc6: {  	v17 =	vand.u32 $0x7F, v10;
	v10 =	vshll.u32 v10, $0x3;
	v13 =	vand.u32 $0xFFFFFC00, v13  }
0xc7: {  	v18 =	vld [tilespmem:$0x60];
	v14 =	vand.u32 $0x7F, v14;
	v9 =	vor.u32 v11, v9;
	v13 =	vadd.s32 v12, v13  }
0xc8: {  	v20 =	vld [tilespmem:$0x70];
	v10 =	vand.u32 $0xFFFFFC00, v10;
	v13 =	vor.u32 v14, v13;
	v14 =	vshll.u32 v15, $0x3  }
0xc9: {  	v19 =	vand.u32 $0x7F, v16;
	v10 =	vadd.s32 v12, v10;
	v21 =	vld.idx.msk [tilespmem:v8+s24+$0x0], $0xffff;
	v14 =	vand.u32 $0xFFFFFC00, v14  }
0xca: {  	v23 =	vld.idx.msk [tilespmem:v8+s25+$0x0], $0xffff;
	v8 =	vand.u32 $0x7F, v15;
	v15 =	vshll.u32 v16, $0x3;
	v14 =	vadd.s32 v12, v14  }
0xcb: {  	v13 =	vor.u32 v11, v13;
	v8 =	vor.u32 v8, v14;
	v14 =	vand.u32 $0xFFFFFC00, v15  }
0xcc: {  	v10 =	vor.u32 v17, v10;
	v15 =	vld.idx.msk [tilespmem:v9+s24+$0x0], $0xffff;
	v16 =	vor.u32 v11, v8;
	v8 =	vadd.s32 v12, v14  }
0xcd: {  	v10 =	vor.u32 v11, v10;
	v9 =	vld.idx.msk [tilespmem:v9+s25+$0x0], $0xffff;
	v14 =	vshll.u32 v18, $0x3;
	v8 =	vor.u32 v19, v8  }
0xce: {  	v22 =	vand.u32 $0x7F, v18;
	v14 =	vand.u32 $0xFFFFFC00, v14;
	v18 =	vor.u32 v11, v8  }
0xcf: {  	v8 =	vadd.s32 v12, v14;
	v14 =	vshll.u32 v20, $0x3;
	v20 =	vand.u32 $0x7F, v20  }
0xd0: {  	v17 =	vld.idx.msk [tilespmem:v13+s24+$0x0], $0xffff;
	v19 =	vor.u32 v22, v8;
	v14 =	vand.u32 $0xFFFFFC00, v14;
	v22 =	vsub.f32 v21, v23  }
0xd1: {  	v13 =	vld.idx.msk [tilespmem:v13+s25+$0x0], $0xffff;
	v8 =	vor.u32 v11, v12;
	v21 =	vadd.f32 v23, v21;
	v19 =	vor.u32 v11, v19  }
0xd2: {  	v12 =	vadd.s32 v12, v14;
	v23 =	vsub.f32 v15, v9;
	v9 =	vadd.f32 v9, v15;
	v15 =	vld.idx.msk [tilespmem:v10+s24+$0x0], $0xffff  }
0xd3: {  	v29 =	vor.u32 v1, v8;
	v14 =	vmax.f32 v22, $0.0e+00;
	v22 =	vld.idx.msk [tilespmem:v16+s25+$0x0], $0xffff;
	v21 =	vmax.f32 v21, $0.0e+00  }
0xd4: {  	v12 =	vor.u32 v20, v12;
	v20 =	vadd.f32 v21, v14;
	v14 =	vsub.f32 v21, v14;
	v21 =	vld.idx.msk [tilespmem:v10+s25+$0x0], $0xffff  }
0xd5: {  	v30 =	vor.u32 v2, v8;
	v10 =	vmax.f32 v23, $0.0e+00;
	v9 =	vmax.f32 v9, $0.0e+00;
	v61 =	vld.idx.msk [tilespmem:v18+s24+$0x0], $0xffff  }
0xd6: {  	v26 =	vor.u32 v11, v12;
	v23 =	vsub.f32 v17, v13;
	v25 =	vadd.f32 v9, v10;
	v18 =	vld.idx.msk [tilespmem:v18+s25+$0x0], $0xffff  }
0xd7: {  	v10 =	vsub.f32 v9, v10;
	v11 =	vadd.f32 v13, v17;
	v27 =	vmul.f32 $5.000000000e-01, v14;
	v14 =	vld.idx.msk [tilespmem:v16+s24+$0x0], $0xffff  }
0xd8: {  	v9 =	vor.u32 v5, v8;
	v20 =	vmul.f32 $5.000000000e-01, v20;
	v16 =	vor.u32 v0, v8;
	v60 =	vld.idx.msk [tilespmem:v19+s24+$0x0], $0xffff  }
0xd9: {  	v19 =	vld.idx.msk [tilespmem:v19+s25+$0x0], $0xffff;
	v17 =	vmul.f32 $5.000000000e-01, v25;
	v12 =	vmax.f32 v23, $0.0e+00;
	v13 =	vmax.f32 v11, $0.0e+00  }
0xda: {  	v28 =	vmul.f32 $5.000000000e-01, v10;
	v23 =	vadd.f32 v13, v12;
	v31 =	vsub.f32 v13, v12  }
0xdb: {  	v11 =	vor.u32 v3, v8;
	v63 =	vsub.f32 v61, v18;
	v18 =	vadd.f32 v18, v61  }
0xdc: {  	v10 =	vor.u32 v4, v8;
	v12 =	vld.idx.msk [tilespmem:v26+s25+$0x0], $0xffff;
	v62 =	vsub.f32 v14, v22;
	v22 =	vadd.f32 v22, v14  }
0xdd: {  	v13 =	vld.idx.msk [tilespmem:v26+s24+$0x0], $0xffff;
	[tilespmem:v16+s24+$0x0] =	vst.idx.msk $0xffff, v20;
	v20 =	vsub.f32 v15, v21;
	v15 =	vadd.f32 v21, v15  }
0xde: {  	v23 =	vmul.f32 $5.000000000e-01, v23;
	v32 =	vsub.f32 v60, v19;
	v24 =	vadd.f32 v19, v60  }
0xdf: {  	v19 =	vmul.f32 $5.000000000e-01, v31;
	[tilespmem:v16+s25+$0x0] =	vst.idx.msk $0xffff, v27;
	v21 =	vmax.f32 v62, $0.0e+00;
	v22 =	vmax.f32 v22, $0.0e+00  }
0xe0: {  	[tilespmem:v29+s24+$0x0] =	vst.idx.msk $0xffff, v17;
	v16 =	vmax.f32 v20, $0.0e+00;
	v15 =	vmax.f32 v15, $0.0e+00;
	v17 =	vadd.f32 v22, v21  }
0xe1: {  	v14 =	vmax.f32 v32, $0.0e+00;
	[tilespmem:v29+s25+$0x0] =	vst.idx.msk $0xffff, v28;
	v20 =	vadd.f32 v15, v16;
	v16 =	vsub.f32 v15, v16  }
0xe2: {  	v15 =	vmax.f32 v63, $0.0e+00;
	v21 =	vsub.f32 v22, v21;
	[tilespmem:v30+s24+$0x0] =	vst.idx.msk $0xffff, v23;
	v23 =	vmul.f32 $5.000000000e-01, v17  }
0xe3: {  	[tilespmem:v30+s25+$0x0] =	vst.idx.msk $0xffff, v19;
	v19 =	vmul.f32 $5.000000000e-01, v20;
	v20 =	vmax.f32 v24, $0.0e+00;
	v17 =	vsub.f32 v13, v12  }
0xe4: {  	s4 =	simm.s32 $0x1;
	v22 =	vmul.f32 $5.000000000e-01, v21;
	v21 =	vmax.f32 v18, $0.0e+00;
	v18 =	vadd.f32 v20, v14;
	[tilespmem:v11+s24+$0x0] =	vst.idx.msk $0xffff, v23  }
.LBB2_5:
0xe5: {  	p0 =	sne.s32 s4, $0xF;
	v23 =	vadd.f32 v21, v15;
	v24 =	vor.u32 v6, v8;
	v14 =	vsub.f32 v20, v14;
	s8 =	smov.u32 s4;
	s4 =	sadd.s32 $0x1, s4  }
0xe6: {  	v15 =	vsub.f32 v21, v15;
	v12 =	vadd.f32 v12, v13;
	[tilespmem:v11+s25+$0x0] =	vst.idx.msk $0xffff, v22;
	v11 =	vmul.f32 $5.000000000e-01, v16  }
0xe7: {  	v8 =	vor.u32 v7, v8;
	[tilespmem:v10+s24+$0x0] =	vst.idx.msk $0xffff, v19;
	v13 =	vmul.f32 $5.000000000e-01, v23  }
0xe8: {  	v12 =	vmax.f32 v12, $0.0e+00;
	[tilespmem:v10+s25+$0x0] =	vst.idx.msk $0xffff, v11;
	v10 =	vmul.f32 $5.000000000e-01, v15;
	v11 =	vmax.f32 v17, $0.0e+00  }
0xe9: {  	[tilespmem:v9+s24+$0x0] =	vst.idx.msk $0xffff, v13;
	v13 =	vmul.f32 $5.000000000e-01, v18;
	v15 =	vadd.f32 v12, v11;
	v11 =	vsub.f32 v12, v11  }
0xea: {  	[tilespmem:v9+s25+$0x0] =	vst.idx.msk $0xffff, v10;
	v9 =	vmul.f32 $5.000000000e-01, v14  }
0xeb: {  	[tilespmem:v24+s24+$0x0] =	vst.idx.msk $0xffff, v13;
	v10 =	vmul.f32 $5.000000000e-01, v15  }
0xec: {  	[tilespmem:v24+s25+$0x0] =	vst.idx.msk $0xffff, v9;
	v9 =	vmul.f32 $5.000000000e-01, v11  }
0xed: {  	[tilespmem:v8+s24+$0x0] =	vst.idx.msk $0xffff, v10  }
0xee: {  	[tilespmem:v8+s25+$0x0] =	vst.idx.msk $0xffff, v9  }
0xef: {  	v8 =	vld [tilespmem:$0x0];
	_ =	sdelay $0x1  }
0xf0: {  	v9 =	vld [tilespmem:$0x10]  }
0xf1: {  	v10 =	vld [tilespmem:$0x40]  }
0xf2: {  	v11 =	vmov s8  }
0xf3: {  	v12 =	vshll.u32 v11, $0xA;
	v11 =	vshll.u32 v11, $0x7;
	v13 =	vshll.u32 v8, $0x3;
	v14 =	vld [tilespmem:$0x20]  }
0xf4: {  	v12 =	vand.u32 $0x2000, v12;
	v11 =	vand.u32 $0x380, v11;
	v13 =	vand.u32 $0xFFFFFC00, v13  }
0xf5: {  	v8 =	vand.u32 $0x7F, v8;
	v13 =	vadd.s32 v12, v13;
	v15 =	vshll.u32 v9, $0x3;
	v16 =	vld [tilespmem:$0x50]  }
0xf6: {  	v8 =	vor.u32 v8, v13;
	v13 =	vand.u32 $0xFFFFFC00, v15;
	v15 =	vld [tilespmem:$0x30];
	v17 =	vand.u32 $0x7F, v10  }
0xf7: {  	v9 =	vand.u32 $0x7F, v9;
	v8 =	vor.u32 v11, v8;
	v13 =	vadd.s32 v12, v13;
	v18 =	vld [tilespmem:$0x60]  }
0xf8: {  	v10 =	vshll.u32 v10, $0x3;
	v9 =	vor.u32 v9, v13;
	v13 =	vshll.u32 v14, $0x3  }
0xf9: {  	v10 =	vand.u32 $0xFFFFFC00, v10;
	v9 =	vor.u32 v11, v9;
	v13 =	vand.u32 $0xFFFFFC00, v13  }
0xfa: {  	v14 =	vand.u32 $0x7F, v14;
	v13 =	vadd.s32 v12, v13;
	v19 =	vand.u32 $0x7F, v16  }
0xfb: {  	v10 =	vadd.s32 v12, v10;
	v13 =	vor.u32 v14, v13;
	v14 =	vshll.u32 v15, $0x3;
	v20 =	vld [tilespmem:$0x70]  }
0xfc: {  	v21 =	vld.idx.msk [tilespmem:v8+s24+$0x0], $0xffff;
	v13 =	vor.u32 v11, v13;
	v14 =	vand.u32 $0xFFFFFC00, v14;
	v22 =	vand.u32 $0x7F, v18  }
0xfd: {  	v23 =	vld.idx.msk [tilespmem:v8+s25+$0x0], $0xffff;
	v8 =	vand.u32 $0x7F, v15;
	v14 =	vadd.s32 v12, v14;
	v15 =	vshll.u32 v16, $0x3  }
0xfe: {  	v10 =	vor.u32 v17, v10;
	v16 =	vld.idx.msk [tilespmem:v9+s24+$0x0], $0xffff;
	v8 =	vor.u32 v8, v14;
	v14 =	vand.u32 $0xFFFFFC00, v15  }
0xff: {  	v9 =	vld.idx.msk [tilespmem:v9+s25+$0x0], $0xffff;
	v15 =	vor.u32 v11, v8;
	v8 =	vadd.s32 v12, v14;
	v14 =	vshll.u32 v18, $0x3  }
0x100: {  	v10 =	vor.u32 v11, v10;
	v8 =	vor.u32 v19, v8;
	v14 =	vand.u32 $0xFFFFFC00, v14  }
0x101: {  	v17 =	vld.idx.msk [tilespmem:v13+s24+$0x0], $0xffff;
	v18 =	vor.u32 v11, v8;
	v8 =	vadd.s32 v12, v14;
	v14 =	vshll.u32 v20, $0x3  }
0x102: {  	v13 =	vld.idx.msk [tilespmem:v13+s25+$0x0], $0xffff;
	v19 =	vor.u32 v22, v8;
	v14 =	vand.u32 $0xFFFFFC00, v14;
	v8 =	vor.u32 v11, v12  }
0x103: {  	v22 =	vsub.f32 v21, v23;
	v21 =	vadd.f32 v23, v21;
	v19 =	vor.u32 v11, v19  }
0x104: {  	v20 =	vand.u32 $0x7F, v20;
	v12 =	vadd.s32 v12, v14;
	v23 =	vld.idx.msk [tilespmem:v15+s25+$0x0], $0xffff  }
0x105: {  	v22 =	vmax.f32 v22, $0.0e+00;
	v21 =	vmax.f32 v21, $0.0e+00;
	v24 =	vsub.f32 v16, v9;
	v14 =	vld.idx.msk [tilespmem:v10+s24+$0x0], $0xffff  }
0x106: {  	v9 =	vadd.f32 v9, v16;
	v25 =	vld.idx.msk [tilespmem:v10+s25+$0x0], $0xffff;
	v10 =	vor.u32 v20, v12;
	v12 =	vadd.f32 v21, v22  }
0x107: {  	v16 =	vsub.f32 v21, v22;
	v20 =	vld.idx.msk [tilespmem:v18+s24+$0x0], $0xffff  }
0x108: {  	v22 =	vmax.f32 v24, $0.0e+00;
	v9 =	vmax.f32 v9, $0.0e+00;
	v24 =	vsub.f32 v17, v13;
	v21 =	vld.idx.msk [tilespmem:v19+s24+$0x0], $0xffff  }
0x109: {  	v26 =	vmul.f32 $5.000000000e-01, v12;
	v12 =	vadd.f32 v9, v22;
	v22 =	vsub.f32 v9, v22;
	v19 =	vld.idx.msk [tilespmem:v19+s25+$0x0], $0xffff  }
0x10a: {  	v27 =	vor.u32 v11, v10;
	v16 =	vmul.f32 $5.000000000e-01, v16;
	v10 =	vadd.f32 v13, v17;
	v15 =	vld.idx.msk [tilespmem:v15+s24+$0x0], $0xffff  }
0x10b: {  	v9 =	vor.u32 v5, v8;
	v28 =	vmul.f32 $5.000000000e-01, v12;
	v17 =	vld.idx.msk [tilespmem:v18+s25+$0x0], $0xffff;
	v18 =	vor.u32 v0, v8  }
0x10c: {  	v13 =	vmax.f32 v10, $0.0e+00;
	v22 =	vmul.f32 $5.000000000e-01, v22;
	v12 =	vmax.f32 v24, $0.0e+00  }
0x10d: {  	v11 =	vor.u32 v3, v8;
	v10 =	vor.u32 v4, v8;
	v24 =	vadd.f32 v13, v12  }
0x10e: {  	v29 =	vor.u32 v1, v8;
	v30 =	vor.u32 v2, v8;
	v31 =	vsub.f32 v13, v12  }
0x10f: {  	v24 =	vmul.f32 $5.000000000e-01, v24;
	v32 =	vsub.f32 v21, v19;
	v21 =	vadd.f32 v19, v21;
	v12 =	vld.idx.msk [tilespmem:v27+s25+$0x0], $0xffff  }
0x110: {  	v19 =	vmul.f32 $5.000000000e-01, v31;
	v13 =	vld.idx.msk [tilespmem:v27+s24+$0x0], $0xffff;
	v27 =	vsub.f32 v15, v23;
	v15 =	vadd.f32 v23, v15  }
0x111: {  	v23 =	vsub.f32 v14, v25;
	v25 =	vadd.f32 v25, v14;
	v14 =	vmax.f32 v32, $0.0e+00;
	[tilespmem:v18+s24+$0x0] =	vst.idx.msk $0xffff, v26  }
0x112: {  	[tilespmem:v18+s25+$0x0] =	vst.idx.msk $0xffff, v16;
	v18 =	vmax.f32 v27, $0.0e+00;
	v26 =	vmax.f32 v15, $0.0e+00;
	v15 =	vsub.f32 v20, v17  }
.Ltmp3:
0x113: {  	v16 =	vmax.f32 v23, $0.0e+00;
	v23 =	vmax.f32 v25, $0.0e+00;
	[tilespmem:v29+s24+$0x0] =	vst.idx.msk $0xffff, v28;
	v27 =	vadd.f32 v26, v18;
	(pc) =	sbr.rel @p0 .LBB2_5-.Ltmp3, $4  }
0x114: {  	[tilespmem:v29+s25+$0x0] =	vst.idx.msk $0xffff, v22;
	v22 =	vadd.f32 v23, v16;
	v16 =	vsub.f32 v23, v16;
	v15 =	vmax.f32 v15, $0.0e+00  }
0x115: {  	v18 =	vsub.f32 v26, v18;
	[tilespmem:v30+s24+$0x0] =	vst.idx.msk $0xffff, v24;
	v23 =	vmul.f32 $5.000000000e-01, v27;
	v24 =	vadd.f32 v17, v20  }
0x116: {  	v20 =	vmax.f32 v21, $0.0e+00;
	v17 =	vsub.f32 v13, v12;
	[tilespmem:v30+s25+$0x0] =	vst.idx.msk $0xffff, v19;
	v19 =	vmul.f32 $5.000000000e-01, v22  }
0x117: {  	v22 =	vmul.f32 $5.000000000e-01, v18;
	v18 =	vadd.f32 v20, v14;
	[tilespmem:v11+s24+$0x0] =	vst.idx.msk $0xffff, v23;
	v21 =	vmax.f32 v24, $0.0e+00  }
0x118: {  	_ =	sdelay $0x2  }
0x119: {  	v23 =	vadd.f32 v21, v15;
	v24 =	vor.u32 v6, v8  }
0x11a: {  	v53 =	vmul.f32 $5.000000000e-01, v16;
	v54 =	vsub.f32 v21, v15;
	v12 =	vadd.f32 v12, v13;
	[tilespmem:v11+s25+$0x0] =	vst.idx.msk $0xffff, v22  }
0x11b: {  	v55 =	vsub.f32 v20, v14;
	v8 =	vor.u32 v7, v8;
	[tilespmem:v10+s24+$0x0] =	vst.idx.msk $0xffff, v19;
	v56 =	vmul.f32 $5.000000000e-01, v23  }
0x11c: {  	v58 =	vmax.f32 v17, $0.0e+00;
	v57 =	vmul.f32 $5.000000000e-01, v54;
	v12 =	vmax.f32 v12, $0.0e+00;
	[tilespmem:v10+s25+$0x0] =	vst.idx.msk $0xffff, v53  }
0x11d: {  	v59 =	vmul.f32 $5.000000000e-01, v18;
	v60 =	vadd.f32 v12, v58;
	[tilespmem:v9+s24+$0x0] =	vst.idx.msk $0xffff, v56  }
0x11e: {  	s4 =	smul.u32 $0xC000, s0;
	v61 =	vmul.f32 $5.000000000e-01, v55;
	v11 =	vsub.f32 v12, v58;
	[tilespmem:v9+s25+$0x0] =	vst.idx.msk $0xffff, v57  }
0x11f: {  	v62 =	vmul.f32 $5.000000000e-01, v60;
	[tilespmem:v24+s24+$0x0] =	vst.idx.msk $0xffff, v59  }
0x120: {  	s8 =	sadd.s32 s17, s4;
	v63 =	vmul.f32 $5.000000000e-01, v11;
	[tilespmem:v24+s25+$0x0] =	vst.idx.msk $0xffff, v61  }
0x121: {  	s8 =	sshrl.u32 s8, $0x3;
	[tilespmem:v8+s24+$0x0] =	vst.idx.msk $0xffff, v62  }
0x122: {  	s9 =	sadd.s32 s5, s8;
	[tilespmem:v8+s25+$0x0] =	vst.idx.msk $0xffff, v63  }
0x123: {  	[hbm4b:s9+s6] =	stream.linear.scatter [tilespmem:s24], [sflag:$0x2], $0x4000, $0x38;
	[tilespmem:$0x18080] =	vst v63  }
0x124: {  	s8 =	sadd.s32 s8, s15  }
0x125: {  	[hbm4b:s8+s6] =	stream.linear.scatter [tilespmem:s25], [sflag:$0x2], $0x4000, $0x38;
	[tilespmem:$0x18080] =	vst v63  }
0x126: {  	p0 =	seq.s32 s0, $0xA;
	_ =	swait.ge [sflag:s30], $0x4000  }
.Ltmp4:
0x127: {  	[sflag:s30] =	ssyncset.done $0x0;
	(pc) =	sbr.rel @p0 .LBB2_10-.Ltmp4, $4  }
0x128: {  	[sflag:s30] =	ssyncadd.s32 $0xFFFFC000  }
0x129: {  	_ =	swait.ge [sflag:s30], $0x4000  }
0x12a: {  	[sflag:s30] =	ssyncset.done $0x0  }
0x12b: {  	[sflag:s30] =	ssyncadd.s32 $0xFFFFC000  }
0x12c: {  	s3 =	sadd.s32 s3, s18  }
0x12d: {  	s3 =	sshll.u32 s3, $0x7  }
0x12e: {  	s9 =	simm.s32 $0x0;
	s8 =	sadd.s32 s1, s3  }
0x12f: {  	[tilespmem:s22], [sflag:$0x1] =	stream.linear.gather [hbm4b:s8+s9], $0x4000, $0x38;
	[tilespmem:$0x18080] =	vst v63  }
0x130: {  	s3 =	sadd.s32 s2, s3  }
0x131: {  	[tilespmem:s23], [sflag:$0x1] =	stream.linear.gather [hbm4b:s3+s9], $0x4000, $0x38;
	[tilespmem:$0x18080] =	vst v63  }
0x132: {  	_ =	swait.ge [sflag:s29], $0x4000  }
0x133: {  	[sflag:s29] =	ssyncset.done $0x0  }
0x134: {  	[sflag:s29] =	ssyncadd.s32 $0xFFFFC000  }
0x135: {  	_ =	swait.ge [sflag:s29], $0x4000  }
0x136: {  	[sflag:s29] =	ssyncset.done $0x0  }
0x137: {  	[sflag:s29] =	ssyncadd.s32 $0xFFFFC000  }
0x138: {  	v8 =	vld [tilespmem:$0x0];
	_ =	sdelay $0x1  }
0x139: {  	v9 =	vld [tilespmem:$0x10];
	_ =	sdelay $0x1  }
0x13a: {  	v11 =	vmov s9  }
0x13b: {  	v12 =	vshll.u32 v11, $0xA;
	v14 =	vld [tilespmem:$0x20];
	v13 =	vshll.u32 v8, $0x3  }
0x13c: {  	v11 =	vshll.u32 v11, $0x7;
	v12 =	vand.u32 $0x2000, v12;
	v10 =	vld [tilespmem:$0x40];
	v13 =	vand.u32 $0xFFFFFC00, v13  }
0x13d: {  	v8 =	vand.u32 $0x7F, v8;
	v15 =	vshll.u32 v9, $0x3;
	v13 =	vadd.s32 v12, v13  }
0x13e: {  	v11 =	vand.u32 $0x380, v11;
	v8 =	vor.u32 v8, v13;
	v13 =	vand.u32 $0xFFFFFC00, v15;
	v15 =	vld [tilespmem:$0x30]  }
0x13f: {  	v16 =	vld [tilespmem:$0x50];
	v9 =	vand.u32 $0x7F, v9;
	v8 =	vor.u32 v11, v8;
	v13 =	vadd.s32 v12, v13  }
0x140: {  	v9 =	vor.u32 v9, v13;
	v13 =	vshll.u32 v14, $0x3  }
0x141: {  	v17 =	vand.u32 $0x7F, v10;
	v10 =	vshll.u32 v10, $0x3;
	v13 =	vand.u32 $0xFFFFFC00, v13  }
0x142: {  	v18 =	vld [tilespmem:$0x60];
	v14 =	vand.u32 $0x7F, v14;
	v9 =	vor.u32 v11, v9;
	v13 =	vadd.s32 v12, v13  }
0x143: {  	v20 =	vld [tilespmem:$0x70];
	v10 =	vand.u32 $0xFFFFFC00, v10;
	v13 =	vor.u32 v14, v13;
	v14 =	vshll.u32 v15, $0x3  }
0x144: {  	v19 =	vand.u32 $0x7F, v16;
	v10 =	vadd.s32 v12, v10;
	v21 =	vld.idx.msk [tilespmem:v8+s26+$0x0], $0xffff;
	v14 =	vand.u32 $0xFFFFFC00, v14  }
0x145: {  	v23 =	vld.idx.msk [tilespmem:v8+s28+$0x0], $0xffff;
	v8 =	vand.u32 $0x7F, v15;
	v15 =	vshll.u32 v16, $0x3;
	v14 =	vadd.s32 v12, v14  }
0x146: {  	v13 =	vor.u32 v11, v13;
	v8 =	vor.u32 v8, v14;
	v14 =	vand.u32 $0xFFFFFC00, v15  }
0x147: {  	v10 =	vor.u32 v17, v10;
	v15 =	vld.idx.msk [tilespmem:v9+s26+$0x0], $0xffff;
	v16 =	vor.u32 v11, v8;
	v8 =	vadd.s32 v12, v14  }
0x148: {  	v10 =	vor.u32 v11, v10;
	v9 =	vld.idx.msk [tilespmem:v9+s28+$0x0], $0xffff;
	v14 =	vshll.u32 v18, $0x3;
	v8 =	vor.u32 v19, v8  }
0x149: {  	v22 =	vand.u32 $0x7F, v18;
	v14 =	vand.u32 $0xFFFFFC00, v14;
	v18 =	vor.u32 v11, v8  }
0x14a: {  	v8 =	vadd.s32 v12, v14;
	v14 =	vshll.u32 v20, $0x3;
	v20 =	vand.u32 $0x7F, v20  }
0x14b: {  	v17 =	vld.idx.msk [tilespmem:v13+s26+$0x0], $0xffff;
	v19 =	vor.u32 v22, v8;
	v14 =	vand.u32 $0xFFFFFC00, v14;
	v22 =	vsub.f32 v21, v23  }
0x14c: {  	v13 =	vld.idx.msk [tilespmem:v13+s28+$0x0], $0xffff;
	v8 =	vor.u32 v11, v12;
	v21 =	vadd.f32 v23, v21;
	v19 =	vor.u32 v11, v19  }
0x14d: {  	v12 =	vadd.s32 v12, v14;
	v23 =	vsub.f32 v15, v9;
	v9 =	vadd.f32 v9, v15;
	v15 =	vld.idx.msk [tilespmem:v10+s26+$0x0], $0xffff  }
0x14e: {  	v29 =	vor.u32 v1, v8;
	v14 =	vmax.f32 v22, $0.0e+00;
	v22 =	vld.idx.msk [tilespmem:v16+s28+$0x0], $0xffff;
	v21 =	vmax.f32 v21, $0.0e+00  }
0x14f: {  	v12 =	vor.u32 v20, v12;
	v20 =	vadd.f32 v21, v14;
	v14 =	vsub.f32 v21, v14;
	v21 =	vld.idx.msk [tilespmem:v10+s28+$0x0], $0xffff  }
0x150: {  	v30 =	vor.u32 v2, v8;
	v10 =	vmax.f32 v23, $0.0e+00;
	v9 =	vmax.f32 v9, $0.0e+00;
	v61 =	vld.idx.msk [tilespmem:v18+s26+$0x0], $0xffff  }
0x151: {  	v26 =	vor.u32 v11, v12;
	v23 =	vsub.f32 v17, v13;
	v25 =	vadd.f32 v9, v10;
	v18 =	vld.idx.msk [tilespmem:v18+s28+$0x0], $0xffff  }
0x152: {  	v10 =	vsub.f32 v9, v10;
	v11 =	vadd.f32 v13, v17;
	v27 =	vmul.f32 $5.000000000e-01, v14;
	v14 =	vld.idx.msk [tilespmem:v16+s26+$0x0], $0xffff  }
0x153: {  	v9 =	vor.u32 v5, v8;
	v20 =	vmul.f32 $5.000000000e-01, v20;
	v16 =	vor.u32 v0, v8;
	v24 =	vld.idx.msk [tilespmem:v19+s26+$0x0], $0xffff  }
0x154: {  	v19 =	vld.idx.msk [tilespmem:v19+s28+$0x0], $0xffff;
	v17 =	vmul.f32 $5.000000000e-01, v25;
	v12 =	vmax.f32 v23, $0.0e+00;
	v13 =	vmax.f32 v11, $0.0e+00  }
0x155: {  	v28 =	vmul.f32 $5.000000000e-01, v10;
	v23 =	vadd.f32 v13, v12;
	v31 =	vsub.f32 v13, v12  }
0x156: {  	v11 =	vor.u32 v3, v8;
	v63 =	vsub.f32 v61, v18;
	v18 =	vadd.f32 v18, v61  }
0x157: {  	v10 =	vor.u32 v4, v8;
	v12 =	vld.idx.msk [tilespmem:v26+s28+$0x0], $0xffff;
	v62 =	vsub.f32 v14, v22;
	v22 =	vadd.f32 v22, v14  }
0x158: {  	v13 =	vld.idx.msk [tilespmem:v26+s26+$0x0], $0xffff;
	[tilespmem:v16+s26+$0x0] =	vst.idx.msk $0xffff, v20;
	v20 =	vsub.f32 v15, v21;
	v15 =	vadd.f32 v21, v15  }
0x159: {  	v23 =	vmul.f32 $5.000000000e-01, v23;
	v32 =	vsub.f32 v24, v19;
	v24 =	vadd.f32 v19, v24  }
0x15a: {  	v19 =	vmul.f32 $5.000000000e-01, v31;
	[tilespmem:v16+s28+$0x0] =	vst.idx.msk $0xffff, v27;
	v21 =	vmax.f32 v62, $0.0e+00;
	v22 =	vmax.f32 v22, $0.0e+00  }
0x15b: {  	[tilespmem:v29+s26+$0x0] =	vst.idx.msk $0xffff, v17;
	v16 =	vmax.f32 v20, $0.0e+00;
	v15 =	vmax.f32 v15, $0.0e+00;
	v17 =	vadd.f32 v22, v21  }
0x15c: {  	v14 =	vmax.f32 v32, $0.0e+00;
	[tilespmem:v29+s28+$0x0] =	vst.idx.msk $0xffff, v28;
	v20 =	vadd.f32 v15, v16;
	v16 =	vsub.f32 v15, v16  }
0x15d: {  	v15 =	vmax.f32 v63, $0.0e+00;
	v21 =	vsub.f32 v22, v21;
	[tilespmem:v30+s26+$0x0] =	vst.idx.msk $0xffff, v23;
	v23 =	vmul.f32 $5.000000000e-01, v17  }
0x15e: {  	[tilespmem:v30+s28+$0x0] =	vst.idx.msk $0xffff, v19;
	v19 =	vmul.f32 $5.000000000e-01, v20;
	v20 =	vmax.f32 v24, $0.0e+00;
	v17 =	vsub.f32 v13, v12  }
0x15f: {  	s3 =	simm.s32 $0x1;
	v22 =	vmul.f32 $5.000000000e-01, v21;
	v21 =	vmax.f32 v18, $0.0e+00;
	v18 =	vadd.f32 v20, v14;
	[tilespmem:v11+s26+$0x0] =	vst.idx.msk $0xffff, v23  }
.LBB2_8:
0x160: {  	p0 =	sne.s32 s3, $0xF;
	v23 =	vadd.f32 v21, v15;
	v24 =	vor.u32 v6, v8;
	v14 =	vsub.f32 v20, v14;
	s8 =	smov.u32 s3;
	s3 =	sadd.s32 $0x1, s3  }
0x161: {  	v15 =	vsub.f32 v21, v15;
	v12 =	vadd.f32 v12, v13;
	[tilespmem:v11+s28+$0x0] =	vst.idx.msk $0xffff, v22;
	v11 =	vmul.f32 $5.000000000e-01, v16  }
0x162: {  	v8 =	vor.u32 v7, v8;
	[tilespmem:v10+s26+$0x0] =	vst.idx.msk $0xffff, v19;
	v13 =	vmul.f32 $5.000000000e-01, v23  }
0x163: {  	v12 =	vmax.f32 v12, $0.0e+00;
	[tilespmem:v10+s28+$0x0] =	vst.idx.msk $0xffff, v11;
	v10 =	vmul.f32 $5.000000000e-01, v15;
	v11 =	vmax.f32 v17, $0.0e+00  }
0x164: {  	[tilespmem:v9+s26+$0x0] =	vst.idx.msk $0xffff, v13;
	v13 =	vmul.f32 $5.000000000e-01, v18;
	v15 =	vadd.f32 v12, v11;
	v11 =	vsub.f32 v12, v11  }
0x165: {  	[tilespmem:v9+s28+$0x0] =	vst.idx.msk $0xffff, v10;
	v9 =	vmul.f32 $5.000000000e-01, v14  }
0x166: {  	[tilespmem:v24+s26+$0x0] =	vst.idx.msk $0xffff, v13;
	v10 =	vmul.f32 $5.000000000e-01, v15  }
0x167: {  	[tilespmem:v24+s28+$0x0] =	vst.idx.msk $0xffff, v9;
	v9 =	vmul.f32 $5.000000000e-01, v11  }
0x168: {  	[tilespmem:v8+s26+$0x0] =	vst.idx.msk $0xffff, v10  }
0x169: {  	[tilespmem:v8+s28+$0x0] =	vst.idx.msk $0xffff, v9  }
0x16a: {  	v8 =	vld [tilespmem:$0x0];
	_ =	sdelay $0x1  }
0x16b: {  	v9 =	vld [tilespmem:$0x10]  }
0x16c: {  	v10 =	vld [tilespmem:$0x40]  }
0x16d: {  	v11 =	vmov s8  }
0x16e: {  	v12 =	vshll.u32 v11, $0xA;
	v11 =	vshll.u32 v11, $0x7;
	v13 =	vshll.u32 v8, $0x3;
	v14 =	vld [tilespmem:$0x20]  }
0x16f: {  	v12 =	vand.u32 $0x2000, v12;
	v11 =	vand.u32 $0x380, v11;
	v13 =	vand.u32 $0xFFFFFC00, v13  }
0x170: {  	v8 =	vand.u32 $0x7F, v8;
	v13 =	vadd.s32 v12, v13;
	v15 =	vshll.u32 v9, $0x3;
	v16 =	vld [tilespmem:$0x50]  }
0x171: {  	v8 =	vor.u32 v8, v13;
	v13 =	vand.u32 $0xFFFFFC00, v15;
	v15 =	vld [tilespmem:$0x30];
	v17 =	vand.u32 $0x7F, v10  }
0x172: {  	v9 =	vand.u32 $0x7F, v9;
	v8 =	vor.u32 v11, v8;
	v13 =	vadd.s32 v12, v13;
	v18 =	vld [tilespmem:$0x60]  }
0x173: {  	v10 =	vshll.u32 v10, $0x3;
	v9 =	vor.u32 v9, v13;
	v13 =	vshll.u32 v14, $0x3  }
0x174: {  	v10 =	vand.u32 $0xFFFFFC00, v10;
	v9 =	vor.u32 v11, v9;
	v13 =	vand.u32 $0xFFFFFC00, v13  }
0x175: {  	v14 =	vand.u32 $0x7F, v14;
	v13 =	vadd.s32 v12, v13;
	v19 =	vand.u32 $0x7F, v16  }
0x176: {  	v10 =	vadd.s32 v12, v10;
	v13 =	vor.u32 v14, v13;
	v14 =	vshll.u32 v15, $0x3;
	v20 =	vld [tilespmem:$0x70]  }
0x177: {  	v21 =	vld.idx.msk [tilespmem:v8+s26+$0x0], $0xffff;
	v13 =	vor.u32 v11, v13;
	v14 =	vand.u32 $0xFFFFFC00, v14;
	v22 =	vand.u32 $0x7F, v18  }
0x178: {  	v23 =	vld.idx.msk [tilespmem:v8+s28+$0x0], $0xffff;
	v8 =	vand.u32 $0x7F, v15;
	v14 =	vadd.s32 v12, v14;
	v15 =	vshll.u32 v16, $0x3  }
0x179: {  	v10 =	vor.u32 v17, v10;
	v16 =	vld.idx.msk [tilespmem:v9+s26+$0x0], $0xffff;
	v8 =	vor.u32 v8, v14;
	v14 =	vand.u32 $0xFFFFFC00, v15  }
0x17a: {  	v9 =	vld.idx.msk [tilespmem:v9+s28+$0x0], $0xffff;
	v15 =	vor.u32 v11, v8;
	v8 =	vadd.s32 v12, v14;
	v14 =	vshll.u32 v18, $0x3  }
0x17b: {  	v10 =	vor.u32 v11, v10;
	v8 =	vor.u32 v19, v8;
	v14 =	vand.u32 $0xFFFFFC00, v14  }
0x17c: {  	v17 =	vld.idx.msk [tilespmem:v13+s26+$0x0], $0xffff;
	v18 =	vor.u32 v11, v8;
	v8 =	vadd.s32 v12, v14;
	v14 =	vshll.u32 v20, $0x3  }
0x17d: {  	v13 =	vld.idx.msk [tilespmem:v13+s28+$0x0], $0xffff;
	v19 =	vor.u32 v22, v8;
	v14 =	vand.u32 $0xFFFFFC00, v14;
	v8 =	vor.u32 v11, v12  }
0x17e: {  	v22 =	vsub.f32 v21, v23;
	v21 =	vadd.f32 v23, v21;
	v19 =	vor.u32 v11, v19  }
0x17f: {  	v20 =	vand.u32 $0x7F, v20;
	v12 =	vadd.s32 v12, v14;
	v23 =	vld.idx.msk [tilespmem:v15+s28+$0x0], $0xffff  }
0x180: {  	v22 =	vmax.f32 v22, $0.0e+00;
	v21 =	vmax.f32 v21, $0.0e+00;
	v24 =	vsub.f32 v16, v9;
	v14 =	vld.idx.msk [tilespmem:v10+s26+$0x0], $0xffff  }
0x181: {  	v9 =	vadd.f32 v9, v16;
	v25 =	vld.idx.msk [tilespmem:v10+s28+$0x0], $0xffff;
	v10 =	vor.u32 v20, v12;
	v12 =	vadd.f32 v21, v22  }
0x182: {  	v16 =	vsub.f32 v21, v22;
	v20 =	vld.idx.msk [tilespmem:v18+s26+$0x0], $0xffff  }
0x183: {  	v22 =	vmax.f32 v24, $0.0e+00;
	v9 =	vmax.f32 v9, $0.0e+00;
	v24 =	vsub.f32 v17, v13;
	v21 =	vld.idx.msk [tilespmem:v19+s26+$0x0], $0xffff  }
0x184: {  	v26 =	vmul.f32 $5.000000000e-01, v12;
	v12 =	vadd.f32 v9, v22;
	v22 =	vsub.f32 v9, v22;
	v19 =	vld.idx.msk [tilespmem:v19+s28+$0x0], $0xffff  }
0x185: {  	v27 =	vor.u32 v11, v10;
	v16 =	vmul.f32 $5.000000000e-01, v16;
	v10 =	vadd.f32 v13, v17;
	v15 =	vld.idx.msk [tilespmem:v15+s26+$0x0], $0xffff  }
0x186: {  	v9 =	vor.u32 v5, v8;
	v28 =	vmul.f32 $5.000000000e-01, v12;
	v17 =	vld.idx.msk [tilespmem:v18+s28+$0x0], $0xffff;
	v18 =	vor.u32 v0, v8  }
0x187: {  	v13 =	vmax.f32 v10, $0.0e+00;
	v22 =	vmul.f32 $5.000000000e-01, v22;
	v12 =	vmax.f32 v24, $0.0e+00  }
0x188: {  	v11 =	vor.u32 v3, v8;
	v10 =	vor.u32 v4, v8;
	v24 =	vadd.f32 v13, v12  }
0x189: {  	v29 =	vor.u32 v1, v8;
	v30 =	vor.u32 v2, v8;
	v31 =	vsub.f32 v13, v12  }
0x18a: {  	v24 =	vmul.f32 $5.000000000e-01, v24;
	v32 =	vsub.f32 v21, v19;
	v21 =	vadd.f32 v19, v21;
	v12 =	vld.idx.msk [tilespmem:v27+s28+$0x0], $0xffff  }
0x18b: {  	v19 =	vmul.f32 $5.000000000e-01, v31;
	v13 =	vld.idx.msk [tilespmem:v27+s26+$0x0], $0xffff;
	v27 =	vsub.f32 v15, v23;
	v15 =	vadd.f32 v23, v15  }
0x18c: {  	v23 =	vsub.f32 v14, v25;
	v25 =	vadd.f32 v25, v14;
	v14 =	vmax.f32 v32, $0.0e+00;
	[tilespmem:v18+s26+$0x0] =	vst.idx.msk $0xffff, v26  }
0x18d: {  	[tilespmem:v18+s28+$0x0] =	vst.idx.msk $0xffff, v16;
	v18 =	vmax.f32 v27, $0.0e+00;
	v26 =	vmax.f32 v15, $0.0e+00;
	v15 =	vsub.f32 v20, v17  }
.Ltmp5:
0x18e: {  	v16 =	vmax.f32 v23, $0.0e+00;
	v23 =	vmax.f32 v25, $0.0e+00;
	[tilespmem:v29+s26+$0x0] =	vst.idx.msk $0xffff, v28;
	v27 =	vadd.f32 v26, v18;
	(pc) =	sbr.rel @p0 .LBB2_8-.Ltmp5, $4  }
0x18f: {  	[tilespmem:v29+s28+$0x0] =	vst.idx.msk $0xffff, v22;
	v22 =	vadd.f32 v23, v16;
	v16 =	vsub.f32 v23, v16;
	v15 =	vmax.f32 v15, $0.0e+00  }
0x190: {  	v18 =	vsub.f32 v26, v18;
	[tilespmem:v30+s26+$0x0] =	vst.idx.msk $0xffff, v24;
	v23 =	vmul.f32 $5.000000000e-01, v27;
	v24 =	vadd.f32 v17, v20  }
0x191: {  	v20 =	vmax.f32 v21, $0.0e+00;
	v17 =	vsub.f32 v13, v12;
	[tilespmem:v30+s28+$0x0] =	vst.idx.msk $0xffff, v19;
	v19 =	vmul.f32 $5.000000000e-01, v22  }
0x192: {  	v22 =	vmul.f32 $5.000000000e-01, v18;
	v18 =	vadd.f32 v20, v14;
	[tilespmem:v11+s26+$0x0] =	vst.idx.msk $0xffff, v23;
	v21 =	vmax.f32 v24, $0.0e+00  }
0x193: {  	_ =	sdelay $0x2  }
0x194: {  	v23 =	vadd.f32 v21, v15;
	v24 =	vor.u32 v6, v8  }
0x195: {  	v53 =	vmul.f32 $5.000000000e-01, v16;
	v54 =	vsub.f32 v21, v15;
	v12 =	vadd.f32 v12, v13;
	[tilespmem:v11+s28+$0x0] =	vst.idx.msk $0xffff, v22  }
0x196: {  	v55 =	vsub.f32 v20, v14;
	v8 =	vor.u32 v7, v8;
	[tilespmem:v10+s26+$0x0] =	vst.idx.msk $0xffff, v19;
	v56 =	vmul.f32 $5.000000000e-01, v23  }
0x197: {  	v58 =	vmax.f32 v17, $0.0e+00;
	v57 =	vmul.f32 $5.000000000e-01, v54;
	v12 =	vmax.f32 v12, $0.0e+00;
	[tilespmem:v10+s28+$0x0] =	vst.idx.msk $0xffff, v53  }
0x198: {  	v59 =	vmul.f32 $5.000000000e-01, v18;
	v60 =	vadd.f32 v12, v58;
	[tilespmem:v9+s26+$0x0] =	vst.idx.msk $0xffff, v56  }
0x199: {  	v61 =	vmul.f32 $5.000000000e-01, v55;
	v11 =	vsub.f32 v12, v58;
	[tilespmem:v9+s28+$0x0] =	vst.idx.msk $0xffff, v57  }
0x19a: {  	v62 =	vmul.f32 $5.000000000e-01, v60;
	[tilespmem:v24+s26+$0x0] =	vst.idx.msk $0xffff, v59  }
0x19b: {  	s3 =	sadd.s32 s19, s4;
	v63 =	vmul.f32 $5.000000000e-01, v11;
	[tilespmem:v24+s28+$0x0] =	vst.idx.msk $0xffff, v61  }
.Ltmp6:
0x19c: {  	s3 =	sshrl.u32 s3, $0x3;
	[tilespmem:v8+s26+$0x0] =	vst.idx.msk $0xffff, v62;
	(pc) =	sbr.rel .LBB2_2-.Ltmp6, $4  }
0x19d: {  	s10 =	sadd.s32 s5, s3;
	[tilespmem:v8+s28+$0x0] =	vst.idx.msk $0xffff, v63  }
0x19e: {  	[hbm4b:s10+s6] =	stream.linear.scatter [tilespmem:s26], [sflag:$0x2], $0x4000, $0x38;
	[tilespmem:$0x18080] =	vst v63  }
0x19f: {  	s0 =	sadd.s32 $0x1, s0;
	s3 =	sadd.s32 s3, s15  }
0x1a0: {  	[hbm4b:s3+s6] =	stream.linear.scatter [tilespmem:s28], [sflag:$0x2], $0x4000, $0x38;
	[tilespmem:$0x18080] =	vst v63  }
.LBB2_11:
0x1a1: {  	_ =	sfence.sel $0x180000  }
0x1a2: {  	[bflag:$0x0] =	sbarrier.arrive $0xFFFF  }
0x1a3: {  	_ =	strace $0x90000047  }
0x1a4: {  	s0 =	stileid.u32;
	[bflag:$0x2] =	sbarrier.arrive $0xFFFF  }
0x1a5: {  	p0 =	sne.s32 s0, $0x0;
	s0 =	rddreg [dreg:$0x4]  }
0x1a6: {  	s0 =	sadd.s32 @!p0 $0x100000, s0  }
0x1a7: {  	[sflag:s0] =	ssyncadd.tile.s32 @!p0 $0x1;
	_ =	shalt  }
.Lfunc_end2:
_tile_overlayer_lowered:
.L_overlay_start_2:
0x1a8: {  	(tag) =	ssettag $0x2  }
0x1a9: {  	s0 =	rddreg [dreg:$0x0];
	s2 =	stileid.u32  }
0x1aa: {  	s1 =	rddreg [dreg:$0x1];
	p0 =	sne.s32 s2, $0x0  }
0x1ab: {  	s3 =	rddreg [dreg:$0x2];
	[bflag:$0x3] =	sbarrier.arrive $0xFFFF;
	s2 =	simm.s32 @!p0 $0x1C03  }
0x1ac: {  	[timem:s3], [sflag:s2] =	dma.local @!p0 [hbm:s0], s1  }
0x1ad: {  	s0 =	simm.s32 @!p0 $0x3  }
0x1ae: {  	_ =	swait.ge @!p0 [sflag:s0], s1  }
0x1af: {  	s1 =	ssub.s32 @!p0 $0x0, s1;
	[sflag:s0] =	ssyncset.done @!p0 $0x0  }
0x1b0: {  	[sflag:s0] =	ssyncadd.s32 @!p0 s1  }
0x1b1: {  	[bflag:$0x3] =	sbarrier.arrive $0xFFFF  }
0x1b2: {  	_ =	shalt  }

</sc_bundles>
